<compile_context>
chip_gen: v7x
topology: tpu7x:2x2x1
jax: 0.10.2.dev20260603
libtpu: 0.0.44.dev20260713+nightly
codegen_flags: <defaults>
</compile_context>

<pallas_src>
import functools

import numpy as np
import jax
import jax.numpy as jnp
from jax import lax
from jax.experimental import pallas as pl
from jax.experimental.pallas import tpu as pltpu
from jax.experimental.pallas import tpu_sc as plsc

N = 10000
E = 320000
D = 256
HD = 128
L = 4
P = 1024
NUM_LABELS = 2
ALPHA = 0.1
THETA = 0.5

NC = 2
NT = 16
CH = 128
NCH = 158
EPT = NCH * CH
PADE = NT * EPT - E
NROW = 10240
IPT = NROW // NT
GPT = 2 * P // (NC * NT)

RB = 1000

_sc_mesh = plsc.VectorSubcoreMesh(core_axis_name="c", subcore_axis_name="s")


@functools.partial(
    pl.kernel,
    out_type=(jax.ShapeDtypeStruct((NROW, HD), jnp.float32),
              jax.ShapeDtypeStruct((NROW, HD), jnp.float32)),
    mesh=_sc_mesh,
    scratch_types=[
        pltpu.VMEM((CH,), jnp.int32),
        pltpu.VMEM((CH,), jnp.int32),
        pltpu.VMEM((CH, HD), jnp.float32),
        pltpu.VMEM_SHARED((NROW, HD), jnp.float32),
        pltpu.SemaphoreType.DMA,
    ],
)
def _sc_segsum(h0, h1, zeros, srcidx, dstidx, out0, out1,
               vsrc, vdst, buf, agg, sem):
    c = lax.axis_index("c")
    s = lax.axis_index("s")
    pltpu.sync_copy(zeros.at[pl.ds(s * IPT, IPT)], agg.at[pl.ds(s * IPT, IPT)])
    plsc.subcore_barrier()

    def run(h):
        def body(j, carry):
            pltpu.sync_copy(srcidx.at[s, j], vsrc)
            pltpu.sync_copy(dstidx.at[s, j], vdst)
            pltpu.async_copy(h.at[vsrc], buf, sem).wait()
            pltpu.sync_copy(buf, agg.at[vdst], add=True)
            return carry
        lax.fori_loop(0, NCH, body, 0)

    @pl.when(c == 0)
    def _():
        run(h0)

    @pl.when(c == 1)
    def _():
        run(h1)

    plsc.subcore_barrier()

    @pl.when(c == 0)
    def _():
        pltpu.sync_copy(agg.at[pl.ds(s * IPT, IPT)], out0.at[pl.ds(s * IPT, IPT)])

    @pl.when(c == 1)
    def _():
        pltpu.sync_copy(agg.at[pl.ds(s * IPT, IPT)], out1.at[pl.ds(s * IPT, IPT)])


@functools.partial(
    pl.kernel,
    out_type=(jax.ShapeDtypeStruct((2 * P, HD), jnp.float32),
              jax.ShapeDtypeStruct((2 * P, HD), jnp.float32)),
    mesh=_sc_mesh,
    scratch_types=[
        pltpu.VMEM((GPT,), jnp.int32),
        pltpu.VMEM((GPT, HD), jnp.float32),
        pltpu.SemaphoreType.DMA,
    ],
)
def _sc_pairgather(h0, h1, idx, g0, g1, vidx, buf, sem):
    c = lax.axis_index("c")
    s = lax.axis_index("s")
    base = (s * NC + c) * GPT
    pltpu.sync_copy(idx.at[pl.ds(base, GPT)], vidx)
    pltpu.async_copy(h0.at[vidx], buf, sem).wait()
    pltpu.sync_copy(buf, g0.at[pl.ds(base, GPT)])
    pltpu.async_copy(h1.at[vidx], buf, sem).wait()
    pltpu.sync_copy(buf, g1.at[pl.ds(base, GPT)])


def _tc_init_body(x_ref, w_ref, b_ref, h0_ref, h1_ref):
    acc = jnp.dot(x_ref[...], w_ref[...], preferred_element_type=jnp.float32)
    acc = jnp.maximum(acc + b_ref[...], 0.0)
    h0_ref[...] = acc[:, :HD]
    h1_ref[...] = acc[:, HD:]


_tc_init = pl.pallas_call(
    _tc_init_body,
    grid=(N // RB,),
    in_specs=[pl.BlockSpec((RB, D), lambda i: (i, 0)),
              pl.BlockSpec((D, D), lambda i: (0, 0)),
              pl.BlockSpec((1, D), lambda i: (0, 0))],
    out_specs=[pl.BlockSpec((RB, HD), lambda i: (i, 0)),
               pl.BlockSpec((RB, HD), lambda i: (i, 0))],
    out_shape=[jax.ShapeDtypeStruct((N, HD), jnp.float32)] * 2,
)


def _tc_layer_body(beta, a0_ref, a1_ref, x0_ref, x1_ref, w_ref, h0_ref, h1_ref):
    s0 = (1.0 - ALPHA) * a0_ref[...] + ALPHA * x0_ref[...]
    s1 = (1.0 - ALPHA) * a1_ref[...] + ALPHA * x1_ref[...]
    acc = jnp.dot(s0, w_ref[:HD, :], preferred_element_type=jnp.float32)
    acc = acc + jnp.dot(s1, w_ref[HD:, :], preferred_element_type=jnp.float32)
    h0_ref[...] = jnp.maximum((1.0 - beta) * s0 + beta * acc[:, :HD], 0.0)
    h1_ref[...] = jnp.maximum((1.0 - beta) * s1 + beta * acc[:, HD:], 0.0)


def _make_tc_layer(beta):
    return pl.pallas_call(
        functools.partial(_tc_layer_body, beta),
        grid=(N // RB,),
        in_specs=[pl.BlockSpec((RB, HD), lambda i: (i, 0)),
                  pl.BlockSpec((RB, HD), lambda i: (i, 0)),
                  pl.BlockSpec((RB, HD), lambda i: (i, 0)),
                  pl.BlockSpec((RB, HD), lambda i: (i, 0)),
                  pl.BlockSpec((D, D), lambda i: (0, 0))],
        out_specs=[pl.BlockSpec((RB, HD), lambda i: (i, 0)),
                   pl.BlockSpec((RB, HD), lambda i: (i, 0))],
        out_shape=[jax.ShapeDtypeStruct((N, HD), jnp.float32)] * 2,
    )


_tc_layers = [_make_tc_layer(float(np.log(THETA / (l + 1) + 1.0)))
              for l in range(L)]


def _tc_pair_body(g0_ref, g1_ref, wd_ref, bd_ref, wo_ref, bo_ref,
                  lg_ref, pr_ref):
    e = jnp.dot(g0_ref[...], wd_ref[:HD, :], preferred_element_type=jnp.float32)
    e = e + jnp.dot(g1_ref[...], wd_ref[HD:, :], preferred_element_type=jnp.float32)
    e = jnp.tanh(e + bd_ref[...])
    s = e[:P, :]
    t = e[P:, :]
    lg = jnp.dot(s, wo_ref[:D, :], preferred_element_type=jnp.float32)
    lg = lg + jnp.dot(t, wo_ref[D:2 * D, :], preferred_element_type=jnp.float32)
    lg = lg + jnp.dot(jnp.abs(s - t), wo_ref[2 * D:3 * D, :],
                      preferred_element_type=jnp.float32)
    lg = lg + jnp.dot(s * t, wo_ref[3 * D:, :],
                      preferred_element_type=jnp.float32)
    lg = lg + bo_ref[...]
    m = jnp.max(lg, axis=1, keepdims=True)
    ex = jnp.exp(lg - m)
    pr_ref[...] = ex / jnp.sum(ex, axis=1, keepdims=True)
    lg_ref[...] = lg


_tc_pair = pl.pallas_call(
    _tc_pair_body,
    in_specs=[pl.BlockSpec((2 * P, HD), lambda: (0, 0)),
              pl.BlockSpec((2 * P, HD), lambda: (0, 0)),
              pl.BlockSpec((D, D), lambda: (0, 0)),
              pl.BlockSpec((1, D), lambda: (0, 0)),
              pl.BlockSpec((4 * D, NUM_LABELS), lambda: (0, 0)),
              pl.BlockSpec((1, NUM_LABELS), lambda: (0, 0))],
    out_specs=[pl.BlockSpec((P, NUM_LABELS), lambda: (0, 0)),
               pl.BlockSpec((P, NUM_LABELS), lambda: (0, 0))],
    out_shape=[jax.ShapeDtypeStruct((P, NUM_LABELS), jnp.float32)] * 2,
)


def kernel(feature_matrix, edge_index, pairs_src, pairs_tgt,
           W_lin, b_lin, conv_W, Wd, bd, Wo, bo):
    pad_src = jnp.arange(PADE, dtype=jnp.int32) % 1024
    pad_dst = N + (jnp.arange(PADE, dtype=jnp.int32) % 8)
    srcidx = jnp.concatenate([edge_index[0], pad_src]).reshape(NT, NCH, CH)
    dstidx = jnp.concatenate([edge_index[1], pad_dst]).reshape(NT, NCH, CH)
    zeros = jnp.zeros((NROW, HD), jnp.float32)

    h0, h1 = _tc_init(feature_matrix, W_lin, b_lin.reshape(1, D))
    x00, x01 = h0, h1
    for l in range(L):
        a0, a1 = _sc_segsum(h0, h1, zeros, srcidx, dstidx)
        h0, h1 = _tc_layers[l](a0, a1, x00, x01, conv_W[l])

    pidx = jnp.concatenate([pairs_src, pairs_tgt])
    g0, g1 = _sc_pairgather(h0, h1, pidx)
    logits_all, probs_all = _tc_pair(g0, g1, Wd, bd.reshape(1, D),
                                     Wo, bo.reshape(1, NUM_LABELS))
    return (logits_all[0:1], probs_all[:, 1], probs_all[:, 0], probs_all[:, 1])

# --- scband reference (transcript-rebuilt; emitter-appended) ---
"""Pipeline reference for scband-gcntwo-tower-32255204393117 (READ-ONLY COPY).

The authoritative reference and input builder live on the scoring server;
editing this copy changes nothing except your own understanding.
"""

import jax, jax.numpy as jnp
import numpy as np

N = 10000
E = 320000
D_IN = 256
D = 256
L = 4
P = 1024
ALPHA = 0.1
THETA = 0.5
NUM_LABELS = 2


def setup_inputs(seed: int = 0) -> dict:
    key = jax.random.key(seed)
    ks = jax.random.split(key, 12)
    feature_matrix = jax.random.normal(ks[0], (N, D_IN), dtype=jnp.float32)
    edge_index = jax.random.randint(ks[1], (2, E), 0, N, dtype=jnp.int32)
    pairs_src = jax.random.randint(ks[2], (P,), 0, N, dtype=jnp.int32)
    pairs_tgt = jax.random.randint(ks[3], (P,), 0, N, dtype=jnp.int32)
    W_lin = jax.random.normal(ks[4], (D_IN, D), dtype=jnp.float32) / np.sqrt(D_IN)
    b_lin = jnp.zeros((D,), dtype=jnp.float32)
    conv_W = jax.random.normal(ks[5], (L, D, D), dtype=jnp.float32) / np.sqrt(D)
    Wd = jax.random.normal(ks[6], (D, D), dtype=jnp.float32) / np.sqrt(D)
    bd = jnp.zeros((D,), dtype=jnp.float32)
    Wo = jax.random.normal(ks[7], (4 * D, NUM_LABELS), dtype=jnp.float32) / np.sqrt(4 * D)
    bo = jnp.zeros((NUM_LABELS,), dtype=jnp.float32)
    return {"feature_matrix": feature_matrix, "edge_index": edge_index,
            "pairs_src": pairs_src, "pairs_tgt": pairs_tgt,
            "W_lin": W_lin, "b_lin": b_lin, "conv_W": conv_W,
            "Wd": Wd, "bd": bd, "Wo": Wo, "bo": bo}


def _gcn_encoder(x, edge_index, W_lin, b_lin, conv_W):
    # dropout is identity in eval mode
    h = jax.nn.relu(x @ W_lin + b_lin)
    x0 = h
    src = edge_index[0]
    dst = edge_index[1]
    for l in range(L):
        # GCN2Conv (normalize=False, shared_weights=True)
        beta = float(np.log(THETA / (l + 1) + 1.0))
        agg = jax.ops.segment_sum(h[src], dst, num_segments=N)
        support = (1.0 - ALPHA) * agg + ALPHA * x0
        h = (1.0 - beta) * support + beta * (support @ conv_W[l])
        h = jax.nn.relu(h)
    return h


def reference(feature_matrix, edge_index, pairs_src, pairs_tgt,
              W_lin, b_lin, conv_W, Wd, bd, Wo, bo):
    node_emb = _gcn_encoder(feature_matrix, edge_index, W_lin, b_lin, conv_W)
    src_e = jnp.tanh(node_emb[pairs_src] @ Wd + bd)   # [P, D]
    tgt_e = jnp.tanh(node_emb[pairs_tgt] @ Wd + bd)   # [P, D]
    feats = jnp.concatenate([src_e, tgt_e, jnp.abs(src_e - tgt_e), src_e * tgt_e], axis=-1)
    logits_all = feats @ Wo + bo                      # [P, num_labels]
    probs_all = jax.nn.softmax(logits_all, axis=-1)
    # faithful to the original loop semantics: logits keeps only the first pair's logits;
    # probs / src_embeds / tgt_embeds are concatenations of prob columns across pairs
    logits = logits_all[0:1]
    probs = probs_all[:, 1]
    src_embeds = probs_all[:, 0]
    tgt_embeds = probs_all[:, 1]
    return (logits, probs, src_embeds, tgt_embeds)

if __name__ == "__main__":
    import jax
    _d = setup_inputs()
    print(jax.jit(kernel)(*tuple(_d.values())))

</pallas_src>

<mosaic_0001>
#map = affine_map<(d0, d1) -> (0, 0)>
#map1 = affine_map<(d0, d1) -> (0, 0, 0)>
module attributes {stable_mosaic.version = 14 : i64} {
  func.func @_sc_segsum(%arg0: i32, %arg1: i32, %arg2: memref<10000x128xf32, #tpu.memory_space<hbm>>, %arg3: memref<10000x128xf32, #tpu.memory_space<hbm>>, %arg4: memref<10240x128xf32, #tpu.memory_space<hbm>>, %arg5: memref<16x158x128xi32, #tpu.memory_space<hbm>>, %arg6: memref<16x158x128xi32, #tpu.memory_space<hbm>>, %arg7: memref<10240x128xf32, #tpu.memory_space<hbm>>, %arg8: memref<10240x128xf32, #tpu.memory_space<hbm>>, %arg9: memref<128xi32, #tpu.memory_space<vmem>>, %arg10: memref<128xi32, #tpu.memory_space<vmem>>, %arg11: memref<128x128xf32, #tpu.memory_space<vmem>>, %arg12: memref<10240x128xf32, #tpu.memory_space<vmem_shared>>, %arg13: memref<!tpu.dma_semaphore, #tpu.memory_space<semaphore_mem>>) attributes {dimension_semantics = [#tpu.dimension_semantics<core_parallel>, #tpu.dimension_semantics<subcore_parallel>], iteration_bounds = array<i64: 2, 16>, scalar_prefetch = 0 : i64, scratch_operands = 5 : i64, tpu.core_type = #tpu.core_type<sc_vector_subcore>, window_params = [{transform_indices = #map}, {transform_indices = #map}, {transform_indices = #map}, {transform_indices = #map1}, {transform_indices = #map1}, {transform_indices = #map}, {transform_indices = #map}]} {
    %mul3A = arith.constant 640 : i32
    %mul3A_0 = arith.muli %arg1, %mul3A : i32
    %mul3A_1 = arith.constant 640 : i32
    %mul3A_2 = arith.muli %arg1, %mul3A_1 : i32
    "tpu.region"() ({
      %run_scoped3A = tpu.sem_alloc : memref<!tpu.dma_semaphore, #tpu.memory_space<semaphore_mem>>
      %dma_start3A = arith.constant 0 : i32
      %dma_start3A_21 = tpu.memref_slice %arg12[%mul3A_2, %dma_start3A] : memref<10240x128xf32, #tpu.memory_space<vmem_shared>> -> memref<640x128xf32, #tpu.memory_space<vmem_shared>>
      %dma_start3A_22 = arith.constant 0 : i32
      %dma_start3A_23 = tpu.memref_slice %arg4[%mul3A_0, %dma_start3A_22] : memref<10240x128xf32, #tpu.memory_space<hbm>> -> memref<640x128xf32, #tpu.memory_space<hbm>>
      tpu.enqueue_dma source(%dma_start3A_23 : memref<640x128xf32, #tpu.memory_space<hbm>>) target(%dma_start3A_21 : memref<640x128xf32, #tpu.memory_space<vmem_shared>>) target_semaphore(%run_scoped3A : memref<!tpu.dma_semaphore, #tpu.memory_space<semaphore_mem>>)
      %dma_wait3A = arith.constant 0 : i32
      %dma_wait3A_24 = tpu.memref_slice %arg12[%mul3A_2, %dma_wait3A] : memref<10240x128xf32, #tpu.memory_space<vmem_shared>> -> memref<640x128xf32, #tpu.memory_space<vmem_shared>>
      %dma_wait3A_25 = arith.constant 0 : i32
      %dma_wait3A_26 = tpu.memref_slice %arg4[%mul3A_0, %dma_wait3A_25] : memref<10240x128xf32, #tpu.memory_space<hbm>> -> memref<640x128xf32, #tpu.memory_space<hbm>>
      tpu.wait_dma2 semaphore(%run_scoped3A : memref<!tpu.dma_semaphore, #tpu.memory_space<semaphore_mem>>) src(%dma_wait3A_26 : memref<640x128xf32, #tpu.memory_space<hbm>>) dst(%dma_wait3A_24 : memref<640x128xf32, #tpu.memory_space<vmem_shared>>)
      tpu.yield
    }) : () -> ()
    %barrier3A = arith.constant 0 : index
    tpu.barrier barrier_id(%barrier3A)
    %eq3A = arith.constant 0 : i32
    %eq3A_3 = arith.cmpi eq, %arg0, %eq3A : i32
    %convert_element_type3A = arith.extui %eq3A_3 : i1 to i32
    %cond3A = arith.constant 0 : i32
    %cond3A_4 = arith.cmpi ne, %convert_element_type3A, %cond3A : i32
    scf.if %cond3A_4 {
      %scan3A = arith.constant 0 : i32
      %scan3A_21 = arith.constant 0 : i32
      %scan3A_22 = arith.constant 158 : i32
      %scan3A_23 = arith.addi %scan3A_21, %scan3A_22 : i32
      %scan3A_24 = arith.constant 1 : i32
      scf.for %scan3A_26 = %scan3A_21 to %scan3A_23 step %scan3A_24  : i32 {
        "tpu.region"() ({
          %run_scoped3A = tpu.sem_alloc : memref<!tpu.dma_semaphore, #tpu.memory_space<semaphore_mem>>
          %dma_start3A_31 = arith.constant 0 : i32
          %dma_start3A_32 = tpu.memref_slice %arg5[%arg1, %scan3A_26, %dma_start3A_31] : memref<16x158x128xi32, #tpu.memory_space<hbm>> -> memref<1x1x128xi32, #tpu.memory_space<hbm>>
          %dma_start3A_33 = tpu.memref_squeeze %dma_start3A_32 : memref<1x1x128xi32, #tpu.memory_space<hbm>> -> memref<128xi32, #tpu.memory_space<hbm>>
          %dma_start3A_34 = arith.constant 0 : i32
          %dma_start3A_35 = tpu.memref_slice %arg5[%arg1, %scan3A_26, %dma_start3A_34] : memref<16x158x128xi32, #tpu.memory_space<hbm>> -> memref<1x1x128xi32, #tpu.memory_space<hbm>>
          %dma_start3A_36 = tpu.memref_squeeze %dma_start3A_35 : memref<1x1x128xi32, #tpu.memory_space<hbm>> -> memref<128xi32, #tpu.memory_space<hbm>>
          tpu.enqueue_dma source(%dma_start3A_36 : memref<128xi32, #tpu.memory_space<hbm>>) target(%arg9 : memref<128xi32, #tpu.memory_space<vmem>>) target_semaphore(%run_scoped3A : memref<!tpu.dma_semaphore, #tpu.memory_space<semaphore_mem>>)
          %dma_wait3A_37 = arith.constant 0 : i32
          %dma_wait3A_38 = tpu.memref_slice %arg5[%arg1, %scan3A_26, %dma_wait3A_37] : memref<16x158x128xi32, #tpu.memory_space<hbm>> -> memref<1x1x128xi32, #tpu.memory_space<hbm>>
          %dma_wait3A_39 = tpu.memref_squeeze %dma_wait3A_38 : memref<1x1x128xi32, #tpu.memory_space<hbm>> -> memref<128xi32, #tpu.memory_space<hbm>>
          %dma_wait3A_40 = arith.constant 0 : i32
          %dma_wait3A_41 = tpu.memref_slice %arg5[%arg1, %scan3A_26, %dma_wait3A_40] : memref<16x158x128xi32, #tpu.memory_space<hbm>> -> memref<1x1x128xi32, #tpu.memory_space<hbm>>
          %dma_wait3A_42 = tpu.memref_squeeze %dma_wait3A_41 : memref<1x1x128xi32, #tpu.memory_space<hbm>> -> memref<128xi32, #tpu.memory_space<hbm>>
          tpu.wait_dma2 semaphore(%run_scoped3A : memref<!tpu.dma_semaphore, #tpu.memory_space<semaphore_mem>>) src(%dma_wait3A_42 : memref<128xi32, #tpu.memory_space<hbm>>) dst(%arg9 : memref<128xi32, #tpu.memory_space<vmem>>)
          tpu.yield
        }) : () -> ()
        "tpu.region"() ({
          %run_scoped3A = tpu.sem_alloc : memref<!tpu.dma_semaphore, #tpu.memory_space<semaphore_mem>>
          %dma_start3A_31 = arith.constant 0 : i32
          %dma_start3A_32 = tpu.memref_slice %arg6[%arg1, %scan3A_26, %dma_start3A_31] : memref<16x158x128xi32, #tpu.memory_space<hbm>> -> memref<1x1x128xi32, #tpu.memory_space<hbm>>
          %dma_start3A_33 = tpu.memref_squeeze %dma_start3A_32 : memref<1x1x128xi32, #tpu.memory_space<hbm>> -> memref<128xi32, #tpu.memory_space<hbm>>
          %dma_start3A_34 = arith.constant 0 : i32
          %dma_start3A_35 = tpu.memref_slice %arg6[%arg1, %scan3A_26, %dma_start3A_34] : memref<16x158x128xi32, #tpu.memory_space<hbm>> -> memref<1x1x128xi32, #tpu.memory_space<hbm>>
          %dma_start3A_36 = tpu.memref_squeeze %dma_start3A_35 : memref<1x1x128xi32, #tpu.memory_space<hbm>> -> memref<128xi32, #tpu.memory_space<hbm>>
          tpu.enqueue_dma source(%dma_start3A_36 : memref<128xi32, #tpu.memory_space<hbm>>) target(%arg10 : memref<128xi32, #tpu.memory_space<vmem>>) target_semaphore(%run_scoped3A : memref<!tpu.dma_semaphore, #tpu.memory_space<semaphore_mem>>)
          %dma_wait3A_37 = arith.constant 0 : i32
          %dma_wait3A_38 = tpu.memref_slice %arg6[%arg1, %scan3A_26, %dma_wait3A_37] : memref<16x158x128xi32, #tpu.memory_space<hbm>> -> memref<1x1x128xi32, #tpu.memory_space<hbm>>
          %dma_wait3A_39 = tpu.memref_squeeze %dma_wait3A_38 : memref<1x1x128xi32, #tpu.memory_space<hbm>> -> memref<128xi32, #tpu.memory_space<hbm>>
          %dma_wait3A_40 = arith.constant 0 : i32
          %dma_wait3A_41 = tpu.memref_slice %arg6[%arg1, %scan3A_26, %dma_wait3A_40] : memref<16x158x128xi32, #tpu.memory_space<hbm>> -> memref<1x1x128xi32, #tpu.memory_space<hbm>>
          %dma_wait3A_42 = tpu.memref_squeeze %dma_wait3A_41 : memref<1x1x128xi32, #tpu.memory_space<hbm>> -> memref<128xi32, #tpu.memory_space<hbm>>
          tpu.wait_dma2 semaphore(%run_scoped3A : memref<!tpu.dma_semaphore, #tpu.memory_space<semaphore_mem>>) src(%dma_wait3A_42 : memref<128xi32, #tpu.memory_space<hbm>>) dst(%arg10 : memref<128xi32, #tpu.memory_space<vmem>>)
          tpu.yield
        }) : () -> ()
        %dma_start3A = arith.constant 0 : i32
        %dma_start3A_27 = arith.constant 0 : i32
        %dma_start3A_28 = tpu.memref_slice %arg2[%dma_start3A, %dma_start3A_27] : memref<10000x128xf32, #tpu.memory_space<hbm>> -> memref<10000x128xf32, #tpu.memory_space<hbm>>
        tpu.enqueue_indirect_dma source(%dma_start3A_28 : memref<10000x128xf32, #tpu.memory_space<hbm>>) target(%arg11 : memref<128x128xf32, #tpu.memory_space<vmem>>) offsets(%arg9 : memref<128xi32, #tpu.memory_space<vmem>>) semaphore(%arg13 : memref<!tpu.dma_semaphore, #tpu.memory_space<semaphore_mem>>)
        %dma_wait3A = arith.constant 0 : i32
        %dma_wait3A_29 = arith.constant 0 : i32
        %dma_wait3A_30 = tpu.memref_slice %arg2[%dma_wait3A, %dma_wait3A_29] : memref<10000x128xf32, #tpu.memory_space<hbm>> -> memref<10000x128xf32, #tpu.memory_space<hbm>>
        tpu.wait_indirect_dma semaphore(%arg13 : memref<!tpu.dma_semaphore, #tpu.memory_space<semaphore_mem>>) src(%dma_wait3A_30 : memref<10000x128xf32, #tpu.memory_space<hbm>>) dst(%arg11 : memref<128x128xf32, #tpu.memory_space<vmem>>)
        "tpu.region"() ({
          %run_scoped3A = tpu.sem_alloc : memref<!tpu.dma_semaphore, #tpu.memory_space<semaphore_mem>>
          %dma_start3A_31 = arith.constant 0 : i32
          %dma_start3A_32 = arith.constant 0 : i32
          %dma_start3A_33 = tpu.memref_slice %arg12[%dma_start3A_31, %dma_start3A_32] : memref<10240x128xf32, #tpu.memory_space<vmem_shared>> -> memref<10240x128xf32, #tpu.memory_space<vmem_shared>>
          tpu.enqueue_indirect_dma source(%arg11 : memref<128x128xf32, #tpu.memory_space<vmem>>) target(%dma_start3A_33 : memref<10240x128xf32, #tpu.memory_space<vmem_shared>>) offsets(%arg10 : memref<128xi32, #tpu.memory_space<vmem>>) semaphore(%run_scoped3A : memref<!tpu.dma_semaphore, #tpu.memory_space<semaphore_mem>>) {add = true}
          %dma_wait3A_34 = arith.constant 0 : i32
          %dma_wait3A_35 = arith.constant 0 : i32
          %dma_wait3A_36 = tpu.memref_slice %arg12[%dma_wait3A_34, %dma_wait3A_35] : memref<10240x128xf32, #tpu.memory_space<vmem_shared>> -> memref<10240x128xf32, #tpu.memory_space<vmem_shared>>
          tpu.wait_indirect_dma semaphore(%run_scoped3A : memref<!tpu.dma_semaphore, #tpu.memory_space<semaphore_mem>>) src(%arg11 : memref<128x128xf32, #tpu.memory_space<vmem>>) dst(%dma_wait3A_36 : memref<10240x128xf32, #tpu.memory_space<vmem_shared>>)
          tpu.yield
        }) : () -> ()
      }
      %scan3A_25 = arith.constant 158 : i32
    } else {
    }
    %eq3A_5 = arith.constant 1 : i32
    %eq3A_6 = arith.cmpi eq, %arg0, %eq3A_5 : i32
    %convert_element_type3A_7 = arith.extui %eq3A_6 : i1 to i32
    %cond3A_8 = arith.constant 0 : i32
    %cond3A_9 = arith.cmpi ne, %convert_element_type3A_7, %cond3A_8 : i32
    scf.if %cond3A_9 {
      %scan3A = arith.constant 0 : i32
      %scan3A_21 = arith.constant 0 : i32
      %scan3A_22 = arith.constant 158 : i32
      %scan3A_23 = arith.addi %scan3A_21, %scan3A_22 : i32
      %scan3A_24 = arith.constant 1 : i32
      scf.for %scan3A_26 = %scan3A_21 to %scan3A_23 step %scan3A_24  : i32 {
        "tpu.region"() ({
          %run_scoped3A = tpu.sem_alloc : memref<!tpu.dma_semaphore, #tpu.memory_space<semaphore_mem>>
          %dma_start3A_31 = arith.constant 0 : i32
          %dma_start3A_32 = tpu.memref_slice %arg5[%arg1, %scan3A_26, %dma_start3A_31] : memref<16x158x128xi32, #tpu.memory_space<hbm>> -> memref<1x1x128xi32, #tpu.memory_space<hbm>>
          %dma_start3A_33 = tpu.memref_squeeze %dma_start3A_32 : memref<1x1x128xi32, #tpu.memory_space<hbm>> -> memref<128xi32, #tpu.memory_space<hbm>>
          %dma_start3A_34 = arith.constant 0 : i32
          %dma_start3A_35 = tpu.memref_slice %arg5[%arg1, %scan3A_26, %dma_start3A_34] : memref<16x158x128xi32, #tpu.memory_space<hbm>> -> memref<1x1x128xi32, #tpu.memory_space<hbm>>
          %dma_start3A_36 = tpu.memref_squeeze %dma_start3A_35 : memref<1x1x128xi32, #tpu.memory_space<hbm>> -> memref<128xi32, #tpu.memory_space<hbm>>
          tpu.enqueue_dma source(%dma_start3A_36 : memref<128xi32, #tpu.memory_space<hbm>>) target(%arg9 : memref<128xi32, #tpu.memory_space<vmem>>) target_semaphore(%run_scoped3A : memref<!tpu.dma_semaphore, #tpu.memory_space<semaphore_mem>>)
          %dma_wait3A_37 = arith.constant 0 : i32
          %dma_wait3A_38 = tpu.memref_slice %arg5[%arg1, %scan3A_26, %dma_wait3A_37] : memref<16x158x128xi32, #tpu.memory_space<hbm>> -> memref<1x1x128xi32, #tpu.memory_space<hbm>>
          %dma_wait3A_39 = tpu.memref_squeeze %dma_wait3A_38 : memref<1x1x128xi32, #tpu.memory_space<hbm>> -> memref<128xi32, #tpu.memory_space<hbm>>
          %dma_wait3A_40 = arith.constant 0 : i32
          %dma_wait3A_41 = tpu.memref_slice %arg5[%arg1, %scan3A_26, %dma_wait3A_40] : memref<16x158x128xi32, #tpu.memory_space<hbm>> -> memref<1x1x128xi32, #tpu.memory_space<hbm>>
          %dma_wait3A_42 = tpu.memref_squeeze %dma_wait3A_41 : memref<1x1x128xi32, #tpu.memory_space<hbm>> -> memref<128xi32, #tpu.memory_space<hbm>>
          tpu.wait_dma2 semaphore(%run_scoped3A : memref<!tpu.dma_semaphore, #tpu.memory_space<semaphore_mem>>) src(%dma_wait3A_42 : memref<128xi32, #tpu.memory_space<hbm>>) dst(%arg9 : memref<128xi32, #tpu.memory_space<vmem>>)
          tpu.yield
        }) : () -> ()
        "tpu.region"() ({
          %run_scoped3A = tpu.sem_alloc : memref<!tpu.dma_semaphore, #tpu.memory_space<semaphore_mem>>
          %dma_start3A_31 = arith.constant 0 : i32
          %dma_start3A_32 = tpu.memref_slice %arg6[%arg1, %scan3A_26, %dma_start3A_31] : memref<16x158x128xi32, #tpu.memory_space<hbm>> -> memref<1x1x128xi32, #tpu.memory_space<hbm>>
          %dma_start3A_33 = tpu.memref_squeeze %dma_start3A_32 : memref<1x1x128xi32, #tpu.memory_space<hbm>> -> memref<128xi32, #tpu.memory_space<hbm>>
          %dma_start3A_34 = arith.constant 0 : i32
          %dma_start3A_35 = tpu.memref_slice %arg6[%arg1, %scan3A_26, %dma_start3A_34] : memref<16x158x128xi32, #tpu.memory_space<hbm>> -> memref<1x1x128xi32, #tpu.memory_space<hbm>>
          %dma_start3A_36 = tpu.memref_squeeze %dma_start3A_35 : memref<1x1x128xi32, #tpu.memory_space<hbm>> -> memref<128xi32, #tpu.memory_space<hbm>>
          tpu.enqueue_dma source(%dma_start3A_36 : memref<128xi32, #tpu.memory_space<hbm>>) target(%arg10 : memref<128xi32, #tpu.memory_space<vmem>>) target_semaphore(%run_scoped3A : memref<!tpu.dma_semaphore, #tpu.memory_space<semaphore_mem>>)
          %dma_wait3A_37 = arith.constant 0 : i32
          %dma_wait3A_38 = tpu.memref_slice %arg6[%arg1, %scan3A_26, %dma_wait3A_37] : memref<16x158x128xi32, #tpu.memory_space<hbm>> -> memref<1x1x128xi32, #tpu.memory_space<hbm>>
          %dma_wait3A_39 = tpu.memref_squeeze %dma_wait3A_38 : memref<1x1x128xi32, #tpu.memory_space<hbm>> -> memref<128xi32, #tpu.memory_space<hbm>>
          %dma_wait3A_40 = arith.constant 0 : i32
          %dma_wait3A_41 = tpu.memref_slice %arg6[%arg1, %scan3A_26, %dma_wait3A_40] : memref<16x158x128xi32, #tpu.memory_space<hbm>> -> memref<1x1x128xi32, #tpu.memory_space<hbm>>
          %dma_wait3A_42 = tpu.memref_squeeze %dma_wait3A_41 : memref<1x1x128xi32, #tpu.memory_space<hbm>> -> memref<128xi32, #tpu.memory_space<hbm>>
          tpu.wait_dma2 semaphore(%run_scoped3A : memref<!tpu.dma_semaphore, #tpu.memory_space<semaphore_mem>>) src(%dma_wait3A_42 : memref<128xi32, #tpu.memory_space<hbm>>) dst(%arg10 : memref<128xi32, #tpu.memory_space<vmem>>)
          tpu.yield
        }) : () -> ()
        %dma_start3A = arith.constant 0 : i32
        %dma_start3A_27 = arith.constant 0 : i32
        %dma_start3A_28 = tpu.memref_slice %arg3[%dma_start3A, %dma_start3A_27] : memref<10000x128xf32, #tpu.memory_space<hbm>> -> memref<10000x128xf32, #tpu.memory_space<hbm>>
        tpu.enqueue_indirect_dma source(%dma_start3A_28 : memref<10000x128xf32, #tpu.memory_space<hbm>>) target(%arg11 : memref<128x128xf32, #tpu.memory_space<vmem>>) offsets(%arg9 : memref<128xi32, #tpu.memory_space<vmem>>) semaphore(%arg13 : memref<!tpu.dma_semaphore, #tpu.memory_space<semaphore_mem>>)
        %dma_wait3A = arith.constant 0 : i32
        %dma_wait3A_29 = arith.constant 0 : i32
        %dma_wait3A_30 = tpu.memref_slice %arg3[%dma_wait3A, %dma_wait3A_29] : memref<10000x128xf32, #tpu.memory_space<hbm>> -> memref<10000x128xf32, #tpu.memory_space<hbm>>
        tpu.wait_indirect_dma semaphore(%arg13 : memref<!tpu.dma_semaphore, #tpu.memory_space<semaphore_mem>>) src(%dma_wait3A_30 : memref<10000x128xf32, #tpu.memory_space<hbm>>) dst(%arg11 : memref<128x128xf32, #tpu.memory_space<vmem>>)
        "tpu.region"() ({
          %run_scoped3A = tpu.sem_alloc : memref<!tpu.dma_semaphore, #tpu.memory_space<semaphore_mem>>
          %dma_start3A_31 = arith.constant 0 : i32
          %dma_start3A_32 = arith.constant 0 : i32
          %dma_start3A_33 = tpu.memref_slice %arg12[%dma_start3A_31, %dma_start3A_32] : memref<10240x128xf32, #tpu.memory_space<vmem_shared>> -> memref<10240x128xf32, #tpu.memory_space<vmem_shared>>
          tpu.enqueue_indirect_dma source(%arg11 : memref<128x128xf32, #tpu.memory_space<vmem>>) target(%dma_start3A_33 : memref<10240x128xf32, #tpu.memory_space<vmem_shared>>) offsets(%arg10 : memref<128xi32, #tpu.memory_space<vmem>>) semaphore(%run_scoped3A : memref<!tpu.dma_semaphore, #tpu.memory_space<semaphore_mem>>) {add = true}
          %dma_wait3A_34 = arith.constant 0 : i32
          %dma_wait3A_35 = arith.constant 0 : i32
          %dma_wait3A_36 = tpu.memref_slice %arg12[%dma_wait3A_34, %dma_wait3A_35] : memref<10240x128xf32, #tpu.memory_space<vmem_shared>> -> memref<10240x128xf32, #tpu.memory_space<vmem_shared>>
          tpu.wait_indirect_dma semaphore(%run_scoped3A : memref<!tpu.dma_semaphore, #tpu.memory_space<semaphore_mem>>) src(%arg11 : memref<128x128xf32, #tpu.memory_space<vmem>>) dst(%dma_wait3A_36 : memref<10240x128xf32, #tpu.memory_space<vmem_shared>>)
          tpu.yield
        }) : () -> ()
      }
      %scan3A_25 = arith.constant 158 : i32
    } else {
    }
    %barrier3A_10 = arith.constant 0 : index
    tpu.barrier barrier_id(%barrier3A_10)
    %eq3A_11 = arith.constant 0 : i32
    %eq3A_12 = arith.cmpi eq, %arg0, %eq3A_11 : i32
    %convert_element_type3A_13 = arith.extui %eq3A_12 : i1 to i32
    %cond3A_14 = arith.constant 0 : i32
    %cond3A_15 = arith.cmpi ne, %convert_element_type3A_13, %cond3A_14 : i32
    scf.if %cond3A_15 {
      %mul3A_21 = arith.constant 640 : i32
      %mul3A_22 = arith.muli %arg1, %mul3A_21 : i32
      %mul3A_23 = arith.constant 640 : i32
      %mul3A_24 = arith.muli %arg1, %mul3A_23 : i32
      "tpu.region"() ({
        %run_scoped3A = tpu.sem_alloc : memref<!tpu.dma_semaphore, #tpu.memory_space<semaphore_mem>>
        %dma_start3A = arith.constant 0 : i32
        %dma_start3A_25 = tpu.memref_slice %arg7[%mul3A_24, %dma_start3A] : memref<10240x128xf32, #tpu.memory_space<hbm>> -> memref<640x128xf32, #tpu.memory_space<hbm>>
        %dma_start3A_26 = arith.constant 0 : i32
        %dma_start3A_27 = tpu.memref_slice %arg12[%mul3A_22, %dma_start3A_26] : memref<10240x128xf32, #tpu.memory_space<vmem_shared>> -> memref<640x128xf32, #tpu.memory_space<vmem_shared>>
        tpu.enqueue_dma source(%dma_start3A_27 : memref<640x128xf32, #tpu.memory_space<vmem_shared>>) target(%dma_start3A_25 : memref<640x128xf32, #tpu.memory_space<hbm>>) target_semaphore(%run_scoped3A : memref<!tpu.dma_semaphore, #tpu.memory_space<semaphore_mem>>)
        %dma_wait3A = arith.constant 0 : i32
        %dma_wait3A_28 = tpu.memref_slice %arg7[%mul3A_24, %dma_wait3A] : memref<10240x128xf32, #tpu.memory_space<hbm>> -> memref<640x128xf32, #tpu.memory_space<hbm>>
        %dma_wait3A_29 = arith.constant 0 : i32
        %dma_wait3A_30 = tpu.memref_slice %arg12[%mul3A_22, %dma_wait3A_29] : memref<10240x128xf32, #tpu.memory_space<vmem_shared>> -> memref<640x128xf32, #tpu.memory_space<vmem_shared>>
        tpu.wait_dma2 semaphore(%run_scoped3A : memref<!tpu.dma_semaphore, #tpu.memory_space<semaphore_mem>>) src(%dma_wait3A_30 : memref<640x128xf32, #tpu.memory_space<vmem_shared>>) dst(%dma_wait3A_28 : memref<640x128xf32, #tpu.memory_space<hbm>>)
        tpu.yield
      }) : () -> ()
    } else {
    }
    %eq3A_16 = arith.constant 1 : i32
    %eq3A_17 = arith.cmpi eq, %arg0, %eq3A_16 : i32
    %convert_element_type3A_18 = arith.extui %eq3A_17 : i1 to i32
    %cond3A_19 = arith.constant 0 : i32
    %cond3A_20 = arith.cmpi ne, %convert_element_type3A_18, %cond3A_19 : i32
    scf.if %cond3A_20 {
      %mul3A_21 = arith.constant 640 : i32
      %mul3A_22 = arith.muli %arg1, %mul3A_21 : i32
      %mul3A_23 = arith.constant 640 : i32
      %mul3A_24 = arith.muli %arg1, %mul3A_23 : i32
      "tpu.region"() ({
        %run_scoped3A = tpu.sem_alloc : memref<!tpu.dma_semaphore, #tpu.memory_space<semaphore_mem>>
        %dma_start3A = arith.constant 0 : i32
        %dma_start3A_25 = tpu.memref_slice %arg8[%mul3A_24, %dma_start3A] : memref<10240x128xf32, #tpu.memory_space<hbm>> -> memref<640x128xf32, #tpu.memory_space<hbm>>
        %dma_start3A_26 = arith.constant 0 : i32
        %dma_start3A_27 = tpu.memref_slice %arg12[%mul3A_22, %dma_start3A_26] : memref<10240x128xf32, #tpu.memory_space<vmem_shared>> -> memref<640x128xf32, #tpu.memory_space<vmem_shared>>
        tpu.enqueue_dma source(%dma_start3A_27 : memref<640x128xf32, #tpu.memory_space<vmem_shared>>) target(%dma_start3A_25 : memref<640x128xf32, #tpu.memory_space<hbm>>) target_semaphore(%run_scoped3A : memref<!tpu.dma_semaphore, #tpu.memory_space<semaphore_mem>>)
        %dma_wait3A = arith.constant 0 : i32
        %dma_wait3A_28 = tpu.memref_slice %arg8[%mul3A_24, %dma_wait3A] : memref<10240x128xf32, #tpu.memory_space<hbm>> -> memref<640x128xf32, #tpu.memory_space<hbm>>
        %dma_wait3A_29 = arith.constant 0 : i32
        %dma_wait3A_30 = tpu.memref_slice %arg12[%mul3A_22, %dma_wait3A_29] : memref<10240x128xf32, #tpu.memory_space<vmem_shared>> -> memref<640x128xf32, #tpu.memory_space<vmem_shared>>
        tpu.wait_dma2 semaphore(%run_scoped3A : memref<!tpu.dma_semaphore, #tpu.memory_space<semaphore_mem>>) src(%dma_wait3A_30 : memref<640x128xf32, #tpu.memory_space<vmem_shared>>) dst(%dma_wait3A_28 : memref<640x128xf32, #tpu.memory_space<hbm>>)
        tpu.yield
      }) : () -> ()
    } else {
    }
    return
  }
}

#map = affine_map<(d0, d1) -> (0, 0)>
#map1 = affine_map<(d0, d1) -> (0, 0, 0)>
module attributes {stable_mosaic.version = 14 : i64} {
  func.func @_sc_segsum(%arg0: i32, %arg1: i32, %arg2: memref<10000x128xf32, #tpu.memory_space<hbm>>, %arg3: memref<10000x128xf32, #tpu.memory_space<hbm>>, %arg4: memref<10240x128xf32, #tpu.memory_space<hbm>>, %arg5: memref<16x158x128xi32, #tpu.memory_space<hbm>>, %arg6: memref<16x158x128xi32, #tpu.memory_space<hbm>>, %arg7: memref<10240x128xf32, #tpu.memory_space<hbm>>, %arg8: memref<10240x128xf32, #tpu.memory_space<hbm>>, %arg9: memref<128xi32, #tpu.memory_space<vmem>>, %arg10: memref<128xi32, #tpu.memory_space<vmem>>, %arg11: memref<128x128xf32, #tpu.memory_space<vmem>>, %arg12: memref<10240x128xf32, #tpu.memory_space<vmem_shared>>, %arg13: memref<!tpu.dma_semaphore, #tpu.memory_space<semaphore_mem>>) attributes {dimension_semantics = [#tpu.dimension_semantics<core_parallel>, #tpu.dimension_semantics<subcore_parallel>], iteration_bounds = array<i64: 2, 16>, scalar_prefetch = 0 : i64, scratch_operands = 5 : i64, tpu.core_type = #tpu.core_type<sc_vector_subcore>, window_params = [{transform_indices = #map}, {transform_indices = #map}, {transform_indices = #map}, {transform_indices = #map1}, {transform_indices = #map1}, {transform_indices = #map}, {transform_indices = #map}]} {
    %mul3A = arith.constant 640 : i32
    %mul3A_0 = arith.muli %arg1, %mul3A : i32
    %mul3A_1 = arith.constant 640 : i32
    %mul3A_2 = arith.muli %arg1, %mul3A_1 : i32
    "tpu.region"() ({
      %run_scoped3A = tpu.sem_alloc : memref<!tpu.dma_semaphore, #tpu.memory_space<semaphore_mem>>
      %dma_start3A = arith.constant 0 : i32
      %dma_start3A_21 = tpu.memref_slice %arg12[%mul3A_2, %dma_start3A] : memref<10240x128xf32, #tpu.memory_space<vmem_shared>> -> memref<640x128xf32, #tpu.memory_space<vmem_shared>>
      %dma_start3A_22 = arith.constant 0 : i32
      %dma_start3A_23 = tpu.memref_slice %arg4[%mul3A_0, %dma_start3A_22] : memref<10240x128xf32, #tpu.memory_space<hbm>> -> memref<640x128xf32, #tpu.memory_space<hbm>>
      tpu.enqueue_dma source(%dma_start3A_23 : memref<640x128xf32, #tpu.memory_space<hbm>>) target(%dma_start3A_21 : memref<640x128xf32, #tpu.memory_space<vmem_shared>>) target_semaphore(%run_scoped3A : memref<!tpu.dma_semaphore, #tpu.memory_space<semaphore_mem>>)
      %dma_wait3A = arith.constant 0 : i32
      %dma_wait3A_24 = tpu.memref_slice %arg12[%mul3A_2, %dma_wait3A] : memref<10240x128xf32, #tpu.memory_space<vmem_shared>> -> memref<640x128xf32, #tpu.memory_space<vmem_shared>>
      %dma_wait3A_25 = arith.constant 0 : i32
      %dma_wait3A_26 = tpu.memref_slice %arg4[%mul3A_0, %dma_wait3A_25] : memref<10240x128xf32, #tpu.memory_space<hbm>> -> memref<640x128xf32, #tpu.memory_space<hbm>>
      tpu.wait_dma2 semaphore(%run_scoped3A : memref<!tpu.dma_semaphore, #tpu.memory_space<semaphore_mem>>) src(%dma_wait3A_26 : memref<640x128xf32, #tpu.memory_space<hbm>>) dst(%dma_wait3A_24 : memref<640x128xf32, #tpu.memory_space<vmem_shared>>)
      tpu.yield
    }) : () -> ()
    %barrier3A = arith.constant 0 : index
    tpu.barrier barrier_id(%barrier3A)
    %eq3A = arith.constant 0 : i32
    %eq3A_3 = arith.cmpi eq, %arg0, %eq3A : i32
    %convert_element_type3A = arith.extui %eq3A_3 : i1 to i32
    %cond3A = arith.constant 0 : i32
    %cond3A_4 = arith.cmpi ne, %convert_element_type3A, %cond3A : i32
    scf.if %cond3A_4 {
      %scan3A = arith.constant 0 : i32
      %scan3A_21 = arith.constant 0 : i32
      %scan3A_22 = arith.constant 158 : i32
      %scan3A_23 = arith.addi %scan3A_21, %scan3A_22 : i32
      %scan3A_24 = arith.constant 1 : i32
      scf.for %scan3A_26 = %scan3A_21 to %scan3A_23 step %scan3A_24  : i32 {
        "tpu.region"() ({
          %run_scoped3A = tpu.sem_alloc : memref<!tpu.dma_semaphore, #tpu.memory_space<semaphore_mem>>
          %dma_start3A_31 = arith.constant 0 : i32
          %dma_start3A_32 = tpu.memref_slice %arg5[%arg1, %scan3A_26, %dma_start3A_31] : memref<16x158x128xi32, #tpu.memory_space<hbm>> -> memref<1x1x128xi32, #tpu.memory_space<hbm>>
          %dma_start3A_33 = tpu.memref_squeeze %dma_start3A_32 : memref<1x1x128xi32, #tpu.memory_space<hbm>> -> memref<128xi32, #tpu.memory_space<hbm>>
          %dma_start3A_34 = arith.constant 0 : i32
          %dma_start3A_35 = tpu.memref_slice %arg5[%arg1, %scan3A_26, %dma_start3A_34] : memref<16x158x128xi32, #tpu.memory_space<hbm>> -> memref<1x1x128xi32, #tpu.memory_space<hbm>>
          %dma_start3A_36 = tpu.memref_squeeze %dma_start3A_35 : memref<1x1x128xi32, #tpu.memory_space<hbm>> -> memref<128xi32, #tpu.memory_space<hbm>>
          tpu.enqueue_dma source(%dma_start3A_36 : memref<128xi32, #tpu.memory_space<hbm>>) target(%arg9 : memref<128xi32, #tpu.memory_space<vmem>>) target_semaphore(%run_scoped3A : memref<!tpu.dma_semaphore, #tpu.memory_space<semaphore_mem>>)
          %dma_wait3A_37 = arith.constant 0 : i32
          %dma_wait3A_38 = tpu.memref_slice %arg5[%arg1, %scan3A_26, %dma_wait3A_37] : memref<16x158x128xi32, #tpu.memory_space<hbm>> -> memref<1x1x128xi32, #tpu.memory_space<hbm>>
          %dma_wait3A_39 = tpu.memref_squeeze %dma_wait3A_38 : memref<1x1x128xi32, #tpu.memory_space<hbm>> -> memref<128xi32, #tpu.memory_space<hbm>>
          %dma_wait3A_40 = arith.constant 0 : i32
          %dma_wait3A_41 = tpu.memref_slice %arg5[%arg1, %scan3A_26, %dma_wait3A_40] : memref<16x158x128xi32, #tpu.memory_space<hbm>> -> memref<1x1x128xi32, #tpu.memory_space<hbm>>
          %dma_wait3A_42 = tpu.memref_squeeze %dma_wait3A_41 : memref<1x1x128xi32, #tpu.memory_space<hbm>> -> memref<128xi32, #tpu.memory_space<hbm>>
          tpu.wait_dma2 semaphore(%run_scoped3A : memref<!tpu.dma_semaphore, #tpu.memory_space<semaphore_mem>>) src(%dma_wait3A_42 : memref<128xi32, #tpu.memory_space<hbm>>) dst(%arg9 : memref<128xi32, #tpu.memory_space<vmem>>)
          tpu.yield
        }) : () -> ()
        "tpu.region"() ({
          %run_scoped3A = tpu.sem_alloc : memref<!tpu.dma_semaphore, #tpu.memory_space<semaphore_mem>>
          %dma_start3A_31 = arith.constant 0 : i32
          %dma_start3A_32 = tpu.memref_slice %arg6[%arg1, %scan3A_26, %dma_start3A_31] : memref<16x158x128xi32, #tpu.memory_space<hbm>> -> memref<1x1x128xi32, #tpu.memory_space<hbm>>
          %dma_start3A_33 = tpu.memref_squeeze %dma_start3A_32 : memref<1x1x128xi32, #tpu.memory_space<hbm>> -> memref<128xi32, #tpu.memory_space<hbm>>
          %dma_start3A_34 = arith.constant 0 : i32
          %dma_start3A_35 = tpu.memref_slice %arg6[%arg1, %scan3A_26, %dma_start3A_34] : memref<16x158x128xi32, #tpu.memory_space<hbm>> -> memref<1x1x128xi32, #tpu.memory_space<hbm>>
          %dma_start3A_36 = tpu.memref_squeeze %dma_start3A_35 : memref<1x1x128xi32, #tpu.memory_space<hbm>> -> memref<128xi32, #tpu.memory_space<hbm>>
          tpu.enqueue_dma source(%dma_start3A_36 : memref<128xi32, #tpu.memory_space<hbm>>) target(%arg10 : memref<128xi32, #tpu.memory_space<vmem>>) target_semaphore(%run_scoped3A : memref<!tpu.dma_semaphore, #tpu.memory_space<semaphore_mem>>)
          %dma_wait3A_37 = arith.constant 0 : i32
          %dma_wait3A_38 = tpu.memref_slice %arg6[%arg1, %scan3A_26, %dma_wait3A_37] : memref<16x158x128xi32, #tpu.memory_space<hbm>> -> memref<1x1x128xi32, #tpu.memory_space<hbm>>
          %dma_wait3A_39 = tpu.memref_squeeze %dma_wait3A_38 : memref<1x1x128xi32, #tpu.memory_space<hbm>> -> memref<128xi32, #tpu.memory_space<hbm>>
          %dma_wait3A_40 = arith.constant 0 : i32
          %dma_wait3A_41 = tpu.memref_slice %arg6[%arg1, %scan3A_26, %dma_wait3A_40] : memref<16x158x128xi32, #tpu.memory_space<hbm>> -> memref<1x1x128xi32, #tpu.memory_space<hbm>>
          %dma_wait3A_42 = tpu.memref_squeeze %dma_wait3A_41 : memref<1x1x128xi32, #tpu.memory_space<hbm>> -> memref<128xi32, #tpu.memory_space<hbm>>
          tpu.wait_dma2 semaphore(%run_scoped3A : memref<!tpu.dma_semaphore, #tpu.memory_space<semaphore_mem>>) src(%dma_wait3A_42 : memref<128xi32, #tpu.memory_space<hbm>>) dst(%arg10 : memref<128xi32, #tpu.memory_space<vmem>>)
          tpu.yield
        }) : () -> ()
        %dma_start3A = arith.constant 0 : i32
        %dma_start3A_27 = arith.constant 0 : i32
        %dma_start3A_28 = tpu.memref_slice %arg2[%dma_start3A, %dma_start3A_27] : memref<10000x128xf32, #tpu.memory_space<hbm>> -> memref<10000x128xf32, #tpu.memory_space<hbm>>
        tpu.enqueue_indirect_dma source(%dma_start3A_28 : memref<10000x128xf32, #tpu.memory_space<hbm>>) target(%arg11 : memref<128x128xf32, #tpu.memory_space<vmem>>) offsets(%arg9 : memref<128xi32, #tpu.memory_space<vmem>>) semaphore(%arg13 : memref<!tpu.dma_semaphore, #tpu.memory_space<semaphore_mem>>)
        %dma_wait3A = arith.constant 0 : i32
        %dma_wait3A_29 = arith.constant 0 : i32
        %dma_wait3A_30 = tpu.memref_slice %arg2[%dma_wait3A, %dma_wait3A_29] : memref<10000x128xf32, #tpu.memory_space<hbm>> -> memref<10000x128xf32, #tpu.memory_space<hbm>>
        tpu.wait_indirect_dma semaphore(%arg13 : memref<!tpu.dma_semaphore, #tpu.memory_space<semaphore_mem>>) src(%dma_wait3A_30 : memref<10000x128xf32, #tpu.memory_space<hbm>>) dst(%arg11 : memref<128x128xf32, #tpu.memory_space<vmem>>)
        "tpu.region"() ({
          %run_scoped3A = tpu.sem_alloc : memref<!tpu.dma_semaphore, #tpu.memory_space<semaphore_mem>>
          %dma_start3A_31 = arith.constant 0 : i32
          %dma_start3A_32 = arith.constant 0 : i32
          %dma_start3A_33 = tpu.memref_slice %arg12[%dma_start3A_31, %dma_start3A_32] : memref<10240x128xf32, #tpu.memory_space<vmem_shared>> -> memref<10240x128xf32, #tpu.memory_space<vmem_shared>>
          tpu.enqueue_indirect_dma source(%arg11 : memref<128x128xf32, #tpu.memory_space<vmem>>) target(%dma_start3A_33 : memref<10240x128xf32, #tpu.memory_space<vmem_shared>>) offsets(%arg10 : memref<128xi32, #tpu.memory_space<vmem>>) semaphore(%run_scoped3A : memref<!tpu.dma_semaphore, #tpu.memory_space<semaphore_mem>>) {add = true}
          %dma_wait3A_34 = arith.constant 0 : i32
          %dma_wait3A_35 = arith.constant 0 : i32
          %dma_wait3A_36 = tpu.memref_slice %arg12[%dma_wait3A_34, %dma_wait3A_35] : memref<10240x128xf32, #tpu.memory_space<vmem_shared>> -> memref<10240x128xf32, #tpu.memory_space<vmem_shared>>
          tpu.wait_indirect_dma semaphore(%run_scoped3A : memref<!tpu.dma_semaphore, #tpu.memory_space<semaphore_mem>>) src(%arg11 : memref<128x128xf32, #tpu.memory_space<vmem>>) dst(%dma_wait3A_36 : memref<10240x128xf32, #tpu.memory_space<vmem_shared>>)
          tpu.yield
        }) : () -> ()
      }
      %scan3A_25 = arith.constant 158 : i32
    } else {
    }
    %eq3A_5 = arith.constant 1 : i32
    %eq3A_6 = arith.cmpi eq, %arg0, %eq3A_5 : i32
    %convert_element_type3A_7 = arith.extui %eq3A_6 : i1 to i32
    %cond3A_8 = arith.constant 0 : i32
    %cond3A_9 = arith.cmpi ne, %convert_element_type3A_7, %cond3A_8 : i32
    scf.if %cond3A_9 {
      %scan3A = arith.constant 0 : i32
      %scan3A_21 = arith.constant 0 : i32
      %scan3A_22 = arith.constant 158 : i32
      %scan3A_23 = arith.addi %scan3A_21, %scan3A_22 : i32
      %scan3A_24 = arith.constant 1 : i32
      scf.for %scan3A_26 = %scan3A_21 to %scan3A_23 step %scan3A_24  : i32 {
        "tpu.region"() ({
          %run_scoped3A = tpu.sem_alloc : memref<!tpu.dma_semaphore, #tpu.memory_space<semaphore_mem>>
          %dma_start3A_31 = arith.constant 0 : i32
          %dma_start3A_32 = tpu.memref_slice %arg5[%arg1, %scan3A_26, %dma_start3A_31] : memref<16x158x128xi32, #tpu.memory_space<hbm>> -> memref<1x1x128xi32, #tpu.memory_space<hbm>>
          %dma_start3A_33 = tpu.memref_squeeze %dma_start3A_32 : memref<1x1x128xi32, #tpu.memory_space<hbm>> -> memref<128xi32, #tpu.memory_space<hbm>>
          %dma_start3A_34 = arith.constant 0 : i32
          %dma_start3A_35 = tpu.memref_slice %arg5[%arg1, %scan3A_26, %dma_start3A_34] : memref<16x158x128xi32, #tpu.memory_space<hbm>> -> memref<1x1x128xi32, #tpu.memory_space<hbm>>
          %dma_start3A_36 = tpu.memref_squeeze %dma_start3A_35 : memref<1x1x128xi32, #tpu.memory_space<hbm>> -> memref<128xi32, #tpu.memory_space<hbm>>
          tpu.enqueue_dma source(%dma_start3A_36 : memref<128xi32, #tpu.memory_space<hbm>>) target(%arg9 : memref<128xi32, #tpu.memory_space<vmem>>) target_semaphore(%run_scoped3A : memref<!tpu.dma_semaphore, #tpu.memory_space<semaphore_mem>>)
          %dma_wait3A_37 = arith.constant 0 : i32
          %dma_wait3A_38 = tpu.memref_slice %arg5[%arg1, %scan3A_26, %dma_wait3A_37] : memref<16x158x128xi32, #tpu.memory_space<hbm>> -> memref<1x1x128xi32, #tpu.memory_space<hbm>>
          %dma_wait3A_39 = tpu.memref_squeeze %dma_wait3A_38 : memref<1x1x128xi32, #tpu.memory_space<hbm>> -> memref<128xi32, #tpu.memory_space<hbm>>
          %dma_wait3A_40 = arith.constant 0 : i32
          %dma_wait3A_41 = tpu.memref_slice %arg5[%arg1, %scan3A_26, %dma_wait3A_40] : memref<16x158x128xi32, #tpu.memory_space<hbm>> -> memref<1x1x128xi32, #tpu.memory_space<hbm>>
          %dma_wait3A_42 = tpu.memref_squeeze %dma_wait3A_41 : memref<1x1x128xi32, #tpu.memory_space<hbm>> -> memref<128xi32, #tpu.memory_space<hbm>>
          tpu.wait_dma2 semaphore(%run_scoped3A : memref<!tpu.dma_semaphore, #tpu.memory_space<semaphore_mem>>) src(%dma_wait3A_42 : memref<128xi32, #tpu.memory_space<hbm>>) dst(%arg9 : memref<128xi32, #tpu.memory_space<vmem>>)
          tpu.yield
        }) : () -> ()
        "tpu.region"() ({
          %run_scoped3A = tpu.sem_alloc : memref<!tpu.dma_semaphore, #tpu.memory_space<semaphore_mem>>
          %dma_start3A_31 = arith.constant 0 : i32
          %dma_start3A_32 = tpu.memref_slice %arg6[%arg1, %scan3A_26, %dma_start3A_31] : memref<16x158x128xi32, #tpu.memory_space<hbm>> -> memref<1x1x128xi32, #tpu.memory_space<hbm>>
          %dma_start3A_33 = tpu.memref_squeeze %dma_start3A_32 : memref<1x1x128xi32, #tpu.memory_space<hbm>> -> memref<128xi32, #tpu.memory_space<hbm>>
          %dma_start3A_34 = arith.constant 0 : i32
          %dma_start3A_35 = tpu.memref_slice %arg6[%arg1, %scan3A_26, %dma_start3A_34] : memref<16x158x128xi32, #tpu.memory_space<hbm>> -> memref<1x1x128xi32, #tpu.memory_space<hbm>>
          %dma_start3A_36 = tpu.memref_squeeze %dma_start3A_35 : memref<1x1x128xi32, #tpu.memory_space<hbm>> -> memref<128xi32, #tpu.memory_space<hbm>>
          tpu.enqueue_dma source(%dma_start3A_36 : memref<128xi32, #tpu.memory_space<hbm>>) target(%arg10 : memref<128xi32, #tpu.memory_space<vmem>>) target_semaphore(%run_scoped3A : memref<!tpu.dma_semaphore, #tpu.memory_space<semaphore_mem>>)
          %dma_wait3A_37 = arith.constant 0 : i32
          %dma_wait3A_38 = tpu.memref_slice %arg6[%arg1, %scan3A_26, %dma_wait3A_37] : memref<16x158x128xi32, #tpu.memory_space<hbm>> -> memref<1x1x128xi32, #tpu.memory_space<hbm>>
          %dma_wait3A_39 = tpu.memref_squeeze %dma_wait3A_38 : memref<1x1x128xi32, #tpu.memory_space<hbm>> -> memref<128xi32, #tpu.memory_space<hbm>>
          %dma_wait3A_40 = arith.constant 0 : i32
          %dma_wait3A_41 = tpu.memref_slice %arg6[%arg1, %scan3A_26, %dma_wait3A_40] : memref<16x158x128xi32, #tpu.memory_space<hbm>> -> memref<1x1x128xi32, #tpu.memory_space<hbm>>
          %dma_wait3A_42 = tpu.memref_squeeze %dma_wait3A_41 : memref<1x1x128xi32, #tpu.memory_space<hbm>> -> memref<128xi32, #tpu.memory_space<hbm>>
          tpu.wait_dma2 semaphore(%run_scoped3A : memref<!tpu.dma_semaphore, #tpu.memory_space<semaphore_mem>>) src(%dma_wait3A_42 : memref<128xi32, #tpu.memory_space<hbm>>) dst(%arg10 : memref<128xi32, #tpu.memory_space<vmem>>)
          tpu.yield
        }) : () -> ()
        %dma_start3A = arith.constant 0 : i32
        %dma_start3A_27 = arith.constant 0 : i32
        %dma_start3A_28 = tpu.memref_slice %arg3[%dma_start3A, %dma_start3A_27] : memref<10000x128xf32, #tpu.memory_space<hbm>> -> memref<10000x128xf32, #tpu.memory_space<hbm>>
        tpu.enqueue_indirect_dma source(%dma_start3A_28 : memref<10000x128xf32, #tpu.memory_space<hbm>>) target(%arg11 : memref<128x128xf32, #tpu.memory_space<vmem>>) offsets(%arg9 : memref<128xi32, #tpu.memory_space<vmem>>) semaphore(%arg13 : memref<!tpu.dma_semaphore, #tpu.memory_space<semaphore_mem>>)
        %dma_wait3A = arith.constant 0 : i32
        %dma_wait3A_29 = arith.constant 0 : i32
        %dma_wait3A_30 = tpu.memref_slice %arg3[%dma_wait3A, %dma_wait3A_29] : memref<10000x128xf32, #tpu.memory_space<hbm>> -> memref<10000x128xf32, #tpu.memory_space<hbm>>
        tpu.wait_indirect_dma semaphore(%arg13 : memref<!tpu.dma_semaphore, #tpu.memory_space<semaphore_mem>>) src(%dma_wait3A_30 : memref<10000x128xf32, #tpu.memory_space<hbm>>) dst(%arg11 : memref<128x128xf32, #tpu.memory_space<vmem>>)
        "tpu.region"() ({
          %run_scoped3A = tpu.sem_alloc : memref<!tpu.dma_semaphore, #tpu.memory_space<semaphore_mem>>
          %dma_start3A_31 = arith.constant 0 : i32
          %dma_start3A_32 = arith.constant 0 : i32
          %dma_start3A_33 = tpu.memref_slice %arg12[%dma_start3A_31, %dma_start3A_32] : memref<10240x128xf32, #tpu.memory_space<vmem_shared>> -> memref<10240x128xf32, #tpu.memory_space<vmem_shared>>
          tpu.enqueue_indirect_dma source(%arg11 : memref<128x128xf32, #tpu.memory_space<vmem>>) target(%dma_start3A_33 : memref<10240x128xf32, #tpu.memory_space<vmem_shared>>) offsets(%arg10 : memref<128xi32, #tpu.memory_space<vmem>>) semaphore(%run_scoped3A : memref<!tpu.dma_semaphore, #tpu.memory_space<semaphore_mem>>) {add = true}
          %dma_wait3A_34 = arith.constant 0 : i32
          %dma_wait3A_35 = arith.constant 0 : i32
          %dma_wait3A_36 = tpu.memref_slice %arg12[%dma_wait3A_34, %dma_wait3A_35] : memref<10240x128xf32, #tpu.memory_space<vmem_shared>> -> memref<10240x128xf32, #tpu.memory_space<vmem_shared>>
          tpu.wait_indirect_dma semaphore(%run_scoped3A : memref<!tpu.dma_semaphore, #tpu.memory_space<semaphore_mem>>) src(%arg11 : memref<128x128xf32, #tpu.memory_space<vmem>>) dst(%dma_wait3A_36 : memref<10240x128xf32, #tpu.memory_space<vmem_shared>>)
          tpu.yield
        }) : () -> ()
      }
      %scan3A_25 = arith.constant 158 : i32
    } else {
    }
    %barrier3A_10 = arith.constant 0 : index
    tpu.barrier barrier_id(%barrier3A_10)
    %eq3A_11 = arith.constant 0 : i32
    %eq3A_12 = arith.cmpi eq, %arg0, %eq3A_11 : i32
    %convert_element_type3A_13 = arith.extui %eq3A_12 : i1 to i32
    %cond3A_14 = arith.constant 0 : i32
    %cond3A_15 = arith.cmpi ne, %convert_element_type3A_13, %cond3A_14 : i32
    scf.if %cond3A_15 {
      %mul3A_21 = arith.constant 640 : i32
      %mul3A_22 = arith.muli %arg1, %mul3A_21 : i32
      %mul3A_23 = arith.constant 640 : i32
      %mul3A_24 = arith.muli %arg1, %mul3A_23 : i32
      "tpu.region"() ({
        %run_scoped3A = tpu.sem_alloc : memref<!tpu.dma_semaphore, #tpu.memory_space<semaphore_mem>>
        %dma_start3A = arith.constant 0 : i32
        %dma_start3A_25 = tpu.memref_slice %arg7[%mul3A_24, %dma_start3A] : memref<10240x128xf32, #tpu.memory_space<hbm>> -> memref<640x128xf32, #tpu.memory_space<hbm>>
        %dma_start3A_26 = arith.constant 0 : i32
        %dma_start3A_27 = tpu.memref_slice %arg12[%mul3A_22, %dma_start3A_26] : memref<10240x128xf32, #tpu.memory_space<vmem_shared>> -> memref<640x128xf32, #tpu.memory_space<vmem_shared>>
        tpu.enqueue_dma source(%dma_start3A_27 : memref<640x128xf32, #tpu.memory_space<vmem_shared>>) target(%dma_start3A_25 : memref<640x128xf32, #tpu.memory_space<hbm>>) target_semaphore(%run_scoped3A : memref<!tpu.dma_semaphore, #tpu.memory_space<semaphore_mem>>)
        %dma_wait3A = arith.constant 0 : i32
        %dma_wait3A_28 = tpu.memref_slice %arg7[%mul3A_24, %dma_wait3A] : memref<10240x128xf32, #tpu.memory_space<hbm>> -> memref<640x128xf32, #tpu.memory_space<hbm>>
        %dma_wait3A_29 = arith.constant 0 : i32
        %dma_wait3A_30 = tpu.memref_slice %arg12[%mul3A_22, %dma_wait3A_29] : memref<10240x128xf32, #tpu.memory_space<vmem_shared>> -> memref<640x128xf32, #tpu.memory_space<vmem_shared>>
        tpu.wait_dma2 semaphore(%run_scoped3A : memref<!tpu.dma_semaphore, #tpu.memory_space<semaphore_mem>>) src(%dma_wait3A_30 : memref<640x128xf32, #tpu.memory_space<vmem_shared>>) dst(%dma_wait3A_28 : memref<640x128xf32, #tpu.memory_space<hbm>>)
        tpu.yield
      }) : () -> ()
    } else {
    }
    %eq3A_16 = arith.constant 1 : i32
    %eq3A_17 = arith.cmpi eq, %arg0, %eq3A_16 : i32
    %convert_element_type3A_18 = arith.extui %eq3A_17 : i1 to i32
    %cond3A_19 = arith.constant 0 : i32
    %cond3A_20 = arith.cmpi ne, %convert_element_type3A_18, %cond3A_19 : i32
    scf.if %cond3A_20 {
      %mul3A_21 = arith.constant 640 : i32
      %mul3A_22 = arith.muli %arg1, %mul3A_21 : i32
      %mul3A_23 = arith.constant 640 : i32
      %mul3A_24 = arith.muli %arg1, %mul3A_23 : i32
      "tpu.region"() ({
        %run_scoped3A = tpu.sem_alloc : memref<!tpu.dma_semaphore, #tpu.memory_space<semaphore_mem>>
        %dma_start3A = arith.constant 0 : i32
        %dma_start3A_25 = tpu.memref_slice %arg8[%mul3A_24, %dma_start3A] : memref<10240x128xf32, #tpu.memory_space<hbm>> -> memref<640x128xf32, #tpu.memory_space<hbm>>
        %dma_start3A_26 = arith.constant 0 : i32
        %dma_start3A_27 = tpu.memref_slice %arg12[%mul3A_22, %dma_start3A_26] : memref<10240x128xf32, #tpu.memory_space<vmem_shared>> -> memref<640x128xf32, #tpu.memory_space<vmem_shared>>
        tpu.enqueue_dma source(%dma_start3A_27 : memref<640x128xf32, #tpu.memory_space<vmem_shared>>) target(%dma_start3A_25 : memref<640x128xf32, #tpu.memory_space<hbm>>) target_semaphore(%run_scoped3A : memref<!tpu.dma_semaphore, #tpu.memory_space<semaphore_mem>>)
        %dma_wait3A = arith.constant 0 : i32
        %dma_wait3A_28 = tpu.memref_slice %arg8[%mul3A_24, %dma_wait3A] : memref<10240x128xf32, #tpu.memory_space<hbm>> -> memref<640x128xf32, #tpu.memory_space<hbm>>
        %dma_wait3A_29 = arith.constant 0 : i32
        %dma_wait3A_30 = tpu.memref_slice %arg12[%mul3A_22, %dma_wait3A_29] : memref<10240x128xf32, #tpu.memory_space<vmem_shared>> -> memref<640x128xf32, #tpu.memory_space<vmem_shared>>
        tpu.wait_dma2 semaphore(%run_scoped3A : memref<!tpu.dma_semaphore, #tpu.memory_space<semaphore_mem>>) src(%dma_wait3A_30 : memref<640x128xf32, #tpu.memory_space<vmem_shared>>) dst(%dma_wait3A_28 : memref<640x128xf32, #tpu.memory_space<hbm>>)
        tpu.yield
      }) : () -> ()
    } else {
    }
    return
  }
}

#map = affine_map<(d0, d1) -> (0, 0)>
#map1 = affine_map<(d0, d1) -> (0, 0, 0)>
module attributes {stable_mosaic.version = 14 : i64} {
  func.func @_sc_segsum(%arg0: i32, %arg1: i32, %arg2: memref<10000x128xf32, #tpu.memory_space<hbm>>, %arg3: memref<10000x128xf32, #tpu.memory_space<hbm>>, %arg4: memref<10240x128xf32, #tpu.memory_space<hbm>>, %arg5: memref<16x158x128xi32, #tpu.memory_space<hbm>>, %arg6: memref<16x158x128xi32, #tpu.memory_space<hbm>>, %arg7: memref<10240x128xf32, #tpu.memory_space<hbm>>, %arg8: memref<10240x128xf32, #tpu.memory_space<hbm>>, %arg9: memref<128xi32, #tpu.memory_space<vmem>>, %arg10: memref<128xi32, #tpu.memory_space<vmem>>, %arg11: memref<128x128xf32, #tpu.memory_space<vmem>>, %arg12: memref<10240x128xf32, #tpu.memory_space<vmem_shared>>, %arg13: memref<!tpu.dma_semaphore, #tpu.memory_space<semaphore_mem>>) attributes {dimension_semantics = [#tpu.dimension_semantics<core_parallel>, #tpu.dimension_semantics<subcore_parallel>], iteration_bounds = array<i64: 2, 16>, scalar_prefetch = 0 : i64, scratch_operands = 5 : i64, tpu.core_type = #tpu.core_type<sc_vector_subcore>, window_params = [{transform_indices = #map}, {transform_indices = #map}, {transform_indices = #map}, {transform_indices = #map1}, {transform_indices = #map1}, {transform_indices = #map}, {transform_indices = #map}]} {
    %mul3A = arith.constant 640 : i32
    %mul3A_0 = arith.muli %arg1, %mul3A : i32
    %mul3A_1 = arith.constant 640 : i32
    %mul3A_2 = arith.muli %arg1, %mul3A_1 : i32
    "tpu.region"() ({
      %run_scoped3A = tpu.sem_alloc : memref<!tpu.dma_semaphore, #tpu.memory_space<semaphore_mem>>
      %dma_start3A = arith.constant 0 : i32
      %dma_start3A_21 = tpu.memref_slice %arg12[%mul3A_2, %dma_start3A] : memref<10240x128xf32, #tpu.memory_space<vmem_shared>> -> memref<640x128xf32, #tpu.memory_space<vmem_shared>>
      %dma_start3A_22 = arith.constant 0 : i32
      %dma_start3A_23 = tpu.memref_slice %arg4[%mul3A_0, %dma_start3A_22] : memref<10240x128xf32, #tpu.memory_space<hbm>> -> memref<640x128xf32, #tpu.memory_space<hbm>>
      tpu.enqueue_dma source(%dma_start3A_23 : memref<640x128xf32, #tpu.memory_space<hbm>>) target(%dma_start3A_21 : memref<640x128xf32, #tpu.memory_space<vmem_shared>>) target_semaphore(%run_scoped3A : memref<!tpu.dma_semaphore, #tpu.memory_space<semaphore_mem>>)
      %dma_wait3A = arith.constant 0 : i32
      %dma_wait3A_24 = tpu.memref_slice %arg12[%mul3A_2, %dma_wait3A] : memref<10240x128xf32, #tpu.memory_space<vmem_shared>> -> memref<640x128xf32, #tpu.memory_space<vmem_shared>>
      %dma_wait3A_25 = arith.constant 0 : i32
      %dma_wait3A_26 = tpu.memref_slice %arg4[%mul3A_0, %dma_wait3A_25] : memref<10240x128xf32, #tpu.memory_space<hbm>> -> memref<640x128xf32, #tpu.memory_space<hbm>>
      tpu.wait_dma2 semaphore(%run_scoped3A : memref<!tpu.dma_semaphore, #tpu.memory_space<semaphore_mem>>) src(%dma_wait3A_26 : memref<640x128xf32, #tpu.memory_space<hbm>>) dst(%dma_wait3A_24 : memref<640x128xf32, #tpu.memory_space<vmem_shared>>)
      tpu.yield
    }) : () -> ()
    %barrier3A = arith.constant 0 : index
    tpu.barrier barrier_id(%barrier3A)
    %eq3A = arith.constant 0 : i32
    %eq3A_3 = arith.cmpi eq, %arg0, %eq3A : i32
    %convert_element_type3A = arith.extui %eq3A_3 : i1 to i32
    %cond3A = arith.constant 0 : i32
    %cond3A_4 = arith.cmpi ne, %convert_element_type3A, %cond3A : i32
    scf.if %cond3A_4 {
      %scan3A = arith.constant 0 : i32
      %scan3A_21 = arith.constant 0 : i32
      %scan3A_22 = arith.constant 158 : i32
      %scan3A_23 = arith.addi %scan3A_21, %scan3A_22 : i32
      %scan3A_24 = arith.constant 1 : i32
      scf.for %scan3A_26 = %scan3A_21 to %scan3A_23 step %scan3A_24  : i32 {
        "tpu.region"() ({
          %run_scoped3A = tpu.sem_alloc : memref<!tpu.dma_semaphore, #tpu.memory_space<semaphore_mem>>
          %dma_start3A_31 = arith.constant 0 : i32
          %dma_start3A_32 = tpu.memref_slice %arg5[%arg1, %scan3A_26, %dma_start3A_31] : memref<16x158x128xi32, #tpu.memory_space<hbm>> -> memref<1x1x128xi32, #tpu.memory_space<hbm>>
          %dma_start3A_33 = tpu.memref_squeeze %dma_start3A_32 : memref<1x1x128xi32, #tpu.memory_space<hbm>> -> memref<128xi32, #tpu.memory_space<hbm>>
          %dma_start3A_34 = arith.constant 0 : i32
          %dma_start3A_35 = tpu.memref_slice %arg5[%arg1, %scan3A_26, %dma_start3A_34] : memref<16x158x128xi32, #tpu.memory_space<hbm>> -> memref<1x1x128xi32, #tpu.memory_space<hbm>>
          %dma_start3A_36 = tpu.memref_squeeze %dma_start3A_35 : memref<1x1x128xi32, #tpu.memory_space<hbm>> -> memref<128xi32, #tpu.memory_space<hbm>>
          tpu.enqueue_dma source(%dma_start3A_36 : memref<128xi32, #tpu.memory_space<hbm>>) target(%arg9 : memref<128xi32, #tpu.memory_space<vmem>>) target_semaphore(%run_scoped3A : memref<!tpu.dma_semaphore, #tpu.memory_space<semaphore_mem>>)
          %dma_wait3A_37 = arith.constant 0 : i32
          %dma_wait3A_38 = tpu.memref_slice %arg5[%arg1, %scan3A_26, %dma_wait3A_37] : memref<16x158x128xi32, #tpu.memory_space<hbm>> -> memref<1x1x128xi32, #tpu.memory_space<hbm>>
          %dma_wait3A_39 = tpu.memref_squeeze %dma_wait3A_38 : memref<1x1x128xi32, #tpu.memory_space<hbm>> -> memref<128xi32, #tpu.memory_space<hbm>>
          %dma_wait3A_40 = arith.constant 0 : i32
          %dma_wait3A_41 = tpu.memref_slice %arg5[%arg1, %scan3A_26, %dma_wait3A_40] : memref<16x158x128xi32, #tpu.memory_space<hbm>> -> memref<1x1x128xi32, #tpu.memory_space<hbm>>
          %dma_wait3A_42 = tpu.memref_squeeze %dma_wait3A_41 : memref<1x1x128xi32, #tpu.memory_space<hbm>> -> memref<128xi32, #tpu.memory_space<hbm>>
          tpu.wait_dma2 semaphore(%run_scoped3A : memref<!tpu.dma_semaphore, #tpu.memory_space<semaphore_mem>>) src(%dma_wait3A_42 : memref<128xi32, #tpu.memory_space<hbm>>) dst(%arg9 : memref<128xi32, #tpu.memory_space<vmem>>)
          tpu.yield
        }) : () -> ()
        "tpu.region"() ({
          %run_scoped3A = tpu.sem_alloc : memref<!tpu.dma_semaphore, #tpu.memory_space<semaphore_mem>>
          %dma_start3A_31 = arith.constant 0 : i32
          %dma_start3A_32 = tpu.memref_slice %arg6[%arg1, %scan3A_26, %dma_start3A_31] : memref<16x158x128xi32, #tpu.memory_space<hbm>> -> memref<1x1x128xi32, #tpu.memory_space<hbm>>
          %dma_start3A_33 = tpu.memref_squeeze %dma_start3A_32 : memref<1x1x128xi32, #tpu.memory_space<hbm>> -> memref<128xi32, #tpu.memory_space<hbm>>
          %dma_start3A_34 = arith.constant 0 : i32
          %dma_start3A_35 = tpu.memref_slice %arg6[%arg1, %scan3A_26, %dma_start3A_34] : memref<16x158x128xi32, #tpu.memory_space<hbm>> -> memref<1x1x128xi32, #tpu.memory_space<hbm>>
          %dma_start3A_36 = tpu.memref_squeeze %dma_start3A_35 : memref<1x1x128xi32, #tpu.memory_space<hbm>> -> memref<128xi32, #tpu.memory_space<hbm>>
          tpu.enqueue_dma source(%dma_start3A_36 : memref<128xi32, #tpu.memory_space<hbm>>) target(%arg10 : memref<128xi32, #tpu.memory_space<vmem>>) target_semaphore(%run_scoped3A : memref<!tpu.dma_semaphore, #tpu.memory_space<semaphore_mem>>)
          %dma_wait3A_37 = arith.constant 0 : i32
          %dma_wait3A_38 = tpu.memref_slice %arg6[%arg1, %scan3A_26, %dma_wait3A_37] : memref<16x158x128xi32, #tpu.memory_space<hbm>> -> memref<1x1x128xi32, #tpu.memory_space<hbm>>
          %dma_wait3A_39 = tpu.memref_squeeze %dma_wait3A_38 : memref<1x1x128xi32, #tpu.memory_space<hbm>> -> memref<128xi32, #tpu.memory_space<hbm>>
          %dma_wait3A_40 = arith.constant 0 : i32
          %dma_wait3A_41 = tpu.memref_slice %arg6[%arg1, %scan3A_26, %dma_wait3A_40] : memref<16x158x128xi32, #tpu.memory_space<hbm>> -> memref<1x1x128xi32, #tpu.memory_space<hbm>>
          %dma_wait3A_42 = tpu.memref_squeeze %dma_wait3A_41 : memref<1x1x128xi32, #tpu.memory_space<hbm>> -> memref<128xi32, #tpu.memory_space<hbm>>
          tpu.wait_dma2 semaphore(%run_scoped3A : memref<!tpu.dma_semaphore, #tpu.memory_space<semaphore_mem>>) src(%dma_wait3A_42 : memref<128xi32, #tpu.memory_space<hbm>>) dst(%arg10 : memref<128xi32, #tpu.memory_space<vmem>>)
          tpu.yield
        }) : () -> ()
        %dma_start3A = arith.constant 0 : i32
        %dma_start3A_27 = arith.constant 0 : i32
        %dma_start3A_28 = tpu.memref_slice %arg2[%dma_start3A, %dma_start3A_27] : memref<10000x128xf32, #tpu.memory_space<hbm>> -> memref<10000x128xf32, #tpu.memory_space<hbm>>
        tpu.enqueue_indirect_dma source(%dma_start3A_28 : memref<10000x128xf32, #tpu.memory_space<hbm>>) target(%arg11 : memref<128x128xf32, #tpu.memory_space<vmem>>) offsets(%arg9 : memref<128xi32, #tpu.memory_space<vmem>>) semaphore(%arg13 : memref<!tpu.dma_semaphore, #tpu.memory_space<semaphore_mem>>)
        %dma_wait3A = arith.constant 0 : i32
        %dma_wait3A_29 = arith.constant 0 : i32
        %dma_wait3A_30 = tpu.memref_slice %arg2[%dma_wait3A, %dma_wait3A_29] : memref<10000x128xf32, #tpu.memory_space<hbm>> -> memref<10000x128xf32, #tpu.memory_space<hbm>>
        tpu.wait_indirect_dma semaphore(%arg13 : memref<!tpu.dma_semaphore, #tpu.memory_space<semaphore_mem>>) src(%dma_wait3A_30 : memref<10000x128xf32, #tpu.memory_space<hbm>>) dst(%arg11 : memref<128x128xf32, #tpu.memory_space<vmem>>)
        "tpu.region"() ({
          %run_scoped3A = tpu.sem_alloc : memref<!tpu.dma_semaphore, #tpu.memory_space<semaphore_mem>>
          %dma_start3A_31 = arith.constant 0 : i32
          %dma_start3A_32 = arith.constant 0 : i32
          %dma_start3A_33 = tpu.memref_slice %arg12[%dma_start3A_31, %dma_start3A_32] : memref<10240x128xf32, #tpu.memory_space<vmem_shared>> -> memref<10240x128xf32, #tpu.memory_space<vmem_shared>>
          tpu.enqueue_indirect_dma source(%arg11 : memref<128x128xf32, #tpu.memory_space<vmem>>) target(%dma_start3A_33 : memref<10240x128xf32, #tpu.memory_space<vmem_shared>>) offsets(%arg10 : memref<128xi32, #tpu.memory_space<vmem>>) semaphore(%run_scoped3A : memref<!tpu.dma_semaphore, #tpu.memory_space<semaphore_mem>>) {add = true}
          %dma_wait3A_34 = arith.constant 0 : i32
          %dma_wait3A_35 = arith.constant 0 : i32
          %dma_wait3A_36 = tpu.memref_slice %arg12[%dma_wait3A_34, %dma_wait3A_35] : memref<10240x128xf32, #tpu.memory_space<vmem_shared>> -> memref<10240x128xf32, #tpu.memory_space<vmem_shared>>
          tpu.wait_indirect_dma semaphore(%run_scoped3A : memref<!tpu.dma_semaphore, #tpu.memory_space<semaphore_mem>>) src(%arg11 : memref<128x128xf32, #tpu.memory_space<vmem>>) dst(%dma_wait3A_36 : memref<10240x128xf32, #tpu.memory_space<vmem_shared>>)
          tpu.yield
        }) : () -> ()
      }
      %scan3A_25 = arith.constant 158 : i32
    } else {
    }
    %eq3A_5 = arith.constant 1 : i32
    %eq3A_6 = arith.cmpi eq, %arg0, %eq3A_5 : i32
    %convert_element_type3A_7 = arith.extui %eq3A_6 : i1 to i32
    %cond3A_8 = arith.constant 0 : i32
    %cond3A_9 = arith.cmpi ne, %convert_element_type3A_7, %cond3A_8 : i32
    scf.if %cond3A_9 {
      %scan3A = arith.constant 0 : i32
      %scan3A_21 = arith.constant 0 : i32
      %scan3A_22 = arith.constant 158 : i32
      %scan3A_23 = arith.addi %scan3A_21, %scan3A_22 : i32
      %scan3A_24 = arith.constant 1 : i32
      scf.for %scan3A_26 = %scan3A_21 to %scan3A_23 step %scan3A_24  : i32 {
        "tpu.region"() ({
          %run_scoped3A = tpu.sem_alloc : memref<!tpu.dma_semaphore, #tpu.memory_space<semaphore_mem>>
          %dma_start3A_31 = arith.constant 0 : i32
          %dma_start3A_32 = tpu.memref_slice %arg5[%arg1, %scan3A_26, %dma_start3A_31] : memref<16x158x128xi32, #tpu.memory_space<hbm>> -> memref<1x1x128xi32, #tpu.memory_space<hbm>>
          %dma_start3A_33 = tpu.memref_squeeze %dma_start3A_32 : memref<1x1x128xi32, #tpu.memory_space<hbm>> -> memref<128xi32, #tpu.memory_space<hbm>>
          %dma_start3A_34 = arith.constant 0 : i32
          %dma_start3A_35 = tpu.memref_slice %arg5[%arg1, %scan3A_26, %dma_start3A_34] : memref<16x158x128xi32, #tpu.memory_space<hbm>> -> memref<1x1x128xi32, #tpu.memory_space<hbm>>
          %dma_start3A_36 = tpu.memref_squeeze %dma_start3A_35 : memref<1x1x128xi32, #tpu.memory_space<hbm>> -> memref<128xi32, #tpu.memory_space<hbm>>
          tpu.enqueue_dma source(%dma_start3A_36 : memref<128xi32, #tpu.memory_space<hbm>>) target(%arg9 : memref<128xi32, #tpu.memory_space<vmem>>) target_semaphore(%run_scoped3A : memref<!tpu.dma_semaphore, #tpu.memory_space<semaphore_mem>>)
          %dma_wait3A_37 = arith.constant 0 : i32
          %dma_wait3A_38 = tpu.memref_slice %arg5[%arg1, %scan3A_26, %dma_wait3A_37] : memref<16x158x128xi32, #tpu.memory_space<hbm>> -> memref<1x1x128xi32, #tpu.memory_space<hbm>>
          %dma_wait3A_39 = tpu.memref_squeeze %dma_wait3A_38 : memref<1x1x128xi32, #tpu.memory_space<hbm>> -> memref<128xi32, #tpu.memory_space<hbm>>
          %dma_wait3A_40 = arith.constant 0 : i32
          %dma_wait3A_41 = tpu.memref_slice %arg5[%arg1, %scan3A_26, %dma_wait3A_40] : memref<16x158x128xi32, #tpu.memory_space<hbm>> -> memref<1x1x128xi32, #tpu.memory_space<hbm>>
          %dma_wait3A_42 = tpu.memref_squeeze %dma_wait3A_41 : memref<1x1x128xi32, #tpu.memory_space<hbm>> -> memref<128xi32, #tpu.memory_space<hbm>>
          tpu.wait_dma2 semaphore(%run_scoped3A : memref<!tpu.dma_semaphore, #tpu.memory_space<semaphore_mem>>) src(%dma_wait3A_42 : memref<128xi32, #tpu.memory_space<hbm>>) dst(%arg9 : memref<128xi32, #tpu.memory_space<vmem>>)
          tpu.yield
        }) : () -> ()
        "tpu.region"() ({
          %run_scoped3A = tpu.sem_alloc : memref<!tpu.dma_semaphore, #tpu.memory_space<semaphore_mem>>
          %dma_start3A_31 = arith.constant 0 : i32
          %dma_start3A_32 = tpu.memref_slice %arg6[%arg1, %scan3A_26, %dma_start3A_31] : memref<16x158x128xi32, #tpu.memory_space<hbm>> -> memref<1x1x128xi32, #tpu.memory_space<hbm>>
          %dma_start3A_33 = tpu.memref_squeeze %dma_start3A_32 : memref<1x1x128xi32, #tpu.memory_space<hbm>> -> memref<128xi32, #tpu.memory_space<hbm>>
          %dma_start3A_34 = arith.constant 0 : i32
          %dma_start3A_35 = tpu.memref_slice %arg6[%arg1, %scan3A_26, %dma_start3A_34] : memref<16x158x128xi32, #tpu.memory_space<hbm>> -> memref<1x1x128xi32, #tpu.memory_space<hbm>>
          %dma_start3A_36 = tpu.memref_squeeze %dma_start3A_35 : memref<1x1x128xi32, #tpu.memory_space<hbm>> -> memref<128xi32, #tpu.memory_space<hbm>>
          tpu.enqueue_dma source(%dma_start3A_36 : memref<128xi32, #tpu.memory_space<hbm>>) target(%arg10 : memref<128xi32, #tpu.memory_space<vmem>>) target_semaphore(%run_scoped3A : memref<!tpu.dma_semaphore, #tpu.memory_space<semaphore_mem>>)
          %dma_wait3A_37 = arith.constant 0 : i32
          %dma_wait3A_38 = tpu.memref_slice %arg6[%arg1, %scan3A_26, %dma_wait3A_37] : memref<16x158x128xi32, #tpu.memory_space<hbm>> -> memref<1x1x128xi32, #tpu.memory_space<hbm>>
          %dma_wait3A_39 = tpu.memref_squeeze %dma_wait3A_38 : memref<1x1x128xi32, #tpu.memory_space<hbm>> -> memref<128xi32, #tpu.memory_space<hbm>>
          %dma_wait3A_40 = arith.constant 0 : i32
          %dma_wait3A_41 = tpu.memref_slice %arg6[%arg1, %scan3A_26, %dma_wait3A_40] : memref<16x158x128xi32, #tpu.memory_space<hbm>> -> memref<1x1x128xi32, #tpu.memory_space<hbm>>
          %dma_wait3A_42 = tpu.memref_squeeze %dma_wait3A_41 : memref<1x1x128xi32, #tpu.memory_space<hbm>> -> memref<128xi32, #tpu.memory_space<hbm>>
          tpu.wait_dma2 semaphore(%run_scoped3A : memref<!tpu.dma_semaphore, #tpu.memory_space<semaphore_mem>>) src(%dma_wait3A_42 : memref<128xi32, #tpu.memory_space<hbm>>) dst(%arg10 : memref<128xi32, #tpu.memory_space<vmem>>)
          tpu.yield
        }) : () -> ()
        %dma_start3A = arith.constant 0 : i32
        %dma_start3A_27 = arith.constant 0 : i32
        %dma_start3A_28 = tpu.memref_slice %arg3[%dma_start3A, %dma_start3A_27] : memref<10000x128xf32, #tpu.memory_space<hbm>> -> memref<10000x128xf32, #tpu.memory_space<hbm>>
        tpu.enqueue_indirect_dma source(%dma_start3A_28 : memref<10000x128xf32, #tpu.memory_space<hbm>>) target(%arg11 : memref<128x128xf32, #tpu.memory_space<vmem>>) offsets(%arg9 : memref<128xi32, #tpu.memory_space<vmem>>) semaphore(%arg13 : memref<!tpu.dma_semaphore, #tpu.memory_space<semaphore_mem>>)
        %dma_wait3A = arith.constant 0 : i32
        %dma_wait3A_29 = arith.constant 0 : i32
        %dma_wait3A_30 = tpu.memref_slice %arg3[%dma_wait3A, %dma_wait3A_29] : memref<10000x128xf32, #tpu.memory_space<hbm>> -> memref<10000x128xf32, #tpu.memory_space<hbm>>
        tpu.wait_indirect_dma semaphore(%arg13 : memref<!tpu.dma_semaphore, #tpu.memory_space<semaphore_mem>>) src(%dma_wait3A_30 : memref<10000x128xf32, #tpu.memory_space<hbm>>) dst(%arg11 : memref<128x128xf32, #tpu.memory_space<vmem>>)
        "tpu.region"() ({
          %run_scoped3A = tpu.sem_alloc : memref<!tpu.dma_semaphore, #tpu.memory_space<semaphore_mem>>
          %dma_start3A_31 = arith.constant 0 : i32
          %dma_start3A_32 = arith.constant 0 : i32
          %dma_start3A_33 = tpu.memref_slice %arg12[%dma_start3A_31, %dma_start3A_32] : memref<10240x128xf32, #tpu.memory_space<vmem_shared>> -> memref<10240x128xf32, #tpu.memory_space<vmem_shared>>
          tpu.enqueue_indirect_dma source(%arg11 : memref<128x128xf32, #tpu.memory_space<vmem>>) target(%dma_start3A_33 : memref<10240x128xf32, #tpu.memory_space<vmem_shared>>) offsets(%arg10 : memref<128xi32, #tpu.memory_space<vmem>>) semaphore(%run_scoped3A : memref<!tpu.dma_semaphore, #tpu.memory_space<semaphore_mem>>) {add = true}
          %dma_wait3A_34 = arith.constant 0 : i32
          %dma_wait3A_35 = arith.constant 0 : i32
          %dma_wait3A_36 = tpu.memref_slice %arg12[%dma_wait3A_34, %dma_wait3A_35] : memref<10240x128xf32, #tpu.memory_space<vmem_shared>> -> memref<10240x128xf32, #tpu.memory_space<vmem_shared>>
          tpu.wait_indirect_dma semaphore(%run_scoped3A : memref<!tpu.dma_semaphore, #tpu.memory_space<semaphore_mem>>) src(%arg11 : memref<128x128xf32, #tpu.memory_space<vmem>>) dst(%dma_wait3A_36 : memref<10240x128xf32, #tpu.memory_space<vmem_shared>>)
          tpu.yield
        }) : () -> ()
      }
      %scan3A_25 = arith.constant 158 : i32
    } else {
    }
    %barrier3A_10 = arith.constant 0 : index
    tpu.barrier barrier_id(%barrier3A_10)
    %eq3A_11 = arith.constant 0 : i32
    %eq3A_12 = arith.cmpi eq, %arg0, %eq3A_11 : i32
    %convert_element_type3A_13 = arith.extui %eq3A_12 : i1 to i32
    %cond3A_14 = arith.constant 0 : i32
    %cond3A_15 = arith.cmpi ne, %convert_element_type3A_13, %cond3A_14 : i32
    scf.if %cond3A_15 {
      %mul3A_21 = arith.constant 640 : i32
      %mul3A_22 = arith.muli %arg1, %mul3A_21 : i32
      %mul3A_23 = arith.constant 640 : i32
      %mul3A_24 = arith.muli %arg1, %mul3A_23 : i32
      "tpu.region"() ({
        %run_scoped3A = tpu.sem_alloc : memref<!tpu.dma_semaphore, #tpu.memory_space<semaphore_mem>>
        %dma_start3A = arith.constant 0 : i32
        %dma_start3A_25 = tpu.memref_slice %arg7[%mul3A_24, %dma_start3A] : memref<10240x128xf32, #tpu.memory_space<hbm>> -> memref<640x128xf32, #tpu.memory_space<hbm>>
        %dma_start3A_26 = arith.constant 0 : i32
        %dma_start3A_27 = tpu.memref_slice %arg12[%mul3A_22, %dma_start3A_26] : memref<10240x128xf32, #tpu.memory_space<vmem_shared>> -> memref<640x128xf32, #tpu.memory_space<vmem_shared>>
        tpu.enqueue_dma source(%dma_start3A_27 : memref<640x128xf32, #tpu.memory_space<vmem_shared>>) target(%dma_start3A_25 : memref<640x128xf32, #tpu.memory_space<hbm>>) target_semaphore(%run_scoped3A : memref<!tpu.dma_semaphore, #tpu.memory_space<semaphore_mem>>)
        %dma_wait3A = arith.constant 0 : i32
        %dma_wait3A_28 = tpu.memref_slice %arg7[%mul3A_24, %dma_wait3A] : memref<10240x128xf32, #tpu.memory_space<hbm>> -> memref<640x128xf32, #tpu.memory_space<hbm>>
        %dma_wait3A_29 = arith.constant 0 : i32
        %dma_wait3A_30 = tpu.memref_slice %arg12[%mul3A_22, %dma_wait3A_29] : memref<10240x128xf32, #tpu.memory_space<vmem_shared>> -> memref<640x128xf32, #tpu.memory_space<vmem_shared>>
        tpu.wait_dma2 semaphore(%run_scoped3A : memref<!tpu.dma_semaphore, #tpu.memory_space<semaphore_mem>>) src(%dma_wait3A_30 : memref<640x128xf32, #tpu.memory_space<vmem_shared>>) dst(%dma_wait3A_28 : memref<640x128xf32, #tpu.memory_space<hbm>>)
        tpu.yield
      }) : () -> ()
    } else {
    }
    %eq3A_16 = arith.constant 1 : i32
    %eq3A_17 = arith.cmpi eq, %arg0, %eq3A_16 : i32
    %convert_element_type3A_18 = arith.extui %eq3A_17 : i1 to i32
    %cond3A_19 = arith.constant 0 : i32
    %cond3A_20 = arith.cmpi ne, %convert_element_type3A_18, %cond3A_19 : i32
    scf.if %cond3A_20 {
      %mul3A_21 = arith.constant 640 : i32
      %mul3A_22 = arith.muli %arg1, %mul3A_21 : i32
      %mul3A_23 = arith.constant 640 : i32
      %mul3A_24 = arith.muli %arg1, %mul3A_23 : i32
      "tpu.region"() ({
        %run_scoped3A = tpu.sem_alloc : memref<!tpu.dma_semaphore, #tpu.memory_space<semaphore_mem>>
        %dma_start3A = arith.constant 0 : i32
        %dma_start3A_25 = tpu.memref_slice %arg8[%mul3A_24, %dma_start3A] : memref<10240x128xf32, #tpu.memory_space<hbm>> -> memref<640x128xf32, #tpu.memory_space<hbm>>
        %dma_start3A_26 = arith.constant 0 : i32
        %dma_start3A_27 = tpu.memref_slice %arg12[%mul3A_22, %dma_start3A_26] : memref<10240x128xf32, #tpu.memory_space<vmem_shared>> -> memref<640x128xf32, #tpu.memory_space<vmem_shared>>
        tpu.enqueue_dma source(%dma_start3A_27 : memref<640x128xf32, #tpu.memory_space<vmem_shared>>) target(%dma_start3A_25 : memref<640x128xf32, #tpu.memory_space<hbm>>) target_semaphore(%run_scoped3A : memref<!tpu.dma_semaphore, #tpu.memory_space<semaphore_mem>>)
        %dma_wait3A = arith.constant 0 : i32
        %dma_wait3A_28 = tpu.memref_slice %arg8[%mul3A_24, %dma_wait3A] : memref<10240x128xf32, #tpu.memory_space<hbm>> -> memref<640x128xf32, #tpu.memory_space<hbm>>
        %dma_wait3A_29 = arith.constant 0 : i32
        %dma_wait3A_30 = tpu.memref_slice %arg12[%mul3A_22, %dma_wait3A_29] : memref<10240x128xf32, #tpu.memory_space<vmem_shared>> -> memref<640x128xf32, #tpu.memory_space<vmem_shared>>
        tpu.wait_dma2 semaphore(%run_scoped3A : memref<!tpu.dma_semaphore, #tpu.memory_space<semaphore_mem>>) src(%dma_wait3A_30 : memref<640x128xf32, #tpu.memory_space<vmem_shared>>) dst(%dma_wait3A_28 : memref<640x128xf32, #tpu.memory_space<hbm>>)
        tpu.yield
      }) : () -> ()
    } else {
    }
    return
  }
}

#map = affine_map<(d0, d1) -> (0, 0)>
#map1 = affine_map<(d0, d1) -> (0, 0, 0)>
module attributes {stable_mosaic.version = 14 : i64} {
  func.func @_sc_segsum(%arg0: i32, %arg1: i32, %arg2: memref<10000x128xf32, #tpu.memory_space<hbm>>, %arg3: memref<10000x128xf32, #tpu.memory_space<hbm>>, %arg4: memref<10240x128xf32, #tpu.memory_space<hbm>>, %arg5: memref<16x158x128xi32, #tpu.memory_space<hbm>>, %arg6: memref<16x158x128xi32, #tpu.memory_space<hbm>>, %arg7: memref<10240x128xf32, #tpu.memory_space<hbm>>, %arg8: memref<10240x128xf32, #tpu.memory_space<hbm>>, %arg9: memref<128xi32, #tpu.memory_space<vmem>>, %arg10: memref<128xi32, #tpu.memory_space<vmem>>, %arg11: memref<128x128xf32, #tpu.memory_space<vmem>>, %arg12: memref<10240x128xf32, #tpu.memory_space<vmem_shared>>, %arg13: memref<!tpu.dma_semaphore, #tpu.memory_space<semaphore_mem>>) attributes {dimension_semantics = [#tpu.dimension_semantics<core_parallel>, #tpu.dimension_semantics<subcore_parallel>], iteration_bounds = array<i64: 2, 16>, scalar_prefetch = 0 : i64, scratch_operands = 5 : i64, tpu.core_type = #tpu.core_type<sc_vector_subcore>, window_params = [{transform_indices = #map}, {transform_indices = #map}, {transform_indices = #map}, {transform_indices = #map1}, {transform_indices = #map1}, {transform_indices = #map}, {transform_indices = #map}]} {
    %mul3A = arith.constant 640 : i32
    %mul3A_0 = arith.muli %arg1, %mul3A : i32
    %mul3A_1 = arith.constant 640 : i32
    %mul3A_2 = arith.muli %arg1, %mul3A_1 : i32
    "tpu.region"() ({
      %run_scoped3A = tpu.sem_alloc : memref<!tpu.dma_semaphore, #tpu.memory_space<semaphore_mem>>
      %dma_start3A = arith.constant 0 : i32
      %dma_start3A_21 = tpu.memref_slice %arg12[%mul3A_2, %dma_start3A] : memref<10240x128xf32, #tpu.memory_space<vmem_shared>> -> memref<640x128xf32, #tpu.memory_space<vmem_shared>>
      %dma_start3A_22 = arith.constant 0 : i32
      %dma_start3A_23 = tpu.memref_slice %arg4[%mul3A_0, %dma_start3A_22] : memref<10240x128xf32, #tpu.memory_space<hbm>> -> memref<640x128xf32, #tpu.memory_space<hbm>>
      tpu.enqueue_dma source(%dma_start3A_23 : memref<640x128xf32, #tpu.memory_space<hbm>>) target(%dma_start3A_21 : memref<640x128xf32, #tpu.memory_space<vmem_shared>>) target_semaphore(%run_scoped3A : memref<!tpu.dma_semaphore, #tpu.memory_space<semaphore_mem>>)
      %dma_wait3A = arith.constant 0 : i32
      %dma_wait3A_24 = tpu.memref_slice %arg12[%mul3A_2, %dma_wait3A] : memref<10240x128xf32, #tpu.memory_space<vmem_shared>> -> memref<640x128xf32, #tpu.memory_space<vmem_shared>>
      %dma_wait3A_25 = arith.constant 0 : i32
      %dma_wait3A_26 = tpu.memref_slice %arg4[%mul3A_0, %dma_wait3A_25] : memref<10240x128xf32, #tpu.memory_space<hbm>> -> memref<640x128xf32, #tpu.memory_space<hbm>>
      tpu.wait_dma2 semaphore(%run_scoped3A : memref<!tpu.dma_semaphore, #tpu.memory_space<semaphore_mem>>) src(%dma_wait3A_26 : memref<640x128xf32, #tpu.memory_space<hbm>>) dst(%dma_wait3A_24 : memref<640x128xf32, #tpu.memory_space<vmem_shared>>)
      tpu.yield
    }) : () -> ()
    %barrier3A = arith.constant 0 : index
    tpu.barrier barrier_id(%barrier3A)
    %eq3A = arith.constant 0 : i32
    %eq3A_3 = arith.cmpi eq, %arg0, %eq3A : i32
    %convert_element_type3A = arith.extui %eq3A_3 : i1 to i32
    %cond3A = arith.constant 0 : i32
    %cond3A_4 = arith.cmpi ne, %convert_element_type3A, %cond3A : i32
    scf.if %cond3A_4 {
      %scan3A = arith.constant 0 : i32
      %scan3A_21 = arith.constant 0 : i32
      %scan3A_22 = arith.constant 158 : i32
      %scan3A_23 = arith.addi %scan3A_21, %scan3A_22 : i32
      %scan3A_24 = arith.constant 1 : i32
      scf.for %scan3A_26 = %scan3A_21 to %scan3A_23 step %scan3A_24  : i32 {
        "tpu.region"() ({
          %run_scoped3A = tpu.sem_alloc : memref<!tpu.dma_semaphore, #tpu.memory_space<semaphore_mem>>
          %dma_start3A_31 = arith.constant 0 : i32
          %dma_start3A_32 = tpu.memref_slice %arg5[%arg1, %scan3A_26, %dma_start3A_31] : memref<16x158x128xi32, #tpu.memory_space<hbm>> -> memref<1x1x128xi32, #tpu.memory_space<hbm>>
          %dma_start3A_33 = tpu.memref_squeeze %dma_start3A_32 : memref<1x1x128xi32, #tpu.memory_space<hbm>> -> memref<128xi32, #tpu.memory_space<hbm>>
          %dma_start3A_34 = arith.constant 0 : i32
          %dma_start3A_35 = tpu.memref_slice %arg5[%arg1, %scan3A_26, %dma_start3A_34] : memref<16x158x128xi32, #tpu.memory_space<hbm>> -> memref<1x1x128xi32, #tpu.memory_space<hbm>>
          %dma_start3A_36 = tpu.memref_squeeze %dma_start3A_35 : memref<1x1x128xi32, #tpu.memory_space<hbm>> -> memref<128xi32, #tpu.memory_space<hbm>>
          tpu.enqueue_dma source(%dma_start3A_36 : memref<128xi32, #tpu.memory_space<hbm>>) target(%arg9 : memref<128xi32, #tpu.memory_space<vmem>>) target_semaphore(%run_scoped3A : memref<!tpu.dma_semaphore, #tpu.memory_space<semaphore_mem>>)
          %dma_wait3A_37 = arith.constant 0 : i32
          %dma_wait3A_38 = tpu.memref_slice %arg5[%arg1, %scan3A_26, %dma_wait3A_37] : memref<16x158x128xi32, #tpu.memory_space<hbm>> -> memref<1x1x128xi32, #tpu.memory_space<hbm>>
          %dma_wait3A_39 = tpu.memref_squeeze %dma_wait3A_38 : memref<1x1x128xi32, #tpu.memory_space<hbm>> -> memref<128xi32, #tpu.memory_space<hbm>>
          %dma_wait3A_40 = arith.constant 0 : i32
          %dma_wait3A_41 = tpu.memref_slice %arg5[%arg1, %scan3A_26, %dma_wait3A_40] : memref<16x158x128xi32, #tpu.memory_space<hbm>> -> memref<1x1x128xi32, #tpu.memory_space<hbm>>
          %dma_wait3A_42 = tpu.memref_squeeze %dma_wait3A_41 : memref<1x1x128xi32, #tpu.memory_space<hbm>> -> memref<128xi32, #tpu.memory_space<hbm>>
          tpu.wait_dma2 semaphore(%run_scoped3A : memref<!tpu.dma_semaphore, #tpu.memory_space<semaphore_mem>>) src(%dma_wait3A_42 : memref<128xi32, #tpu.memory_space<hbm>>) dst(%arg9 : memref<128xi32, #tpu.memory_space<vmem>>)
          tpu.yield
        }) : () -> ()
        "tpu.region"() ({
          %run_scoped3A = tpu.sem_alloc : memref<!tpu.dma_semaphore, #tpu.memory_space<semaphore_mem>>
          %dma_start3A_31 = arith.constant 0 : i32
          %dma_start3A_32 = tpu.memref_slice %arg6[%arg1, %scan3A_26, %dma_start3A_31] : memref<16x158x128xi32, #tpu.memory_space<hbm>> -> memref<1x1x128xi32, #tpu.memory_space<hbm>>
          %dma_start3A_33 = tpu.memref_squeeze %dma_start3A_32 : memref<1x1x128xi32, #tpu.memory_space<hbm>> -> memref<128xi32, #tpu.memory_space<hbm>>
          %dma_start3A_34 = arith.constant 0 : i32
          %dma_start3A_35 = tpu.memref_slice %arg6[%arg1, %scan3A_26, %dma_start3A_34] : memref<16x158x128xi32, #tpu.memory_space<hbm>> -> memref<1x1x128xi32, #tpu.memory_space<hbm>>
          %dma_start3A_36 = tpu.memref_squeeze %dma_start3A_35 : memref<1x1x128xi32, #tpu.memory_space<hbm>> -> memref<128xi32, #tpu.memory_space<hbm>>
          tpu.enqueue_dma source(%dma_start3A_36 : memref<128xi32, #tpu.memory_space<hbm>>) target(%arg10 : memref<128xi32, #tpu.memory_space<vmem>>) target_semaphore(%run_scoped3A : memref<!tpu.dma_semaphore, #tpu.memory_space<semaphore_mem>>)
          %dma_wait3A_37 = arith.constant 0 : i32
          %dma_wait3A_38 = tpu.memref_slice %arg6[%arg1, %scan3A_26, %dma_wait3A_37] : memref<16x158x128xi32, #tpu.memory_space<hbm>> -> memref<1x1x128xi32, #tpu.memory_space<hbm>>
          %dma_wait3A_39 = tpu.memref_squeeze %dma_wait3A_38 : memref<1x1x128xi32, #tpu.memory_space<hbm>> -> memref<128xi32, #tpu.memory_space<hbm>>
          %dma_wait3A_40 = arith.constant 0 : i32
          %dma_wait3A_41 = tpu.memref_slice %arg6[%arg1, %scan3A_26, %dma_wait3A_40] : memref<16x158x128xi32, #tpu.memory_space<hbm>> -> memref<1x1x128xi32, #tpu.memory_space<hbm>>
          %dma_wait3A_42 = tpu.memref_squeeze %dma_wait3A_41 : memref<1x1x128xi32, #tpu.memory_space<hbm>> -> memref<128xi32, #tpu.memory_space<hbm>>
          tpu.wait_dma2 semaphore(%run_scoped3A : memref<!tpu.dma_semaphore, #tpu.memory_space<semaphore_mem>>) src(%dma_wait3A_42 : memref<128xi32, #tpu.memory_space<hbm>>) dst(%arg10 : memref<128xi32, #tpu.memory_space<vmem>>)
          tpu.yield
        }) : () -> ()
        %dma_start3A = arith.constant 0 : i32
        %dma_start3A_27 = arith.constant 0 : i32
        %dma_start3A_28 = tpu.memref_slice %arg2[%dma_start3A, %dma_start3A_27] : memref<10000x128xf32, #tpu.memory_space<hbm>> -> memref<10000x128xf32, #tpu.memory_space<hbm>>
        tpu.enqueue_indirect_dma source(%dma_start3A_28 : memref<10000x128xf32, #tpu.memory_space<hbm>>) target(%arg11 : memref<128x128xf32, #tpu.memory_space<vmem>>) offsets(%arg9 : memref<128xi32, #tpu.memory_space<vmem>>) semaphore(%arg13 : memref<!tpu.dma_semaphore, #tpu.memory_space<semaphore_mem>>)
        %dma_wait3A = arith.constant 0 : i32
        %dma_wait3A_29 = arith.constant 0 : i32
        %dma_wait3A_30 = tpu.memref_slice %arg2[%dma_wait3A, %dma_wait3A_29] : memref<10000x128xf32, #tpu.memory_space<hbm>> -> memref<10000x128xf32, #tpu.memory_space<hbm>>
        tpu.wait_indirect_dma semaphore(%arg13 : memref<!tpu.dma_semaphore, #tpu.memory_space<semaphore_mem>>) src(%dma_wait3A_30 : memref<10000x128xf32, #tpu.memory_space<hbm>>) dst(%arg11 : memref<128x128xf32, #tpu.memory_space<vmem>>)
        "tpu.region"() ({
          %run_scoped3A = tpu.sem_alloc : memref<!tpu.dma_semaphore, #tpu.memory_space<semaphore_mem>>
          %dma_start3A_31 = arith.constant 0 : i32
          %dma_start3A_32 = arith.constant 0 : i32
          %dma_start3A_33 = tpu.memref_slice %arg12[%dma_start3A_31, %dma_start3A_32] : memref<10240x128xf32, #tpu.memory_space<vmem_shared>> -> memref<10240x128xf32, #tpu.memory_space<vmem_shared>>
          tpu.enqueue_indirect_dma source(%arg11 : memref<128x128xf32, #tpu.memory_space<vmem>>) target(%dma_start3A_33 : memref<10240x128xf32, #tpu.memory_space<vmem_shared>>) offsets(%arg10 : memref<128xi32, #tpu.memory_space<vmem>>) semaphore(%run_scoped3A : memref<!tpu.dma_semaphore, #tpu.memory_space<semaphore_mem>>) {add = true}
          %dma_wait3A_34 = arith.constant 0 : i32
          %dma_wait3A_35 = arith.constant 0 : i32
          %dma_wait3A_36 = tpu.memref_slice %arg12[%dma_wait3A_34, %dma_wait3A_35] : memref<10240x128xf32, #tpu.memory_space<vmem_shared>> -> memref<10240x128xf32, #tpu.memory_space<vmem_shared>>
          tpu.wait_indirect_dma semaphore(%run_scoped3A : memref<!tpu.dma_semaphore, #tpu.memory_space<semaphore_mem>>) src(%arg11 : memref<128x128xf32, #tpu.memory_space<vmem>>) dst(%dma_wait3A_36 : memref<10240x128xf32, #tpu.memory_space<vmem_shared>>)
          tpu.yield
        }) : () -> ()
      }
      %scan3A_25 = arith.constant 158 : i32
    } else {
    }
    %eq3A_5 = arith.constant 1 : i32
    %eq3A_6 = arith.cmpi eq, %arg0, %eq3A_5 : i32
    %convert_element_type3A_7 = arith.extui %eq3A_6 : i1 to i32
    %cond3A_8 = arith.constant 0 : i32
    %cond3A_9 = arith.cmpi ne, %convert_element_type3A_7, %cond3A_8 : i32
    scf.if %cond3A_9 {
      %scan3A = arith.constant 0 : i32
      %scan3A_21 = arith.constant 0 : i32
      %scan3A_22 = arith.constant 158 : i32
      %scan3A_23 = arith.addi %scan3A_21, %scan3A_22 : i32
      %scan3A_24 = arith.constant 1 : i32
      scf.for %scan3A_26 = %scan3A_21 to %scan3A_23 step %scan3A_24  : i32 {
        "tpu.region"() ({
          %run_scoped3A = tpu.sem_alloc : memref<!tpu.dma_semaphore, #tpu.memory_space<semaphore_mem>>
          %dma_start3A_31 = arith.constant 0 : i32
          %dma_start3A_32 = tpu.memref_slice %arg5[%arg1, %scan3A_26, %dma_start3A_31] : memref<16x158x128xi32, #tpu.memory_space<hbm>> -> memref<1x1x128xi32, #tpu.memory_space<hbm>>
          %dma_start3A_33 = tpu.memref_squeeze %dma_start3A_32 : memref<1x1x128xi32, #tpu.memory_space<hbm>> -> memref<128xi32, #tpu.memory_space<hbm>>
          %dma_start3A_34 = arith.constant 0 : i32
          %dma_start3A_35 = tpu.memref_slice %arg5[%arg1, %scan3A_26, %dma_start3A_34] : memref<16x158x128xi32, #tpu.memory_space<hbm>> -> memref<1x1x128xi32, #tpu.memory_space<hbm>>
          %dma_start3A_36 = tpu.memref_squeeze %dma_start3A_35 : memref<1x1x128xi32, #tpu.memory_space<hbm>> -> memref<128xi32, #tpu.memory_space<hbm>>
          tpu.enqueue_dma source(%dma_start3A_36 : memref<128xi32, #tpu.memory_space<hbm>>) target(%arg9 : memref<128xi32, #tpu.memory_space<vmem>>) target_semaphore(%run_scoped3A : memref<!tpu.dma_semaphore, #tpu.memory_space<semaphore_mem>>)
          %dma_wait3A_37 = arith.constant 0 : i32
          %dma_wait3A_38 = tpu.memref_slice %arg5[%arg1, %scan3A_26, %dma_wait3A_37] : memref<16x158x128xi32, #tpu.memory_space<hbm>> -> memref<1x1x128xi32, #tpu.memory_space<hbm>>
          %dma_wait3A_39 = tpu.memref_squeeze %dma_wait3A_38 : memref<1x1x128xi32, #tpu.memory_space<hbm>> -> memref<128xi32, #tpu.memory_space<hbm>>
          %dma_wait3A_40 = arith.constant 0 : i32
          %dma_wait3A_41 = tpu.memref_slice %arg5[%arg1, %scan3A_26, %dma_wait3A_40] : memref<16x158x128xi32, #tpu.memory_space<hbm>> -> memref<1x1x128xi32, #tpu.memory_space<hbm>>
          %dma_wait3A_42 = tpu.memref_squeeze %dma_wait3A_41 : memref<1x1x128xi32, #tpu.memory_space<hbm>> -> memref<128xi32, #tpu.memory_space<hbm>>
          tpu.wait_dma2 semaphore(%run_scoped3A : memref<!tpu.dma_semaphore, #tpu.memory_space<semaphore_mem>>) src(%dma_wait3A_42 : memref<128xi32, #tpu.memory_space<hbm>>) dst(%arg9 : memref<128xi32, #tpu.memory_space<vmem>>)
          tpu.yield
        }) : () -> ()
        "tpu.region"() ({
          %run_scoped3A = tpu.sem_alloc : memref<!tpu.dma_semaphore, #tpu.memory_space<semaphore_mem>>
          %dma_start3A_31 = arith.constant 0 : i32
          %dma_start3A_32 = tpu.memref_slice %arg6[%arg1, %scan3A_26, %dma_start3A_31] : memref<16x158x128xi32, #tpu.memory_space<hbm>> -> memref<1x1x128xi32, #tpu.memory_space<hbm>>
          %dma_start3A_33 = tpu.memref_squeeze %dma_start3A_32 : memref<1x1x128xi32, #tpu.memory_space<hbm>> -> memref<128xi32, #tpu.memory_space<hbm>>
          %dma_start3A_34 = arith.constant 0 : i32
          %dma_start3A_35 = tpu.memref_slice %arg6[%arg1, %scan3A_26, %dma_start3A_34] : memref<16x158x128xi32, #tpu.memory_space<hbm>> -> memref<1x1x128xi32, #tpu.memory_space<hbm>>
          %dma_start3A_36 = tpu.memref_squeeze %dma_start3A_35 : memref<1x1x128xi32, #tpu.memory_space<hbm>> -> memref<128xi32, #tpu.memory_space<hbm>>
          tpu.enqueue_dma source(%dma_start3A_36 : memref<128xi32, #tpu.memory_space<hbm>>) target(%arg10 : memref<128xi32, #tpu.memory_space<vmem>>) target_semaphore(%run_scoped3A : memref<!tpu.dma_semaphore, #tpu.memory_space<semaphore_mem>>)
          %dma_wait3A_37 = arith.constant 0 : i32
          %dma_wait3A_38 = tpu.memref_slice %arg6[%arg1, %scan3A_26, %dma_wait3A_37] : memref<16x158x128xi32, #tpu.memory_space<hbm>> -> memref<1x1x128xi32, #tpu.memory_space<hbm>>
          %dma_wait3A_39 = tpu.memref_squeeze %dma_wait3A_38 : memref<1x1x128xi32, #tpu.memory_space<hbm>> -> memref<128xi32, #tpu.memory_space<hbm>>
          %dma_wait3A_40 = arith.constant 0 : i32
          %dma_wait3A_41 = tpu.memref_slice %arg6[%arg1, %scan3A_26, %dma_wait3A_40] : memref<16x158x128xi32, #tpu.memory_space<hbm>> -> memref<1x1x128xi32, #tpu.memory_space<hbm>>
          %dma_wait3A_42 = tpu.memref_squeeze %dma_wait3A_41 : memref<1x1x128xi32, #tpu.memory_space<hbm>> -> memref<128xi32, #tpu.memory_space<hbm>>
          tpu.wait_dma2 semaphore(%run_scoped3A : memref<!tpu.dma_semaphore, #tpu.memory_space<semaphore_mem>>) src(%dma_wait3A_42 : memref<128xi32, #tpu.memory_space<hbm>>) dst(%arg10 : memref<128xi32, #tpu.memory_space<vmem>>)
          tpu.yield
        }) : () -> ()
        %dma_start3A = arith.constant 0 : i32
        %dma_start3A_27 = arith.constant 0 : i32
        %dma_start3A_28 = tpu.memref_slice %arg3[%dma_start3A, %dma_start3A_27] : memref<10000x128xf32, #tpu.memory_space<hbm>> -> memref<10000x128xf32, #tpu.memory_space<hbm>>
        tpu.enqueue_indirect_dma source(%dma_start3A_28 : memref<10000x128xf32, #tpu.memory_space<hbm>>) target(%arg11 : memref<128x128xf32, #tpu.memory_space<vmem>>) offsets(%arg9 : memref<128xi32, #tpu.memory_space<vmem>>) semaphore(%arg13 : memref<!tpu.dma_semaphore, #tpu.memory_space<semaphore_mem>>)
        %dma_wait3A = arith.constant 0 : i32
        %dma_wait3A_29 = arith.constant 0 : i32
        %dma_wait3A_30 = tpu.memref_slice %arg3[%dma_wait3A, %dma_wait3A_29] : memref<10000x128xf32, #tpu.memory_space<hbm>> -> memref<10000x128xf32, #tpu.memory_space<hbm>>
        tpu.wait_indirect_dma semaphore(%arg13 : memref<!tpu.dma_semaphore, #tpu.memory_space<semaphore_mem>>) src(%dma_wait3A_30 : memref<10000x128xf32, #tpu.memory_space<hbm>>) dst(%arg11 : memref<128x128xf32, #tpu.memory_space<vmem>>)
        "tpu.region"() ({
          %run_scoped3A = tpu.sem_alloc : memref<!tpu.dma_semaphore, #tpu.memory_space<semaphore_mem>>
          %dma_start3A_31 = arith.constant 0 : i32
          %dma_start3A_32 = arith.constant 0 : i32
          %dma_start3A_33 = tpu.memref_slice %arg12[%dma_start3A_31, %dma_start3A_32] : memref<10240x128xf32, #tpu.memory_space<vmem_shared>> -> memref<10240x128xf32, #tpu.memory_space<vmem_shared>>
          tpu.enqueue_indirect_dma source(%arg11 : memref<128x128xf32, #tpu.memory_space<vmem>>) target(%dma_start3A_33 : memref<10240x128xf32, #tpu.memory_space<vmem_shared>>) offsets(%arg10 : memref<128xi32, #tpu.memory_space<vmem>>) semaphore(%run_scoped3A : memref<!tpu.dma_semaphore, #tpu.memory_space<semaphore_mem>>) {add = true}
          %dma_wait3A_34 = arith.constant 0 : i32
          %dma_wait3A_35 = arith.constant 0 : i32
          %dma_wait3A_36 = tpu.memref_slice %arg12[%dma_wait3A_34, %dma_wait3A_35] : memref<10240x128xf32, #tpu.memory_space<vmem_shared>> -> memref<10240x128xf32, #tpu.memory_space<vmem_shared>>
          tpu.wait_indirect_dma semaphore(%run_scoped3A : memref<!tpu.dma_semaphore, #tpu.memory_space<semaphore_mem>>) src(%arg11 : memref<128x128xf32, #tpu.memory_space<vmem>>) dst(%dma_wait3A_36 : memref<10240x128xf32, #tpu.memory_space<vmem_shared>>)
          tpu.yield
        }) : () -> ()
      }
      %scan3A_25 = arith.constant 158 : i32
    } else {
    }
    %barrier3A_10 = arith.constant 0 : index
    tpu.barrier barrier_id(%barrier3A_10)
    %eq3A_11 = arith.constant 0 : i32
    %eq3A_12 = arith.cmpi eq, %arg0, %eq3A_11 : i32
    %convert_element_type3A_13 = arith.extui %eq3A_12 : i1 to i32
    %cond3A_14 = arith.constant 0 : i32
    %cond3A_15 = arith.cmpi ne, %convert_element_type3A_13, %cond3A_14 : i32
    scf.if %cond3A_15 {
      %mul3A_21 = arith.constant 640 : i32
      %mul3A_22 = arith.muli %arg1, %mul3A_21 : i32
      %mul3A_23 = arith.constant 640 : i32
      %mul3A_24 = arith.muli %arg1, %mul3A_23 : i32
      "tpu.region"() ({
        %run_scoped3A = tpu.sem_alloc : memref<!tpu.dma_semaphore, #tpu.memory_space<semaphore_mem>>
        %dma_start3A = arith.constant 0 : i32
        %dma_start3A_25 = tpu.memref_slice %arg7[%mul3A_24, %dma_start3A] : memref<10240x128xf32, #tpu.memory_space<hbm>> -> memref<640x128xf32, #tpu.memory_space<hbm>>
        %dma_start3A_26 = arith.constant 0 : i32
        %dma_start3A_27 = tpu.memref_slice %arg12[%mul3A_22, %dma_start3A_26] : memref<10240x128xf32, #tpu.memory_space<vmem_shared>> -> memref<640x128xf32, #tpu.memory_space<vmem_shared>>
        tpu.enqueue_dma source(%dma_start3A_27 : memref<640x128xf32, #tpu.memory_space<vmem_shared>>) target(%dma_start3A_25 : memref<640x128xf32, #tpu.memory_space<hbm>>) target_semaphore(%run_scoped3A : memref<!tpu.dma_semaphore, #tpu.memory_space<semaphore_mem>>)
        %dma_wait3A = arith.constant 0 : i32
        %dma_wait3A_28 = tpu.memref_slice %arg7[%mul3A_24, %dma_wait3A] : memref<10240x128xf32, #tpu.memory_space<hbm>> -> memref<640x128xf32, #tpu.memory_space<hbm>>
        %dma_wait3A_29 = arith.constant 0 : i32
        %dma_wait3A_30 = tpu.memref_slice %arg12[%mul3A_22, %dma_wait3A_29] : memref<10240x128xf32, #tpu.memory_space<vmem_shared>> -> memref<640x128xf32, #tpu.memory_space<vmem_shared>>
        tpu.wait_dma2 semaphore(%run_scoped3A : memref<!tpu.dma_semaphore, #tpu.memory_space<semaphore_mem>>) src(%dma_wait3A_30 : memref<640x128xf32, #tpu.memory_space<vmem_shared>>) dst(%dma_wait3A_28 : memref<640x128xf32, #tpu.memory_space<hbm>>)
        tpu.yield
      }) : () -> ()
    } else {
    }
    %eq3A_16 = arith.constant 1 : i32
    %eq3A_17 = arith.cmpi eq, %arg0, %eq3A_16 : i32
    %convert_element_type3A_18 = arith.extui %eq3A_17 : i1 to i32
    %cond3A_19 = arith.constant 0 : i32
    %cond3A_20 = arith.cmpi ne, %convert_element_type3A_18, %cond3A_19 : i32
    scf.if %cond3A_20 {
      %mul3A_21 = arith.constant 640 : i32
      %mul3A_22 = arith.muli %arg1, %mul3A_21 : i32
      %mul3A_23 = arith.constant 640 : i32
      %mul3A_24 = arith.muli %arg1, %mul3A_23 : i32
      "tpu.region"() ({
        %run_scoped3A = tpu.sem_alloc : memref<!tpu.dma_semaphore, #tpu.memory_space<semaphore_mem>>
        %dma_start3A = arith.constant 0 : i32
        %dma_start3A_25 = tpu.memref_slice %arg8[%mul3A_24, %dma_start3A] : memref<10240x128xf32, #tpu.memory_space<hbm>> -> memref<640x128xf32, #tpu.memory_space<hbm>>
        %dma_start3A_26 = arith.constant 0 : i32
        %dma_start3A_27 = tpu.memref_slice %arg12[%mul3A_22, %dma_start3A_26] : memref<10240x128xf32, #tpu.memory_space<vmem_shared>> -> memref<640x128xf32, #tpu.memory_space<vmem_shared>>
        tpu.enqueue_dma source(%dma_start3A_27 : memref<640x128xf32, #tpu.memory_space<vmem_shared>>) target(%dma_start3A_25 : memref<640x128xf32, #tpu.memory_space<hbm>>) target_semaphore(%run_scoped3A : memref<!tpu.dma_semaphore, #tpu.memory_space<semaphore_mem>>)
        %dma_wait3A = arith.constant 0 : i32
        %dma_wait3A_28 = tpu.memref_slice %arg8[%mul3A_24, %dma_wait3A] : memref<10240x128xf32, #tpu.memory_space<hbm>> -> memref<640x128xf32, #tpu.memory_space<hbm>>
        %dma_wait3A_29 = arith.constant 0 : i32
        %dma_wait3A_30 = tpu.memref_slice %arg12[%mul3A_22, %dma_wait3A_29] : memref<10240x128xf32, #tpu.memory_space<vmem_shared>> -> memref<640x128xf32, #tpu.memory_space<vmem_shared>>
        tpu.wait_dma2 semaphore(%run_scoped3A : memref<!tpu.dma_semaphore, #tpu.memory_space<semaphore_mem>>) src(%dma_wait3A_30 : memref<640x128xf32, #tpu.memory_space<vmem_shared>>) dst(%dma_wait3A_28 : memref<640x128xf32, #tpu.memory_space<hbm>>)
        tpu.yield
      }) : () -> ()
    } else {
    }
    return
  }
}

#map = affine_map<(d0, d1) -> (0, 0)>
#map1 = affine_map<(d0, d1) -> (0)>
module attributes {stable_mosaic.version = 14 : i64} {
  func.func @_sc_pairgather(%arg0: i32, %arg1: i32, %arg2: memref<10000x128xf32, #tpu.memory_space<hbm>>, %arg3: memref<10000x128xf32, #tpu.memory_space<hbm>>, %arg4: memref<2048xi32, #tpu.memory_space<hbm>>, %arg5: memref<2048x128xf32, #tpu.memory_space<hbm>>, %arg6: memref<2048x128xf32, #tpu.memory_space<hbm>>, %arg7: memref<64xi32, #tpu.memory_space<vmem>>, %arg8: memref<64x128xf32, #tpu.memory_space<vmem>>, %arg9: memref<!tpu.dma_semaphore, #tpu.memory_space<semaphore_mem>>) attributes {dimension_semantics = [#tpu.dimension_semantics<core_parallel>, #tpu.dimension_semantics<subcore_parallel>], iteration_bounds = array<i64: 2, 16>, scalar_prefetch = 0 : i64, scratch_operands = 3 : i64, tpu.core_type = #tpu.core_type<sc_vector_subcore>, window_params = [{transform_indices = #map}, {transform_indices = #map}, {transform_indices = #map1}, {transform_indices = #map}, {transform_indices = #map}]} {
    %mul3A = arith.constant 2 : i32
    %mul3A_0 = arith.muli %arg1, %mul3A : i32
    %add3A = arith.addi %mul3A_0, %arg0 : i32
    %mul3A_1 = arith.constant 64 : i32
    %mul3A_2 = arith.muli %add3A, %mul3A_1 : i32
    "tpu.region"() ({
      %run_scoped3A = tpu.sem_alloc : memref<!tpu.dma_semaphore, #tpu.memory_space<semaphore_mem>>
      %dma_start3A_13 = tpu.memref_slice %arg4[%mul3A_2] : memref<2048xi32, #tpu.memory_space<hbm>> -> memref<64xi32, #tpu.memory_space<hbm>>
      %dma_start3A_14 = tpu.memref_slice %arg4[%mul3A_2] : memref<2048xi32, #tpu.memory_space<hbm>> -> memref<64xi32, #tpu.memory_space<hbm>>
      tpu.enqueue_dma source(%dma_start3A_14 : memref<64xi32, #tpu.memory_space<hbm>>) target(%arg7 : memref<64xi32, #tpu.memory_space<vmem>>) target_semaphore(%run_scoped3A : memref<!tpu.dma_semaphore, #tpu.memory_space<semaphore_mem>>)
      %dma_wait3A_15 = tpu.memref_slice %arg4[%mul3A_2] : memref<2048xi32, #tpu.memory_space<hbm>> -> memref<64xi32, #tpu.memory_space<hbm>>
      %dma_wait3A_16 = tpu.memref_slice %arg4[%mul3A_2] : memref<2048xi32, #tpu.memory_space<hbm>> -> memref<64xi32, #tpu.memory_space<hbm>>
      tpu.wait_dma2 semaphore(%run_scoped3A : memref<!tpu.dma_semaphore, #tpu.memory_space<semaphore_mem>>) src(%dma_wait3A_16 : memref<64xi32, #tpu.memory_space<hbm>>) dst(%arg7 : memref<64xi32, #tpu.memory_space<vmem>>)
      tpu.yield
    }) : () -> ()
    %dma_start3A = arith.constant 0 : i32
    %dma_start3A_3 = arith.constant 0 : i32
    %dma_start3A_4 = tpu.memref_slice %arg2[%dma_start3A, %dma_start3A_3] : memref<10000x128xf32, #tpu.memory_space<hbm>> -> memref<10000x128xf32, #tpu.memory_space<hbm>>
    tpu.enqueue_indirect_dma source(%dma_start3A_4 : memref<10000x128xf32, #tpu.memory_space<hbm>>) target(%arg8 : memref<64x128xf32, #tpu.memory_space<vmem>>) offsets(%arg7 : memref<64xi32, #tpu.memory_space<vmem>>) semaphore(%arg9 : memref<!tpu.dma_semaphore, #tpu.memory_space<semaphore_mem>>)
    %dma_wait3A = arith.constant 0 : i32
    %dma_wait3A_5 = arith.constant 0 : i32
    %dma_wait3A_6 = tpu.memref_slice %arg2[%dma_wait3A, %dma_wait3A_5] : memref<10000x128xf32, #tpu.memory_space<hbm>> -> memref<10000x128xf32, #tpu.memory_space<hbm>>
    tpu.wait_indirect_dma semaphore(%arg9 : memref<!tpu.dma_semaphore, #tpu.memory_space<semaphore_mem>>) src(%dma_wait3A_6 : memref<10000x128xf32, #tpu.memory_space<hbm>>) dst(%arg8 : memref<64x128xf32, #tpu.memory_space<vmem>>)
    "tpu.region"() ({
      %run_scoped3A = tpu.sem_alloc : memref<!tpu.dma_semaphore, #tpu.memory_space<semaphore_mem>>
      %dma_start3A_13 = arith.constant 0 : i32
      %dma_start3A_14 = tpu.memref_slice %arg5[%mul3A_2, %dma_start3A_13] : memref<2048x128xf32, #tpu.memory_space<hbm>> -> memref<64x128xf32, #tpu.memory_space<hbm>>
      %dma_start3A_15 = arith.constant 0 : i32
      %dma_start3A_16 = tpu.memref_slice %arg5[%mul3A_2, %dma_start3A_15] : memref<2048x128xf32, #tpu.memory_space<hbm>> -> memref<64x128xf32, #tpu.memory_space<hbm>>
      tpu.enqueue_dma source(%arg8 : memref<64x128xf32, #tpu.memory_space<vmem>>) target(%dma_start3A_16 : memref<64x128xf32, #tpu.memory_space<hbm>>) target_semaphore(%run_scoped3A : memref<!tpu.dma_semaphore, #tpu.memory_space<semaphore_mem>>)
      %dma_wait3A_17 = arith.constant 0 : i32
      %dma_wait3A_18 = tpu.memref_slice %arg5[%mul3A_2, %dma_wait3A_17] : memref<2048x128xf32, #tpu.memory_space<hbm>> -> memref<64x128xf32, #tpu.memory_space<hbm>>
      %dma_wait3A_19 = arith.constant 0 : i32
      %dma_wait3A_20 = tpu.memref_slice %arg5[%mul3A_2, %dma_wait3A_19] : memref<2048x128xf32, #tpu.memory_space<hbm>> -> memref<64x128xf32, #tpu.memory_space<hbm>>
      tpu.wait_dma2 semaphore(%run_scoped3A : memref<!tpu.dma_semaphore, #tpu.memory_space<semaphore_mem>>) src(%arg8 : memref<64x128xf32, #tpu.memory_space<vmem>>) dst(%dma_wait3A_20 : memref<64x128xf32, #tpu.memory_space<hbm>>)
      tpu.yield
    }) : () -> ()
    %dma_start3A_7 = arith.constant 0 : i32
    %dma_start3A_8 = arith.constant 0 : i32
    %dma_start3A_9 = tpu.memref_slice %arg3[%dma_start3A_7, %dma_start3A_8] : memref<10000x128xf32, #tpu.memory_space<hbm>> -> memref<10000x128xf32, #tpu.memory_space<hbm>>
    tpu.enqueue_indirect_dma source(%dma_start3A_9 : memref<10000x128xf32, #tpu.memory_space<hbm>>) target(%arg8 : memref<64x128xf32, #tpu.memory_space<vmem>>) offsets(%arg7 : memref<64xi32, #tpu.memory_space<vmem>>) semaphore(%arg9 : memref<!tpu.dma_semaphore, #tpu.memory_space<semaphore_mem>>)
    %dma_wait3A_10 = arith.constant 0 : i32
    %dma_wait3A_11 = arith.constant 0 : i32
    %dma_wait3A_12 = tpu.memref_slice %arg3[%dma_wait3A_10, %dma_wait3A_11] : memref<10000x128xf32, #tpu.memory_space<hbm>> -> memref<10000x128xf32, #tpu.memory_space<hbm>>
    tpu.wait_indirect_dma semaphore(%arg9 : memref<!tpu.dma_semaphore, #tpu.memory_space<semaphore_mem>>) src(%dma_wait3A_12 : memref<10000x128xf32, #tpu.memory_space<hbm>>) dst(%arg8 : memref<64x128xf32, #tpu.memory_space<vmem>>)
    "tpu.region"() ({
      %run_scoped3A = tpu.sem_alloc : memref<!tpu.dma_semaphore, #tpu.memory_space<semaphore_mem>>
      %dma_start3A_13 = arith.constant 0 : i32
      %dma_start3A_14 = tpu.memref_slice %arg6[%mul3A_2, %dma_start3A_13] : memref<2048x128xf32, #tpu.memory_space<hbm>> -> memref<64x128xf32, #tpu.memory_space<hbm>>
      %dma_start3A_15 = arith.constant 0 : i32
      %dma_start3A_16 = tpu.memref_slice %arg6[%mul3A_2, %dma_start3A_15] : memref<2048x128xf32, #tpu.memory_space<hbm>> -> memref<64x128xf32, #tpu.memory_space<hbm>>
      tpu.enqueue_dma source(%arg8 : memref<64x128xf32, #tpu.memory_space<vmem>>) target(%dma_start3A_16 : memref<64x128xf32, #tpu.memory_space<hbm>>) target_semaphore(%run_scoped3A : memref<!tpu.dma_semaphore, #tpu.memory_space<semaphore_mem>>)
      %dma_wait3A_17 = arith.constant 0 : i32
      %dma_wait3A_18 = tpu.memref_slice %arg6[%mul3A_2, %dma_wait3A_17] : memref<2048x128xf32, #tpu.memory_space<hbm>> -> memref<64x128xf32, #tpu.memory_space<hbm>>
      %dma_wait3A_19 = arith.constant 0 : i32
      %dma_wait3A_20 = tpu.memref_slice %arg6[%mul3A_2, %dma_wait3A_19] : memref<2048x128xf32, #tpu.memory_space<hbm>> -> memref<64x128xf32, #tpu.memory_space<hbm>>
      tpu.wait_dma2 semaphore(%run_scoped3A : memref<!tpu.dma_semaphore, #tpu.memory_space<semaphore_mem>>) src(%arg8 : memref<64x128xf32, #tpu.memory_space<vmem>>) dst(%dma_wait3A_20 : memref<64x128xf32, #tpu.memory_space<hbm>>)
      tpu.yield
    }) : () -> ()
    return
  }
}

module attributes {stable_mosaic.version = 14 : i64} {
  func.func @_tc_init_body(%arg0: i32, %arg1: memref<1000x256xf32, #tpu.memory_space<vmem>>, %arg2: memref<256x256xf32, #tpu.memory_space<vmem>>, %arg3: memref<1x256xf32, #tpu.memory_space<vmem>>, %arg4: memref<1000x128xf32, #tpu.memory_space<vmem>>, %arg5: memref<1000x128xf32, #tpu.memory_space<vmem>>) attributes {dimension_semantics = [#tpu.dimension_semantics<arbitrary>], iteration_bounds = array<i64: 10>, scalar_prefetch = 0 : i64, scratch_operands = 0 : i64, tpu.core_type = #tpu.core_type<tc>, window_params = [{transform_indices = @transform_0, window_bounds = array<i64: 1000, 256>}, {pipeline_mode = #tpu.pipeline_mode<synchronous>, transform_indices = @transform_1, window_bounds = array<i64: 256, 256>}, {pipeline_mode = #tpu.pipeline_mode<synchronous>, transform_indices = @transform_2, window_bounds = array<i64: 1, 256>}, {transform_indices = @transform_3, window_bounds = array<i64: 1000, 128>}, {transform_indices = @transform_4, window_bounds = array<i64: 1000, 128>}]} {
    %get3A = arith.constant 0 : index
    %get3A_0 = arith.constant 0 : index
    %get3A_1 = vector.load %arg1[%get3A, %get3A_0] : memref<1000x256xf32, #tpu.memory_space<vmem>>, vector<1000x256xf32>
    %get3A_2 = arith.constant 0 : index
    %get3A_3 = arith.constant 0 : index
    %get3A_4 = vector.load %arg2[%get3A_2, %get3A_3] : memref<256x256xf32, #tpu.memory_space<vmem>>, vector<256x256xf32>
    %dot_general3A = arith.constant dense<0.000000e+00> : vector<1000x256xf32>
    %dot_general3A_5 = tpu.matmul %get3A_1, %get3A_4, %dot_general3A {dimension_numbers = #tpu.dot_dimension_numbers<[1], [0], [0], [1], [0, 0, 1, 1], [], []>, transpose_lhs_hint = false} : vector<1000x256xf32>, vector<256x256xf32>, vector<1000x256xf32> -> vector<1000x256xf32>
    %get3A_6 = arith.constant 0 : index
    %get3A_7 = arith.constant 0 : index
    %get3A_8 = vector.load %arg3[%get3A_6, %get3A_7] : memref<1x256xf32, #tpu.memory_space<vmem>>, vector<1x256xf32>
    %add3A = vector.broadcast %get3A_8 : vector<1x256xf32> to vector<1000x256xf32>
    %add3A_9 = arith.addf %dot_general3A_5, %add3A : vector<1000x256xf32>
    %max3A = arith.constant 0.000000e+00 : f32
    %max3A_10 = vector.broadcast %max3A : f32 to vector<1000x256xf32>
    %max3A_11 = arith.maximumf %add3A_9, %max3A_10 : vector<1000x256xf32>
    %slice3A = vector.extract_strided_slice %max3A_11 {offsets = [0, 0], sizes = [1000, 128], strides = [1, 1]} : vector<1000x256xf32> to vector<1000x128xf32>
    %swap3A = arith.constant 0 : index
    %swap3A_12 = arith.constant 0 : index
    %swap3A_13 = vector.load %arg4[%swap3A, %swap3A_12] : memref<1000x128xf32, #tpu.memory_space<vmem>>, vector<1000x128xf32>
    tpu.vector_store %arg4[%swap3A, %swap3A_12], %slice3A {strides = array<i32>} : memref<1000x128xf32, #tpu.memory_space<vmem>>, vector<1000x128xf32>,
    %slice3A_14 = vector.extract_strided_slice %max3A_11 {offsets = [0, 128], sizes = [1000, 128], strides = [1, 1]} : vector<1000x256xf32> to vector<1000x128xf32>
    %swap3A_15 = arith.constant 0 : index
    %swap3A_16 = arith.constant 0 : index
    %swap3A_17 = vector.load %arg5[%swap3A_15, %swap3A_16] : memref<1000x128xf32, #tpu.memory_space<vmem>>, vector<1000x128xf32>
    tpu.vector_store %arg5[%swap3A_15, %swap3A_16], %slice3A_14 {strides = array<i32>} : memref<1000x128xf32, #tpu.memory_space<vmem>>, vector<1000x128xf32>,
    return
  }
  func.func @transform_0(%arg0: i32) -> (i32, i32) {
    %c0_i32 = arith.constant 0 : i32
    %c0_i32_0 = arith.constant 0 : i32
    return %arg0, %c0_i32 : i32, i32
  }
  func.func @transform_1(%arg0: i32) -> (i32, i32) {
    %c0_i32 = arith.constant 0 : i32
    %c0_i32_0 = arith.constant 0 : i32
    %c0_i32_1 = arith.constant 0 : i32
    return %c0_i32, %c0_i32_0 : i32, i32
  }
  func.func @transform_2(%arg0: i32) -> (i32, i32) {
    %c0_i32 = arith.constant 0 : i32
    %c0_i32_0 = arith.constant 0 : i32
    %c0_i32_1 = arith.constant 0 : i32
    return %c0_i32, %c0_i32_0 : i32, i32
  }
  func.func @transform_3(%arg0: i32) -> (i32, i32) {
    %c0_i32 = arith.constant 0 : i32
    %c0_i32_0 = arith.constant 0 : i32
    return %arg0, %c0_i32 : i32, i32
  }
  func.func @transform_4(%arg0: i32) -> (i32, i32) {
    %c0_i32 = arith.constant 0 : i32
    %c0_i32_0 = arith.constant 0 : i32
    return %arg0, %c0_i32 : i32, i32
  }
}

module attributes {stable_mosaic.version = 14 : i64} {
  func.func @_tc_layer_body(%arg0: i32, %arg1: memref<1000x128xf32, #tpu.memory_space<vmem>>, %arg2: memref<1000x128xf32, #tpu.memory_space<vmem>>, %arg3: memref<1000x128xf32, #tpu.memory_space<vmem>>, %arg4: memref<1000x128xf32, #tpu.memory_space<vmem>>, %arg5: memref<256x256xf32, #tpu.memory_space<vmem>>, %arg6: memref<1000x128xf32, #tpu.memory_space<vmem>>, %arg7: memref<1000x128xf32, #tpu.memory_space<vmem>>) attributes {dimension_semantics = [#tpu.dimension_semantics<arbitrary>], iteration_bounds = array<i64: 10>, scalar_prefetch = 0 : i64, scratch_operands = 0 : i64, tpu.core_type = #tpu.core_type<tc>, window_params = [{transform_indices = @transform_0, window_bounds = array<i64: 1000, 128>}, {transform_indices = @transform_1, window_bounds = array<i64: 1000, 128>}, {transform_indices = @transform_2, window_bounds = array<i64: 1000, 128>}, {transform_indices = @transform_3, window_bounds = array<i64: 1000, 128>}, {pipeline_mode = #tpu.pipeline_mode<synchronous>, transform_indices = @transform_4, window_bounds = array<i64: 256, 256>}, {transform_indices = @transform_5, window_bounds = array<i64: 1000, 128>}, {transform_indices = @transform_6, window_bounds = array<i64: 1000, 128>}]} {
    %get3A = arith.constant 0 : index
    %get3A_0 = arith.constant 0 : index
    %get3A_1 = vector.load %arg1[%get3A, %get3A_0] : memref<1000x128xf32, #tpu.memory_space<vmem>>, vector<1000x128xf32>
    %mul3A = arith.constant 0.899999976 : f32
    %mul3A_2 = vector.broadcast %mul3A : f32 to vector<1000x128xf32>
    %mul3A_3 = arith.mulf %mul3A_2, %get3A_1 : vector<1000x128xf32>
    %get3A_4 = arith.constant 0 : index
    %get3A_5 = arith.constant 0 : index
    %get3A_6 = vector.load %arg3[%get3A_4, %get3A_5] : memref<1000x128xf32, #tpu.memory_space<vmem>>, vector<1000x128xf32>
    %mul3A_7 = arith.constant 1.000000e-01 : f32
    %mul3A_8 = vector.broadcast %mul3A_7 : f32 to vector<1000x128xf32>
    %mul3A_9 = arith.mulf %mul3A_8, %get3A_6 : vector<1000x128xf32>
    %add3A = arith.addf %mul3A_3, %mul3A_9 : vector<1000x128xf32>
    %get3A_10 = arith.constant 0 : index
    %get3A_11 = arith.constant 0 : index
    %get3A_12 = vector.load %arg2[%get3A_10, %get3A_11] : memref<1000x128xf32, #tpu.memory_space<vmem>>, vector<1000x128xf32>
    %mul3A_13 = arith.constant 0.899999976 : f32
    %mul3A_14 = vector.broadcast %mul3A_13 : f32 to vector<1000x128xf32>
    %mul3A_15 = arith.mulf %mul3A_14, %get3A_12 : vector<1000x128xf32>
    %get3A_16 = arith.constant 0 : index
    %get3A_17 = arith.constant 0 : index
    %get3A_18 = vector.load %arg4[%get3A_16, %get3A_17] : memref<1000x128xf32, #tpu.memory_space<vmem>>, vector<1000x128xf32>
    %mul3A_19 = arith.constant 1.000000e-01 : f32
    %mul3A_20 = vector.broadcast %mul3A_19 : f32 to vector<1000x128xf32>
    %mul3A_21 = arith.mulf %mul3A_20, %get3A_18 : vector<1000x128xf32>
    %add3A_22 = arith.addf %mul3A_15, %mul3A_21 : vector<1000x128xf32>
    %get3A_23 = arith.constant 0 : index
    %get3A_24 = arith.constant 0 : index
    %get3A_25 = vector.load %arg5[%get3A_23, %get3A_24] : memref<256x256xf32, #tpu.memory_space<vmem>>, vector<128x256xf32>
    %dot_general3A = arith.constant dense<0.000000e+00> : vector<1000x256xf32>
    %dot_general3A_26 = tpu.matmul %add3A, %get3A_25, %dot_general3A {dimension_numbers = #tpu.dot_dimension_numbers<[1], [0], [0], [1], [0, 0, 1, 1], [], []>, transpose_lhs_hint = false} : vector<1000x128xf32>, vector<128x256xf32>, vector<1000x256xf32> -> vector<1000x256xf32>
    %get3A_27 = arith.constant 128 : index
    %get3A_28 = arith.constant 0 : index
    %get3A_29 = vector.load %arg5[%get3A_27, %get3A_28] : memref<256x256xf32, #tpu.memory_space<vmem>>, vector<128x256xf32>
    %dot_general3A_30 = arith.constant dense<0.000000e+00> : vector<1000x256xf32>
    %dot_general3A_31 = tpu.matmul %add3A_22, %get3A_29, %dot_general3A_30 {dimension_numbers = #tpu.dot_dimension_numbers<[1], [0], [0], [1], [0, 0, 1, 1], [], []>, transpose_lhs_hint = false} : vector<1000x128xf32>, vector<128x256xf32>, vector<1000x256xf32> -> vector<1000x256xf32>
    %add3A_32 = arith.addf %dot_general3A_26, %dot_general3A_31 : vector<1000x256xf32>
    %mul3A_33 = arith.constant 0.594534874 : f32
    %mul3A_34 = vector.broadcast %mul3A_33 : f32 to vector<1000x128xf32>
    %mul3A_35 = arith.mulf %mul3A_34, %add3A : vector<1000x128xf32>
    %slice3A = vector.extract_strided_slice %add3A_32 {offsets = [0, 0], sizes = [1000, 128], strides = [1, 1]} : vector<1000x256xf32> to vector<1000x128xf32>
    %mul3A_36 = arith.constant 0.405465096 : f32
    %mul3A_37 = vector.broadcast %mul3A_36 : f32 to vector<1000x128xf32>
    %mul3A_38 = arith.mulf %mul3A_37, %slice3A : vector<1000x128xf32>
    %add3A_39 = arith.addf %mul3A_35, %mul3A_38 : vector<1000x128xf32>
    %max3A = arith.constant 0.000000e+00 : f32
    %max3A_40 = vector.broadcast %max3A : f32 to vector<1000x128xf32>
    %max3A_41 = arith.maximumf %add3A_39, %max3A_40 : vector<1000x128xf32>
    %swap3A = arith.constant 0 : index
    %swap3A_42 = arith.constant 0 : index
    %swap3A_43 = vector.load %arg6[%swap3A, %swap3A_42] : memref<1000x128xf32, #tpu.memory_space<vmem>>, vector<1000x128xf32>
    tpu.vector_store %arg6[%swap3A, %swap3A_42], %max3A_41 {strides = array<i32>} : memref<1000x128xf32, #tpu.memory_space<vmem>>, vector<1000x128xf32>,
    %mul3A_44 = arith.constant 0.594534874 : f32
    %mul3A_45 = vector.broadcast %mul3A_44 : f32 to vector<1000x128xf32>
    %mul3A_46 = arith.mulf %mul3A_45, %add3A_22 : vector<1000x128xf32>
    %slice3A_47 = vector.extract_strided_slice %add3A_32 {offsets = [0, 128], sizes = [1000, 128], strides = [1, 1]} : vector<1000x256xf32> to vector<1000x128xf32>
    %mul3A_48 = arith.constant 0.405465096 : f32
    %mul3A_49 = vector.broadcast %mul3A_48 : f32 to vector<1000x128xf32>
    %mul3A_50 = arith.mulf %mul3A_49, %slice3A_47 : vector<1000x128xf32>
    %add3A_51 = arith.addf %mul3A_46, %mul3A_50 : vector<1000x128xf32>
    %max3A_52 = arith.constant 0.000000e+00 : f32
    %max3A_53 = vector.broadcast %max3A_52 : f32 to vector<1000x128xf32>
    %max3A_54 = arith.maximumf %add3A_51, %max3A_53 : vector<1000x128xf32>
    %swap3A_55 = arith.constant 0 : index
    %swap3A_56 = arith.constant 0 : index
    %swap3A_57 = vector.load %arg7[%swap3A_55, %swap3A_56] : memref<1000x128xf32, #tpu.memory_space<vmem>>, vector<1000x128xf32>
    tpu.vector_store %arg7[%swap3A_55, %swap3A_56], %max3A_54 {strides = array<i32>} : memref<1000x128xf32, #tpu.memory_space<vmem>>, vector<1000x128xf32>,
    return
  }
  func.func @transform_0(%arg0: i32) -> (i32, i32) {
    %c0_i32 = arith.constant 0 : i32
    %c0_i32_0 = arith.constant 0 : i32
    return %arg0, %c0_i32 : i32, i32
  }
  func.func @transform_1(%arg0: i32) -> (i32, i32) {
    %c0_i32 = arith.constant 0 : i32
    %c0_i32_0 = arith.constant 0 : i32
    return %arg0, %c0_i32 : i32, i32
  }
  func.func @transform_2(%arg0: i32) -> (i32, i32) {
    %c0_i32 = arith.constant 0 : i32
    %c0_i32_0 = arith.constant 0 : i32
    return %arg0, %c0_i32 : i32, i32
  }
  func.func @transform_3(%arg0: i32) -> (i32, i32) {
    %c0_i32 = arith.constant 0 : i32
    %c0_i32_0 = arith.constant 0 : i32
    return %arg0, %c0_i32 : i32, i32
  }
  func.func @transform_4(%arg0: i32) -> (i32, i32) {
    %c0_i32 = arith.constant 0 : i32
    %c0_i32_0 = arith.constant 0 : i32
    %c0_i32_1 = arith.constant 0 : i32
    return %c0_i32, %c0_i32_0 : i32, i32
  }
  func.func @transform_5(%arg0: i32) -> (i32, i32) {
    %c0_i32 = arith.constant 0 : i32
    %c0_i32_0 = arith.constant 0 : i32
    return %arg0, %c0_i32 : i32, i32
  }
  func.func @transform_6(%arg0: i32) -> (i32, i32) {
    %c0_i32 = arith.constant 0 : i32
    %c0_i32_0 = arith.constant 0 : i32
    return %arg0, %c0_i32 : i32, i32
  }
}

module attributes {stable_mosaic.version = 14 : i64} {
  func.func @_tc_layer_body(%arg0: i32, %arg1: memref<1000x128xf32, #tpu.memory_space<vmem>>, %arg2: memref<1000x128xf32, #tpu.memory_space<vmem>>, %arg3: memref<1000x128xf32, #tpu.memory_space<vmem>>, %arg4: memref<1000x128xf32, #tpu.memory_space<vmem>>, %arg5: memref<256x256xf32, #tpu.memory_space<vmem>>, %arg6: memref<1000x128xf32, #tpu.memory_space<vmem>>, %arg7: memref<1000x128xf32, #tpu.memory_space<vmem>>) attributes {dimension_semantics = [#tpu.dimension_semantics<arbitrary>], iteration_bounds = array<i64: 10>, scalar_prefetch = 0 : i64, scratch_operands = 0 : i64, tpu.core_type = #tpu.core_type<tc>, window_params = [{transform_indices = @transform_0, window_bounds = array<i64: 1000, 128>}, {transform_indices = @transform_1, window_bounds = array<i64: 1000, 128>}, {transform_indices = @transform_2, window_bounds = array<i64: 1000, 128>}, {transform_indices = @transform_3, window_bounds = array<i64: 1000, 128>}, {pipeline_mode = #tpu.pipeline_mode<synchronous>, transform_indices = @transform_4, window_bounds = array<i64: 256, 256>}, {transform_indices = @transform_5, window_bounds = array<i64: 1000, 128>}, {transform_indices = @transform_6, window_bounds = array<i64: 1000, 128>}]} {
    %get3A = arith.constant 0 : index
    %get3A_0 = arith.constant 0 : index
    %get3A_1 = vector.load %arg1[%get3A, %get3A_0] : memref<1000x128xf32, #tpu.memory_space<vmem>>, vector<1000x128xf32>
    %mul3A = arith.constant 0.899999976 : f32
    %mul3A_2 = vector.broadcast %mul3A : f32 to vector<1000x128xf32>
    %mul3A_3 = arith.mulf %mul3A_2, %get3A_1 : vector<1000x128xf32>
    %get3A_4 = arith.constant 0 : index
    %get3A_5 = arith.constant 0 : index
    %get3A_6 = vector.load %arg3[%get3A_4, %get3A_5] : memref<1000x128xf32, #tpu.memory_space<vmem>>, vector<1000x128xf32>
    %mul3A_7 = arith.constant 1.000000e-01 : f32
    %mul3A_8 = vector.broadcast %mul3A_7 : f32 to vector<1000x128xf32>
    %mul3A_9 = arith.mulf %mul3A_8, %get3A_6 : vector<1000x128xf32>
    %add3A = arith.addf %mul3A_3, %mul3A_9 : vector<1000x128xf32>
    %get3A_10 = arith.constant 0 : index
    %get3A_11 = arith.constant 0 : index
    %get3A_12 = vector.load %arg2[%get3A_10, %get3A_11] : memref<1000x128xf32, #tpu.memory_space<vmem>>, vector<1000x128xf32>
    %mul3A_13 = arith.constant 0.899999976 : f32
    %mul3A_14 = vector.broadcast %mul3A_13 : f32 to vector<1000x128xf32>
    %mul3A_15 = arith.mulf %mul3A_14, %get3A_12 : vector<1000x128xf32>
    %get3A_16 = arith.constant 0 : index
    %get3A_17 = arith.constant 0 : index
    %get3A_18 = vector.load %arg4[%get3A_16, %get3A_17] : memref<1000x128xf32, #tpu.memory_space<vmem>>, vector<1000x128xf32>
    %mul3A_19 = arith.constant 1.000000e-01 : f32
    %mul3A_20 = vector.broadcast %mul3A_19 : f32 to vector<1000x128xf32>
    %mul3A_21 = arith.mulf %mul3A_20, %get3A_18 : vector<1000x128xf32>
    %add3A_22 = arith.addf %mul3A_15, %mul3A_21 : vector<1000x128xf32>
    %get3A_23 = arith.constant 0 : index
    %get3A_24 = arith.constant 0 : index
    %get3A_25 = vector.load %arg5[%get3A_23, %get3A_24] : memref<256x256xf32, #tpu.memory_space<vmem>>, vector<128x256xf32>
    %dot_general3A = arith.constant dense<0.000000e+00> : vector<1000x256xf32>
    %dot_general3A_26 = tpu.matmul %add3A, %get3A_25, %dot_general3A {dimension_numbers = #tpu.dot_dimension_numbers<[1], [0], [0], [1], [0, 0, 1, 1], [], []>, transpose_lhs_hint = false} : vector<1000x128xf32>, vector<128x256xf32>, vector<1000x256xf32> -> vector<1000x256xf32>
    %get3A_27 = arith.constant 128 : index
    %get3A_28 = arith.constant 0 : index
    %get3A_29 = vector.load %arg5[%get3A_27, %get3A_28] : memref<256x256xf32, #tpu.memory_space<vmem>>, vector<128x256xf32>
    %dot_general3A_30 = arith.constant dense<0.000000e+00> : vector<1000x256xf32>
    %dot_general3A_31 = tpu.matmul %add3A_22, %get3A_29, %dot_general3A_30 {dimension_numbers = #tpu.dot_dimension_numbers<[1], [0], [0], [1], [0, 0, 1, 1], [], []>, transpose_lhs_hint = false} : vector<1000x128xf32>, vector<128x256xf32>, vector<1000x256xf32> -> vector<1000x256xf32>
    %add3A_32 = arith.addf %dot_general3A_26, %dot_general3A_31 : vector<1000x256xf32>
    %mul3A_33 = arith.constant 0.776856422 : f32
    %mul3A_34 = vector.broadcast %mul3A_33 : f32 to vector<1000x128xf32>
    %mul3A_35 = arith.mulf %mul3A_34, %add3A : vector<1000x128xf32>
    %slice3A = vector.extract_strided_slice %add3A_32 {offsets = [0, 0], sizes = [1000, 128], strides = [1, 1]} : vector<1000x256xf32> to vector<1000x128xf32>
    %mul3A_36 = arith.constant 0.223143548 : f32
    %mul3A_37 = vector.broadcast %mul3A_36 : f32 to vector<1000x128xf32>
    %mul3A_38 = arith.mulf %mul3A_37, %slice3A : vector<1000x128xf32>
    %add3A_39 = arith.addf %mul3A_35, %mul3A_38 : vector<1000x128xf32>
    %max3A = arith.constant 0.000000e+00 : f32
    %max3A_40 = vector.broadcast %max3A : f32 to vector<1000x128xf32>
    %max3A_41 = arith.maximumf %add3A_39, %max3A_40 : vector<1000x128xf32>
    %swap3A = arith.constant 0 : index
    %swap3A_42 = arith.constant 0 : index
    %swap3A_43 = vector.load %arg6[%swap3A, %swap3A_42] : memref<1000x128xf32, #tpu.memory_space<vmem>>, vector<1000x128xf32>
    tpu.vector_store %arg6[%swap3A, %swap3A_42], %max3A_41 {strides = array<i32>} : memref<1000x128xf32, #tpu.memory_space<vmem>>, vector<1000x128xf32>,
    %mul3A_44 = arith.constant 0.776856422 : f32
    %mul3A_45 = vector.broadcast %mul3A_44 : f32 to vector<1000x128xf32>
    %mul3A_46 = arith.mulf %mul3A_45, %add3A_22 : vector<1000x128xf32>
    %slice3A_47 = vector.extract_strided_slice %add3A_32 {offsets = [0, 128], sizes = [1000, 128], strides = [1, 1]} : vector<1000x256xf32> to vector<1000x128xf32>
    %mul3A_48 = arith.constant 0.223143548 : f32
    %mul3A_49 = vector.broadcast %mul3A_48 : f32 to vector<1000x128xf32>
    %mul3A_50 = arith.mulf %mul3A_49, %slice3A_47 : vector<1000x128xf32>
    %add3A_51 = arith.addf %mul3A_46, %mul3A_50 : vector<1000x128xf32>
    %max3A_52 = arith.constant 0.000000e+00 : f32
    %max3A_53 = vector.broadcast %max3A_52 : f32 to vector<1000x128xf32>
    %max3A_54 = arith.maximumf %add3A_51, %max3A_53 : vector<1000x128xf32>
    %swap3A_55 = arith.constant 0 : index
    %swap3A_56 = arith.constant 0 : index
    %swap3A_57 = vector.load %arg7[%swap3A_55, %swap3A_56] : memref<1000x128xf32, #tpu.memory_space<vmem>>, vector<1000x128xf32>
    tpu.vector_store %arg7[%swap3A_55, %swap3A_56], %max3A_54 {strides = array<i32>} : memref<1000x128xf32, #tpu.memory_space<vmem>>, vector<1000x128xf32>,
    return
  }
  func.func @transform_0(%arg0: i32) -> (i32, i32) {
    %c0_i32 = arith.constant 0 : i32
    %c0_i32_0 = arith.constant 0 : i32
    return %arg0, %c0_i32 : i32, i32
  }
  func.func @transform_1(%arg0: i32) -> (i32, i32) {
    %c0_i32 = arith.constant 0 : i32
    %c0_i32_0 = arith.constant 0 : i32
    return %arg0, %c0_i32 : i32, i32
  }
  func.func @transform_2(%arg0: i32) -> (i32, i32) {
    %c0_i32 = arith.constant 0 : i32
    %c0_i32_0 = arith.constant 0 : i32
    return %arg0, %c0_i32 : i32, i32
  }
  func.func @transform_3(%arg0: i32) -> (i32, i32) {
    %c0_i32 = arith.constant 0 : i32
    %c0_i32_0 = arith.constant 0 : i32
    return %arg0, %c0_i32 : i32, i32
  }
  func.func @transform_4(%arg0: i32) -> (i32, i32) {
    %c0_i32 = arith.constant 0 : i32
    %c0_i32_0 = arith.constant 0 : i32
    %c0_i32_1 = arith.constant 0 : i32
    return %c0_i32, %c0_i32_0 : i32, i32
  }
  func.func @transform_5(%arg0: i32) -> (i32, i32) {
    %c0_i32 = arith.constant 0 : i32
    %c0_i32_0 = arith.constant 0 : i32
    return %arg0, %c0_i32 : i32, i32
  }
  func.func @transform_6(%arg0: i32) -> (i32, i32) {
    %c0_i32 = arith.constant 0 : i32
    %c0_i32_0 = arith.constant 0 : i32
    return %arg0, %c0_i32 : i32, i32
  }
}

module attributes {stable_mosaic.version = 14 : i64} {
  func.func @_tc_layer_body(%arg0: i32, %arg1: memref<1000x128xf32, #tpu.memory_space<vmem>>, %arg2: memref<1000x128xf32, #tpu.memory_space<vmem>>, %arg3: memref<1000x128xf32, #tpu.memory_space<vmem>>, %arg4: memref<1000x128xf32, #tpu.memory_space<vmem>>, %arg5: memref<256x256xf32, #tpu.memory_space<vmem>>, %arg6: memref<1000x128xf32, #tpu.memory_space<vmem>>, %arg7: memref<1000x128xf32, #tpu.memory_space<vmem>>) attributes {dimension_semantics = [#tpu.dimension_semantics<arbitrary>], iteration_bounds = array<i64: 10>, scalar_prefetch = 0 : i64, scratch_operands = 0 : i64, tpu.core_type = #tpu.core_type<tc>, window_params = [{transform_indices = @transform_0, window_bounds = array<i64: 1000, 128>}, {transform_indices = @transform_1, window_bounds = array<i64: 1000, 128>}, {transform_indices = @transform_2, window_bounds = array<i64: 1000, 128>}, {transform_indices = @transform_3, window_bounds = array<i64: 1000, 128>}, {pipeline_mode = #tpu.pipeline_mode<synchronous>, transform_indices = @transform_4, window_bounds = array<i64: 256, 256>}, {transform_indices = @transform_5, window_bounds = array<i64: 1000, 128>}, {transform_indices = @transform_6, window_bounds = array<i64: 1000, 128>}]} {
    %get3A = arith.constant 0 : index
    %get3A_0 = arith.constant 0 : index
    %get3A_1 = vector.load %arg1[%get3A, %get3A_0] : memref<1000x128xf32, #tpu.memory_space<vmem>>, vector<1000x128xf32>
    %mul3A = arith.constant 0.899999976 : f32
    %mul3A_2 = vector.broadcast %mul3A : f32 to vector<1000x128xf32>
    %mul3A_3 = arith.mulf %mul3A_2, %get3A_1 : vector<1000x128xf32>
    %get3A_4 = arith.constant 0 : index
    %get3A_5 = arith.constant 0 : index
    %get3A_6 = vector.load %arg3[%get3A_4, %get3A_5] : memref<1000x128xf32, #tpu.memory_space<vmem>>, vector<1000x128xf32>
    %mul3A_7 = arith.constant 1.000000e-01 : f32
    %mul3A_8 = vector.broadcast %mul3A_7 : f32 to vector<1000x128xf32>
    %mul3A_9 = arith.mulf %mul3A_8, %get3A_6 : vector<1000x128xf32>
    %add3A = arith.addf %mul3A_3, %mul3A_9 : vector<1000x128xf32>
    %get3A_10 = arith.constant 0 : index
    %get3A_11 = arith.constant 0 : index
    %get3A_12 = vector.load %arg2[%get3A_10, %get3A_11] : memref<1000x128xf32, #tpu.memory_space<vmem>>, vector<1000x128xf32>
    %mul3A_13 = arith.constant 0.899999976 : f32
    %mul3A_14 = vector.broadcast %mul3A_13 : f32 to vector<1000x128xf32>
    %mul3A_15 = arith.mulf %mul3A_14, %get3A_12 : vector<1000x128xf32>
    %get3A_16 = arith.constant 0 : index
    %get3A_17 = arith.constant 0 : index
    %get3A_18 = vector.load %arg4[%get3A_16, %get3A_17] : memref<1000x128xf32, #tpu.memory_space<vmem>>, vector<1000x128xf32>
    %mul3A_19 = arith.constant 1.000000e-01 : f32
    %mul3A_20 = vector.broadcast %mul3A_19 : f32 to vector<1000x128xf32>
    %mul3A_21 = arith.mulf %mul3A_20, %get3A_18 : vector<1000x128xf32>
    %add3A_22 = arith.addf %mul3A_15, %mul3A_21 : vector<1000x128xf32>
    %get3A_23 = arith.constant 0 : index
    %get3A_24 = arith.constant 0 : index
    %get3A_25 = vector.load %arg5[%get3A_23, %get3A_24] : memref<256x256xf32, #tpu.memory_space<vmem>>, vector<128x256xf32>
    %dot_general3A = arith.constant dense<0.000000e+00> : vector<1000x256xf32>
    %dot_general3A_26 = tpu.matmul %add3A, %get3A_25, %dot_general3A {dimension_numbers = #tpu.dot_dimension_numbers<[1], [0], [0], [1], [0, 0, 1, 1], [], []>, transpose_lhs_hint = false} : vector<1000x128xf32>, vector<128x256xf32>, vector<1000x256xf32> -> vector<1000x256xf32>
    %get3A_27 = arith.constant 128 : index
    %get3A_28 = arith.constant 0 : index
    %get3A_29 = vector.load %arg5[%get3A_27, %get3A_28] : memref<256x256xf32, #tpu.memory_space<vmem>>, vector<128x256xf32>
    %dot_general3A_30 = arith.constant dense<0.000000e+00> : vector<1000x256xf32>
    %dot_general3A_31 = tpu.matmul %add3A_22, %get3A_29, %dot_general3A_30 {dimension_numbers = #tpu.dot_dimension_numbers<[1], [0], [0], [1], [0, 0, 1, 1], [], []>, transpose_lhs_hint = false} : vector<1000x128xf32>, vector<128x256xf32>, vector<1000x256xf32> -> vector<1000x256xf32>
    %add3A_32 = arith.addf %dot_general3A_26, %dot_general3A_31 : vector<1000x256xf32>
    %mul3A_33 = arith.constant 0.845849335 : f32
    %mul3A_34 = vector.broadcast %mul3A_33 : f32 to vector<1000x128xf32>
    %mul3A_35 = arith.mulf %mul3A_34, %add3A : vector<1000x128xf32>
    %slice3A = vector.extract_strided_slice %add3A_32 {offsets = [0, 0], sizes = [1000, 128], strides = [1, 1]} : vector<1000x256xf32> to vector<1000x128xf32>
    %mul3A_36 = arith.constant 0.15415068 : f32
    %mul3A_37 = vector.broadcast %mul3A_36 : f32 to vector<1000x128xf32>
    %mul3A_38 = arith.mulf %mul3A_37, %slice3A : vector<1000x128xf32>
    %add3A_39 = arith.addf %mul3A_35, %mul3A_38 : vector<1000x128xf32>
    %max3A = arith.constant 0.000000e+00 : f32
    %max3A_40 = vector.broadcast %max3A : f32 to vector<1000x128xf32>
    %max3A_41 = arith.maximumf %add3A_39, %max3A_40 : vector<1000x128xf32>
    %swap3A = arith.constant 0 : index
    %swap3A_42 = arith.constant 0 : index
    %swap3A_43 = vector.load %arg6[%swap3A, %swap3A_42] : memref<1000x128xf32, #tpu.memory_space<vmem>>, vector<1000x128xf32>
    tpu.vector_store %arg6[%swap3A, %swap3A_42], %max3A_41 {strides = array<i32>} : memref<1000x128xf32, #tpu.memory_space<vmem>>, vector<1000x128xf32>,
    %mul3A_44 = arith.constant 0.845849335 : f32
    %mul3A_45 = vector.broadcast %mul3A_44 : f32 to vector<1000x128xf32>
    %mul3A_46 = arith.mulf %mul3A_45, %add3A_22 : vector<1000x128xf32>
    %slice3A_47 = vector.extract_strided_slice %add3A_32 {offsets = [0, 128], sizes = [1000, 128], strides = [1, 1]} : vector<1000x256xf32> to vector<1000x128xf32>
    %mul3A_48 = arith.constant 0.15415068 : f32
    %mul3A_49 = vector.broadcast %mul3A_48 : f32 to vector<1000x128xf32>
    %mul3A_50 = arith.mulf %mul3A_49, %slice3A_47 : vector<1000x128xf32>
    %add3A_51 = arith.addf %mul3A_46, %mul3A_50 : vector<1000x128xf32>
    %max3A_52 = arith.constant 0.000000e+00 : f32
    %max3A_53 = vector.broadcast %max3A_52 : f32 to vector<1000x128xf32>
    %max3A_54 = arith.maximumf %add3A_51, %max3A_53 : vector<1000x128xf32>
    %swap3A_55 = arith.constant 0 : index
    %swap3A_56 = arith.constant 0 : index
    %swap3A_57 = vector.load %arg7[%swap3A_55, %swap3A_56] : memref<1000x128xf32, #tpu.memory_space<vmem>>, vector<1000x128xf32>
    tpu.vector_store %arg7[%swap3A_55, %swap3A_56], %max3A_54 {strides = array<i32>} : memref<1000x128xf32, #tpu.memory_space<vmem>>, vector<1000x128xf32>,
    return
  }
  func.func @transform_0(%arg0: i32) -> (i32, i32) {
    %c0_i32 = arith.constant 0 : i32
    %c0_i32_0 = arith.constant 0 : i32
    return %arg0, %c0_i32 : i32, i32
  }
  func.func @transform_1(%arg0: i32) -> (i32, i32) {
    %c0_i32 = arith.constant 0 : i32
    %c0_i32_0 = arith.constant 0 : i32
    return %arg0, %c0_i32 : i32, i32
  }
  func.func @transform_2(%arg0: i32) -> (i32, i32) {
    %c0_i32 = arith.constant 0 : i32
    %c0_i32_0 = arith.constant 0 : i32
    return %arg0, %c0_i32 : i32, i32
  }
  func.func @transform_3(%arg0: i32) -> (i32, i32) {
    %c0_i32 = arith.constant 0 : i32
    %c0_i32_0 = arith.constant 0 : i32
    return %arg0, %c0_i32 : i32, i32
  }
  func.func @transform_4(%arg0: i32) -> (i32, i32) {
    %c0_i32 = arith.constant 0 : i32
    %c0_i32_0 = arith.constant 0 : i32
    %c0_i32_1 = arith.constant 0 : i32
    return %c0_i32, %c0_i32_0 : i32, i32
  }
  func.func @transform_5(%arg0: i32) -> (i32, i32) {
    %c0_i32 = arith.constant 0 : i32
    %c0_i32_0 = arith.constant 0 : i32
    return %arg0, %c0_i32 : i32, i32
  }
  func.func @transform_6(%arg0: i32) -> (i32, i32) {
    %c0_i32 = arith.constant 0 : i32
    %c0_i32_0 = arith.constant 0 : i32
    return %arg0, %c0_i32 : i32, i32
  }
}

module attributes {stable_mosaic.version = 14 : i64} {
  func.func @_tc_layer_body(%arg0: i32, %arg1: memref<1000x128xf32, #tpu.memory_space<vmem>>, %arg2: memref<1000x128xf32, #tpu.memory_space<vmem>>, %arg3: memref<1000x128xf32, #tpu.memory_space<vmem>>, %arg4: memref<1000x128xf32, #tpu.memory_space<vmem>>, %arg5: memref<256x256xf32, #tpu.memory_space<vmem>>, %arg6: memref<1000x128xf32, #tpu.memory_space<vmem>>, %arg7: memref<1000x128xf32, #tpu.memory_space<vmem>>) attributes {dimension_semantics = [#tpu.dimension_semantics<arbitrary>], iteration_bounds = array<i64: 10>, scalar_prefetch = 0 : i64, scratch_operands = 0 : i64, tpu.core_type = #tpu.core_type<tc>, window_params = [{transform_indices = @transform_0, window_bounds = array<i64: 1000, 128>}, {transform_indices = @transform_1, window_bounds = array<i64: 1000, 128>}, {transform_indices = @transform_2, window_bounds = array<i64: 1000, 128>}, {transform_indices = @transform_3, window_bounds = array<i64: 1000, 128>}, {pipeline_mode = #tpu.pipeline_mode<synchronous>, transform_indices = @transform_4, window_bounds = array<i64: 256, 256>}, {transform_indices = @transform_5, window_bounds = array<i64: 1000, 128>}, {transform_indices = @transform_6, window_bounds = array<i64: 1000, 128>}]} {
    %get3A = arith.constant 0 : index
    %get3A_0 = arith.constant 0 : index
    %get3A_1 = vector.load %arg1[%get3A, %get3A_0] : memref<1000x128xf32, #tpu.memory_space<vmem>>, vector<1000x128xf32>
    %mul3A = arith.constant 0.899999976 : f32
    %mul3A_2 = vector.broadcast %mul3A : f32 to vector<1000x128xf32>
    %mul3A_3 = arith.mulf %mul3A_2, %get3A_1 : vector<1000x128xf32>
    %get3A_4 = arith.constant 0 : index
    %get3A_5 = arith.constant 0 : index
    %get3A_6 = vector.load %arg3[%get3A_4, %get3A_5] : memref<1000x128xf32, #tpu.memory_space<vmem>>, vector<1000x128xf32>
    %mul3A_7 = arith.constant 1.000000e-01 : f32
    %mul3A_8 = vector.broadcast %mul3A_7 : f32 to vector<1000x128xf32>
    %mul3A_9 = arith.mulf %mul3A_8, %get3A_6 : vector<1000x128xf32>
    %add3A = arith.addf %mul3A_3, %mul3A_9 : vector<1000x128xf32>
    %get3A_10 = arith.constant 0 : index
    %get3A_11 = arith.constant 0 : index
    %get3A_12 = vector.load %arg2[%get3A_10, %get3A_11] : memref<1000x128xf32, #tpu.memory_space<vmem>>, vector<1000x128xf32>
    %mul3A_13 = arith.constant 0.899999976 : f32
    %mul3A_14 = vector.broadcast %mul3A_13 : f32 to vector<1000x128xf32>
    %mul3A_15 = arith.mulf %mul3A_14, %get3A_12 : vector<1000x128xf32>
    %get3A_16 = arith.constant 0 : index
    %get3A_17 = arith.constant 0 : index
    %get3A_18 = vector.load %arg4[%get3A_16, %get3A_17] : memref<1000x128xf32, #tpu.memory_space<vmem>>, vector<1000x128xf32>
    %mul3A_19 = arith.constant 1.000000e-01 : f32
    %mul3A_20 = vector.broadcast %mul3A_19 : f32 to vector<1000x128xf32>
    %mul3A_21 = arith.mulf %mul3A_20, %get3A_18 : vector<1000x128xf32>
    %add3A_22 = arith.addf %mul3A_15, %mul3A_21 : vector<1000x128xf32>
    %get3A_23 = arith.constant 0 : index
    %get3A_24 = arith.constant 0 : index
    %get3A_25 = vector.load %arg5[%get3A_23, %get3A_24] : memref<256x256xf32, #tpu.memory_space<vmem>>, vector<128x256xf32>
    %dot_general3A = arith.constant dense<0.000000e+00> : vector<1000x256xf32>
    %dot_general3A_26 = tpu.matmul %add3A, %get3A_25, %dot_general3A {dimension_numbers = #tpu.dot_dimension_numbers<[1], [0], [0], [1], [0, 0, 1, 1], [], []>, transpose_lhs_hint = false} : vector<1000x128xf32>, vector<128x256xf32>, vector<1000x256xf32> -> vector<1000x256xf32>
    %get3A_27 = arith.constant 128 : index
    %get3A_28 = arith.constant 0 : index
    %get3A_29 = vector.load %arg5[%get3A_27, %get3A_28] : memref<256x256xf32, #tpu.memory_space<vmem>>, vector<128x256xf32>
    %dot_general3A_30 = arith.constant dense<0.000000e+00> : vector<1000x256xf32>
    %dot_general3A_31 = tpu.matmul %add3A_22, %get3A_29, %dot_general3A_30 {dimension_numbers = #tpu.dot_dimension_numbers<[1], [0], [0], [1], [0, 0, 1, 1], [], []>, transpose_lhs_hint = false} : vector<1000x128xf32>, vector<128x256xf32>, vector<1000x256xf32> -> vector<1000x256xf32>
    %add3A_32 = arith.addf %dot_general3A_26, %dot_general3A_31 : vector<1000x256xf32>
    %mul3A_33 = arith.constant 0.882216989 : f32
    %mul3A_34 = vector.broadcast %mul3A_33 : f32 to vector<1000x128xf32>
    %mul3A_35 = arith.mulf %mul3A_34, %add3A : vector<1000x128xf32>
    %slice3A = vector.extract_strided_slice %add3A_32 {offsets = [0, 0], sizes = [1000, 128], strides = [1, 1]} : vector<1000x256xf32> to vector<1000x128xf32>
    %mul3A_36 = arith.constant 0.117783032 : f32
    %mul3A_37 = vector.broadcast %mul3A_36 : f32 to vector<1000x128xf32>
    %mul3A_38 = arith.mulf %mul3A_37, %slice3A : vector<1000x128xf32>
    %add3A_39 = arith.addf %mul3A_35, %mul3A_38 : vector<1000x128xf32>
    %max3A = arith.constant 0.000000e+00 : f32
    %max3A_40 = vector.broadcast %max3A : f32 to vector<1000x128xf32>
    %max3A_41 = arith.maximumf %add3A_39, %max3A_40 : vector<1000x128xf32>
    %swap3A = arith.constant 0 : index
    %swap3A_42 = arith.constant 0 : index
    %swap3A_43 = vector.load %arg6[%swap3A, %swap3A_42] : memref<1000x128xf32, #tpu.memory_space<vmem>>, vector<1000x128xf32>
    tpu.vector_store %arg6[%swap3A, %swap3A_42], %max3A_41 {strides = array<i32>} : memref<1000x128xf32, #tpu.memory_space<vmem>>, vector<1000x128xf32>,
    %mul3A_44 = arith.constant 0.882216989 : f32
    %mul3A_45 = vector.broadcast %mul3A_44 : f32 to vector<1000x128xf32>
    %mul3A_46 = arith.mulf %mul3A_45, %add3A_22 : vector<1000x128xf32>
    %slice3A_47 = vector.extract_strided_slice %add3A_32 {offsets = [0, 128], sizes = [1000, 128], strides = [1, 1]} : vector<1000x256xf32> to vector<1000x128xf32>
    %mul3A_48 = arith.constant 0.117783032 : f32
    %mul3A_49 = vector.broadcast %mul3A_48 : f32 to vector<1000x128xf32>
    %mul3A_50 = arith.mulf %mul3A_49, %slice3A_47 : vector<1000x128xf32>
    %add3A_51 = arith.addf %mul3A_46, %mul3A_50 : vector<1000x128xf32>
    %max3A_52 = arith.constant 0.000000e+00 : f32
    %max3A_53 = vector.broadcast %max3A_52 : f32 to vector<1000x128xf32>
    %max3A_54 = arith.maximumf %add3A_51, %max3A_53 : vector<1000x128xf32>
    %swap3A_55 = arith.constant 0 : index
    %swap3A_56 = arith.constant 0 : index
    %swap3A_57 = vector.load %arg7[%swap3A_55, %swap3A_56] : memref<1000x128xf32, #tpu.memory_space<vmem>>, vector<1000x128xf32>
    tpu.vector_store %arg7[%swap3A_55, %swap3A_56], %max3A_54 {strides = array<i32>} : memref<1000x128xf32, #tpu.memory_space<vmem>>, vector<1000x128xf32>,
    return
  }
  func.func @transform_0(%arg0: i32) -> (i32, i32) {
    %c0_i32 = arith.constant 0 : i32
    %c0_i32_0 = arith.constant 0 : i32
    return %arg0, %c0_i32 : i32, i32
  }
  func.func @transform_1(%arg0: i32) -> (i32, i32) {
    %c0_i32 = arith.constant 0 : i32
    %c0_i32_0 = arith.constant 0 : i32
    return %arg0, %c0_i32 : i32, i32
  }
  func.func @transform_2(%arg0: i32) -> (i32, i32) {
    %c0_i32 = arith.constant 0 : i32
    %c0_i32_0 = arith.constant 0 : i32
    return %arg0, %c0_i32 : i32, i32
  }
  func.func @transform_3(%arg0: i32) -> (i32, i32) {
    %c0_i32 = arith.constant 0 : i32
    %c0_i32_0 = arith.constant 0 : i32
    return %arg0, %c0_i32 : i32, i32
  }
  func.func @transform_4(%arg0: i32) -> (i32, i32) {
    %c0_i32 = arith.constant 0 : i32
    %c0_i32_0 = arith.constant 0 : i32
    %c0_i32_1 = arith.constant 0 : i32
    return %c0_i32, %c0_i32_0 : i32, i32
  }
  func.func @transform_5(%arg0: i32) -> (i32, i32) {
    %c0_i32 = arith.constant 0 : i32
    %c0_i32_0 = arith.constant 0 : i32
    return %arg0, %c0_i32 : i32, i32
  }
  func.func @transform_6(%arg0: i32) -> (i32, i32) {
    %c0_i32 = arith.constant 0 : i32
    %c0_i32_0 = arith.constant 0 : i32
    return %arg0, %c0_i32 : i32, i32
  }
}

module attributes {stable_mosaic.version = 14 : i64} {
  func.func @_tc_pair_body(%arg0: memref<2048x128xf32, #tpu.memory_space<vmem>>, %arg1: memref<2048x128xf32, #tpu.memory_space<vmem>>, %arg2: memref<256x256xf32, #tpu.memory_space<vmem>>, %arg3: memref<1x256xf32, #tpu.memory_space<vmem>>, %arg4: memref<1024x2xf32, #tpu.memory_space<vmem>>, %arg5: memref<1x2xf32, #tpu.memory_space<vmem>>, %arg6: memref<1024x2xf32, #tpu.memory_space<vmem>>, %arg7: memref<1024x2xf32, #tpu.memory_space<vmem>>) attributes {dimension_semantics = [], scalar_prefetch = 0 : i64, scratch_operands = 0 : i64, tpu.core_type = #tpu.core_type<tc>} {
    %get3A = arith.constant 0 : index
    %get3A_0 = arith.constant 0 : index
    %get3A_1 = vector.load %arg0[%get3A, %get3A_0] : memref<2048x128xf32, #tpu.memory_space<vmem>>, vector<2048x128xf32>
    %get3A_2 = arith.constant 0 : index
    %get3A_3 = arith.constant 0 : index
    %get3A_4 = vector.load %arg2[%get3A_2, %get3A_3] : memref<256x256xf32, #tpu.memory_space<vmem>>, vector<128x256xf32>
    %dot_general3A = arith.constant dense<0.000000e+00> : vector<2048x256xf32>
    %dot_general3A_5 = tpu.matmul %get3A_1, %get3A_4, %dot_general3A {dimension_numbers = #tpu.dot_dimension_numbers<[1], [0], [0], [1], [0, 0, 1, 1], [], []>, transpose_lhs_hint = false} : vector<2048x128xf32>, vector<128x256xf32>, vector<2048x256xf32> -> vector<2048x256xf32>
    %get3A_6 = arith.constant 0 : index
    %get3A_7 = arith.constant 0 : index
    %get3A_8 = vector.load %arg1[%get3A_6, %get3A_7] : memref<2048x128xf32, #tpu.memory_space<vmem>>, vector<2048x128xf32>
    %get3A_9 = arith.constant 128 : index
    %get3A_10 = arith.constant 0 : index
    %get3A_11 = vector.load %arg2[%get3A_9, %get3A_10] : memref<256x256xf32, #tpu.memory_space<vmem>>, vector<128x256xf32>
    %dot_general3A_12 = arith.constant dense<0.000000e+00> : vector<2048x256xf32>
    %dot_general3A_13 = tpu.matmul %get3A_8, %get3A_11, %dot_general3A_12 {dimension_numbers = #tpu.dot_dimension_numbers<[1], [0], [0], [1], [0, 0, 1, 1], [], []>, transpose_lhs_hint = false} : vector<2048x128xf32>, vector<128x256xf32>, vector<2048x256xf32> -> vector<2048x256xf32>
    %add3A = arith.addf %dot_general3A_5, %dot_general3A_13 : vector<2048x256xf32>
    %get3A_14 = arith.constant 0 : index
    %get3A_15 = arith.constant 0 : index
    %get3A_16 = vector.load %arg3[%get3A_14, %get3A_15] : memref<1x256xf32, #tpu.memory_space<vmem>>, vector<1x256xf32>
    %add3A_17 = vector.broadcast %get3A_16 : vector<1x256xf32> to vector<2048x256xf32>
    %add3A_18 = arith.addf %add3A, %add3A_17 : vector<2048x256xf32>
    %tanh3A = math.tanh %add3A_18 : vector<2048x256xf32>
    %slice3A = vector.extract_strided_slice %tanh3A {offsets = [0, 0], sizes = [1024, 256], strides = [1, 1]} : vector<2048x256xf32> to vector<1024x256xf32>
    %slice3A_19 = vector.extract_strided_slice %tanh3A {offsets = [1024, 0], sizes = [1024, 256], strides = [1, 1]} : vector<2048x256xf32> to vector<1024x256xf32>
    %get3A_20 = arith.constant 0 : index
    %get3A_21 = arith.constant 0 : index
    %get3A_22 = vector.load %arg4[%get3A_20, %get3A_21] : memref<1024x2xf32, #tpu.memory_space<vmem>>, vector<256x2xf32>
    %dot_general3A_23 = arith.constant dense<0.000000e+00> : vector<1024x2xf32>
    %dot_general3A_24 = tpu.matmul %slice3A, %get3A_22, %dot_general3A_23 {dimension_numbers = #tpu.dot_dimension_numbers<[1], [0], [0], [1], [0, 0, 1, 1], [], []>, transpose_lhs_hint = false} : vector<1024x256xf32>, vector<256x2xf32>, vector<1024x2xf32> -> vector<1024x2xf32>
    %get3A_25 = arith.constant 256 : index
    %get3A_26 = arith.constant 0 : index
    %get3A_27 = vector.load %arg4[%get3A_25, %get3A_26] : memref<1024x2xf32, #tpu.memory_space<vmem>>, vector<256x2xf32>
    %dot_general3A_28 = arith.constant dense<0.000000e+00> : vector<1024x2xf32>
    %dot_general3A_29 = tpu.matmul %slice3A_19, %get3A_27, %dot_general3A_28 {dimension_numbers = #tpu.dot_dimension_numbers<[1], [0], [0], [1], [0, 0, 1, 1], [], []>, transpose_lhs_hint = false} : vector<1024x256xf32>, vector<256x2xf32>, vector<1024x2xf32> -> vector<1024x2xf32>
    %add3A_30 = arith.addf %dot_general3A_24, %dot_general3A_29 : vector<1024x2xf32>
    %sub3A = arith.subf %slice3A, %slice3A_19 : vector<1024x256xf32>
    %abs3A = math.absf %sub3A : vector<1024x256xf32>
    %get3A_31 = arith.constant 512 : index
    %get3A_32 = arith.constant 0 : index
    %get3A_33 = vector.load %arg4[%get3A_31, %get3A_32] : memref<1024x2xf32, #tpu.memory_space<vmem>>, vector<256x2xf32>
    %dot_general3A_34 = arith.constant dense<0.000000e+00> : vector<1024x2xf32>
    %dot_general3A_35 = tpu.matmul %abs3A, %get3A_33, %dot_general3A_34 {dimension_numbers = #tpu.dot_dimension_numbers<[1], [0], [0], [1], [0, 0, 1, 1], [], []>, transpose_lhs_hint = false} : vector<1024x256xf32>, vector<256x2xf32>, vector<1024x2xf32> -> vector<1024x2xf32>
    %add3A_36 = arith.addf %add3A_30, %dot_general3A_35 : vector<1024x2xf32>
    %mul3A = arith.mulf %slice3A, %slice3A_19 : vector<1024x256xf32>
    %get3A_37 = arith.constant 768 : index
    %get3A_38 = arith.constant 0 : index
    %get3A_39 = vector.load %arg4[%get3A_37, %get3A_38] : memref<1024x2xf32, #tpu.memory_space<vmem>>, vector<256x2xf32>
    %dot_general3A_40 = arith.constant dense<0.000000e+00> : vector<1024x2xf32>
    %dot_general3A_41 = tpu.matmul %mul3A, %get3A_39, %dot_general3A_40 {dimension_numbers = #tpu.dot_dimension_numbers<[1], [0], [0], [1], [0, 0, 1, 1], [], []>, transpose_lhs_hint = false} : vector<1024x256xf32>, vector<256x2xf32>, vector<1024x2xf32> -> vector<1024x2xf32>
    %add3A_42 = arith.addf %add3A_36, %dot_general3A_41 : vector<1024x2xf32>
    %get3A_43 = arith.constant 0 : index
    %get3A_44 = arith.constant 0 : index
    %get3A_45 = vector.load %arg5[%get3A_43, %get3A_44] : memref<1x2xf32, #tpu.memory_space<vmem>>, vector<1x2xf32>
    %add3A_46 = vector.broadcast %get3A_45 : vector<1x2xf32> to vector<1024x2xf32>
    %add3A_47 = arith.addf %add3A_42, %add3A_46 : vector<1024x2xf32>
    %reduce_max3A = arith.constant dense<0xFF800000> : vector<1024xf32>
    %reduce_max3A_48 = vector.multi_reduction <maximumf>, %add3A_47, %reduce_max3A [1] : vector<1024x2xf32> to vector<1024xf32>
    %broadcast_in_dim3A = vector.shape_cast %reduce_max3A_48 : vector<1024xf32> to vector<1024x1xf32>
    %sub3A_49 = vector.broadcast %broadcast_in_dim3A : vector<1024x1xf32> to vector<1024x2xf32>
    %sub3A_50 = arith.subf %add3A_47, %sub3A_49 : vector<1024x2xf32>
    %exp3A = math.exp %sub3A_50 : vector<1024x2xf32>
    %reduce_sum3A = arith.constant dense<0.000000e+00> : vector<1024xf32>
    %reduce_sum3A_51 = vector.multi_reduction <add>, %exp3A, %reduce_sum3A [1] : vector<1024x2xf32> to vector<1024xf32>
    %broadcast_in_dim3A_52 = vector.shape_cast %reduce_sum3A_51 : vector<1024xf32> to vector<1024x1xf32>
    %div3A = vector.broadcast %broadcast_in_dim3A_52 : vector<1024x1xf32> to vector<1024x2xf32>
    %div3A_53 = arith.divf %exp3A, %div3A : vector<1024x2xf32>
    %swap3A = arith.constant 0 : index
    %swap3A_54 = arith.constant 0 : index
    %swap3A_55 = vector.load %arg7[%swap3A, %swap3A_54] : memref<1024x2xf32, #tpu.memory_space<vmem>>, vector<1024x2xf32>
    tpu.vector_store %arg7[%swap3A, %swap3A_54], %div3A_53 {strides = array<i32>} : memref<1024x2xf32, #tpu.memory_space<vmem>>, vector<1024x2xf32>,
    %swap3A_56 = arith.constant 0 : index
    %swap3A_57 = arith.constant 0 : index
    %swap3A_58 = vector.load %arg6[%swap3A_56, %swap3A_57] : memref<1024x2xf32, #tpu.memory_space<vmem>>, vector<1024x2xf32>
    tpu.vector_store %arg6[%swap3A_56, %swap3A_57], %add3A_47 {strides = array<i32>} : memref<1024x2xf32, #tpu.memory_space<vmem>>, vector<1024x2xf32>,
    return
  }
}

</mosaic_0001>

<sc_bundles>
// kernel: kernel.13.cloned.1.call-start
scs
__scs_entry_jumppad:
0x0: {  	(pc) =	sbr.rel $0x88, $3  }
0x1: {  	(tag) =	ssettag $0x0;
	lr =	simm.s32 $0x1  }
0x2: {  	[smem:$0x3F96] =	sst lr;
	_ =	strace $0xD0000000  }
0x3: {  	_ = 	snop  }
0x4: {  	_ = 	snop  }
0x5: {  	_ = 	snop  }
0x6: {  	_ = 	snop  }
0x7: {  	_ = 	snop  }
__scs_overlays_trampoline_lowered:
0x8: {  	[smem:$0x3FA5] =	sst s0  }
0x9: {  	[smem:$0x3FA6] =	sst s1  }
0xa: {  	[smem:$0x3FA7] =	sst s2  }
0xb: {  	[smem:$0x3FA8] =	sst s3  }
0xc: {  	[smem:$0x3FA9] =	sst s4  }
0xd: {  	[smem:$0x3FAA] =	sst s5  }
0xe: {  	[smem:$0x3FAB] =	sst s6  }
0xf: {  	[smem:$0x3FAC] =	sst s7  }
0x10: {  	[smem:$0x3FAD] =	sst s8  }
0x11: {  	[smem:$0x3FAE] =	sst s9;
	s0 =	simm.s32 @!p0 $0x0  }
0x12: {  	s1 =	sld [smem:$0x3F94];
	s0 =	simm.s32 @p0 $0x1  }
0x13: {  	[smem:$0x3FAF] =	sst s0;
	s0 =	simm.s32 @!p1 $0x0  }
0x14: {  	s2 =	sld [smem:$0x3F93];
	s0 =	simm.s32 @p1 $0x1  }
0x15: {  	[smem:$0x3FB0] =	sst s0;
	s0 =	simm.s32 @!p2 $0x0  }
0x16: {  	s3 =	sld [smem:$0x3FDB];
	s0 =	simm.s32 @p2 $0x1  }
0x17: {  	s4 =	simm.s32 $0x1BF5;
	[smem:$0x3FB2] =	sst s0  }
0x18: {  	s0 =	sld [smem:$0x3F95];
	_ =	swait.ge [sflag:s4], $0x0  }
0x19: {  	s7 =	sld [smem:$0x3F96]  }
0x1a: {  	s8 =	sadd.s32 $0xFFFFE003, lr  }
0x1b: {  	s9 =	sadd.s32 $0xFFFFFEF7, lr;
	s5 =	simm.s32 $0xFFFFFFFF;
	p2 =	slt.u32 s8, $0xFFFFF086  }
0x1c: {  	p1 =	slt.u32 s9, $0xF7A;
	s5 =	simm.s32 @!p2 $0x0  }
0x1d: {  	s5 =	simm.s32 @p1 $0x1;
	p0 =	seq.s32 s7, s2  }
0x1e: {  	s7 =	smul.u32 @!p0 $0xF7A, s2;
	p2 =	seq.s32 @!p0 s5, $0x0  }
0x1f: {  	s9 =	smul.u32 $0xF7A, s1;
	s8 =	simm.s32 @!p0 $0x1BF5;
	p2 =	por !p2, p0  }
0x20: {  	[sflag:s8] =	ssyncset.s32 @!p0 $0xFFFFF086;
	s6 =	sadd.s32 @!p0 s3, s7;
	s7 =	simm.s32 @!p0 $0x108  }
0x21: {  	s3 =	sadd.s32 s3, s9;
	s6 =	sadd.s32 @!p0 $0x88, s6;
	s7 =	simm.s32 @p2 $0x1082  }
0x22: {  	[simem:s7], [sflag:s8] =	dma.local @!p0 [hbm:s6], $0xF7A  }
0x23: {  	s9 =	sor.u32 $0xD0000000, s2;
	s6 =	simm.s32 $0x108;
	_ =	swait.ge @!p0 [sflag:s8], $0x0  }
0x24: {  	s3 =	sadd.s32 $0x88, s3;
	s6 =	simm.s32 @!p1 $0x1082;
	[sflag:s4] =	ssyncset.s32 $0xFFFFF086  }
0x25: {  	[simem:s6], [sflag:s4] =	dma.local [hbm:s3], $0xF7A  }
0x26: {  	[smem:$0x3F96] =	sst s1;
	(tag) =	ssettag s2;
	_ =	strace s9  }
0x27: {  	s1 =	sld [smem:$0x3FA6]  }
0x28: {  	s2 =	sld [smem:$0x3FA7]  }
0x29: {  	s4 =	sld [smem:$0x3FA9]  }
0x2a: {  	p0 =	seq.s32 s5, $0x0;
	s5 =	sld [smem:$0x3FAA]  }
0x2b: {  	s6 =	sld [smem:$0x3FAB]  }
0x2c: {  	s7 =	sld [smem:$0x3FAC]  }
0x2d: {  	s3 =	simm.s32 $0x108;
	s8 =	sld [smem:$0x3FAD]  }
0x2e: {  	s3 =	simm.s32 @!p0 $0x1082;
	s9 =	sld [smem:$0x3FAE]  }
0x2f: {  	lr =	sadd.s32 s0, s3;
	s0 =	sld [smem:$0x3FA5]  }
0x30: {  	s3 =	sld [smem:$0x3FA8]  }
0x31: {  	[smem:$0x3FB1] =	sst s10  }
0x32: {  	s10 =	sld [smem:$0x3FAF];
	_ =	sdelay $0x3  }
0x33: {  	p0 =	seq.s32 s10, $0x1;
	s10 =	sld [smem:$0x3FB1];
	_ =	sdelay $0x3  }
0x34: {  	[smem:$0x3FB1] =	sst s10  }
0x35: {  	s10 =	sld [smem:$0x3FB0];
	_ =	sdelay $0x3  }
0x36: {  	p1 =	seq.s32 s10, $0x1;
	s10 =	sld [smem:$0x3FB1];
	_ =	sdelay $0x3  }
0x37: {  	[smem:$0x3FB1] =	sst s10  }
0x38: {  	s10 =	sld [smem:$0x3FB2]  }
0x39: {  	_ = 	snop;
	(pc) =	sbr.ind lr, $3  }
0x3a: {  	_ = 	snop  }
0x3b: {  	_ = 	snop  }
0x3c: {  	p2 =	seq.s32 s10, $0x1;
	s10 =	sld [smem:$0x3FB1]  }
0x3d: {  	_ =	shalt  }
0x3e: {  	_ =	shalt  }
0x3f: {  	_ =	shalt  }
0x40: {  	_ =	shalt  }
0x41: {  	_ =	shalt  }
0x42: {  	_ =	shalt  }
0x43: {  	_ =	shalt  }
0x44: {  	_ =	shalt  }
0x45: {  	_ =	shalt  }
0x46: {  	_ =	shalt  }
0x47: {  	_ =	shalt  }
0x48: {  	_ =	shalt  }
0x49: {  	_ =	shalt  }
0x4a: {  	_ =	shalt  }
0x4b: {  	_ =	shalt  }
0x4c: {  	_ =	shalt  }
0x4d: {  	_ =	shalt  }
0x4e: {  	_ =	shalt  }
0x4f: {  	_ =	shalt  }
0x50: {  	_ =	shalt  }
0x51: {  	_ =	shalt  }
0x52: {  	_ =	shalt  }
0x53: {  	_ =	shalt  }
0x54: {  	_ =	shalt  }
0x55: {  	_ =	shalt  }
0x56: {  	_ =	shalt  }
0x57: {  	_ =	shalt  }
0x58: {  	_ =	shalt  }
0x59: {  	_ =	shalt  }
0x5a: {  	_ =	shalt  }
0x5b: {  	_ =	shalt  }
0x5c: {  	_ =	shalt  }
0x5d: {  	_ =	shalt  }
0x5e: {  	_ =	shalt  }
0x5f: {  	_ =	shalt  }
0x60: {  	_ =	shalt  }
0x61: {  	_ =	shalt  }
0x62: {  	_ =	shalt  }
0x63: {  	_ =	shalt  }
0x64: {  	_ =	shalt  }
0x65: {  	_ =	shalt  }
0x66: {  	_ =	shalt  }
0x67: {  	_ =	shalt  }
0x68: {  	_ =	shalt  }
0x69: {  	_ =	shalt  }
0x6a: {  	_ =	shalt  }
0x6b: {  	_ =	shalt  }
0x6c: {  	_ =	shalt  }
0x6d: {  	_ =	shalt  }
0x6e: {  	_ =	shalt  }
0x6f: {  	_ =	shalt  }
0x70: {  	_ =	shalt  }
0x71: {  	_ =	shalt  }
0x72: {  	_ =	shalt  }
0x73: {  	_ =	shalt  }
0x74: {  	_ =	shalt  }
0x75: {  	_ =	shalt  }
0x76: {  	_ =	shalt  }
0x77: {  	_ =	shalt  }
0x78: {  	_ =	shalt  }
0x79: {  	_ =	shalt  }
0x7a: {  	_ =	shalt  }
0x7b: {  	_ =	shalt  }
0x7c: {  	_ =	shalt  }
0x7d: {  	_ =	shalt  }
0x7e: {  	_ =	shalt  }
0x7f: {  	_ =	shalt  }
0x80: {  	_ =	shalt  }
0x81: {  	_ =	shalt  }
0x82: {  	_ =	shalt  }
0x83: {  	_ =	shalt  }
0x84: {  	_ =	shalt  }
0x85: {  	_ =	shalt  }
0x86: {  	_ =	shalt  }
0x87: {  	_ =	shalt  }
.Lfunc_end0:
.L_simem_size_0:
called_computation_lowered:
.L_overlay_start_0:
0x88: {  	s2 =	sld [smem:$0x3FD9]  }
0x89: {  	s3 =	sld [smem:$0x3FFE];
	_ =	sdelay $0x1  }
0x8a: {  	s1 =	srdreg.scid  }
0x8b: {  	s0 =	sand.u32 $0x1, s1  }
0x8c: {  	s16 =	sshll.u32 s0, $0xA;
	s2 =	sadd.s32 s3, s2  }
0x8d: {  	s2 =	sadd.s32 s2, s16  }
0x8e: {  	[smem:$0x3FBD] =	sst s2  }
0x8f: {  	_ = 	snop  }
0x90: {  	(tm) =	ssettm $0x1  }
0x91: {  	s17 =	sld [smem:$0x3FFB];
	_ =	sdelay $0x3  }
0x92: {  	_ =	strace s17  }
0x93: {  	s2 =	sld [smem:$0x3FFC];
	_ =	sdelay $0x3  }
0x94: {  	_ =	strace s2  }
0x95: {  	s2 =	sld [smem:$0x3FFD];
	_ =	sdelay $0x3  }
0x96: {  	_ =	strace s2  }
0x97: {  	_ =	strace $0x8FFFFFFF  }
0x98: {  	s18 =	sld [smem:$0x3FDB];
	_ =	sdelay $0x1  }
0x99: {  	s19 =	simm.s32 $_scs_section_size  }
0x9a: {  	s4 =	simm.s32 $_size__tile_overlayer_lowered;
	s5 =	simm.s32 $_tile_overlayer_lowered  }
0x9b: {  	s22 =	simm.s32 $0x1BFF;
	s21 =	sshll.u32 s5, $0x1;
	s2 =	sadd.s32 s19, s18  }
0x9c: {  	s6 =	simm.s32 $0x0;
	s20 =	sshll.u32 s4, $0x1;
	s4 =	sadd.s32 s21, s2  }
0x9d: {  	[timem:s6], [sflag:s22] =	dma.local [hbm:s4], s20  }
0x9e: {  	_ =	swait.ge [sflag:s22], s20  }
0x9f: {  	s3 =	ssub.s32 $0x0, s20;
	[sflag:s22] =	ssyncset.done $0x0  }
0xa0: {  	[sflag:s22] =	ssyncadd.s32 s3;
	_ =	sdelay $0x1  }
0xa1: {  	s23 =	simm.s32 $0x1B8B  }
0xa2: {  	_ =	swait.ge [sflag:s23], $0x1  }
0xa3: {  	[sflag:s23] =	ssyncset.done $0x0  }
0xa4: {  	s25 =	simm.s32 $0x1B8E;
	s24 =	sld [smem:$0x3FFE];
	[sflag:s23] =	ssyncadd.s32 $0xFFFFFFFF  }
0xa5: {  	s26 =	simm.s32 $execute0_lowered;
	[smem:$0x3FD2] =	sst s25  }
0xa6: {  	s4 =	sshll.u32 s26, $0x1;
	_ =	strace $0x80000046;
	[dreg:$0x1] =	wrdreg $0xFFFFFFFF  }
0xa7: {  	s28 =	simm.s32 $_size_execute0_lowered;
	s2 =	sadd.s32 s2, s4;
	[dreg:$0x0] =	wrdreg $0x0  }
0xa8: {  	s4 =	sshll.u32 s28, $0x1;
	[dreg:$0x2] =	wrdreg s2  }
0xa9: {  	[dreg:$0x3] =	wrdreg s4  }
0xaa: {  	[dreg:$0x4] =	wrdreg $0xC0  }
0xab: {  	_ =	task [dreg:s6], $0x5FFFF  }
0xac: {  	[dreg:$0x1] =	wrdreg $0xFFFFFFFF  }
0xad: {  	[dreg:$0x0] =	wrdreg $0x60  }
0xae: {  	[dreg:$0x2] =	wrdreg s24  }
0xaf: {  	[dreg:$0x3] =	wrdreg $0x41000  }
0xb0: {  	[dreg:$0x4] =	wrdreg $0x9  }
0xb1: {  	_ =	task.clear_ibuf [dreg:s6], $0x5FFFF;
	_ =	strace $0x90000046  }
0xb2: {  	s29 =	simm.s32 $0x9;
	_ =	strace $0x80000048  }
0xb3: {  	_ =	swait.ge [sflag:s29], $0x1  }
0xb4: {  	[sflag:s29] =	ssyncadd.s32 $0xFFFFFFFF  }
0xb5: {  	_ =	strace $0x90000048  }
0xb6: {  	_ =	sfence  }
0xb7: {  	s30 =	sld [smem:$0x0];
	_ =	sdelay $0x2  }
0xb8: {  	s31 =	sshll.u32 s1, $0xD;
	s1 =	sshrl.u32 s1, $0x2  }
0xb9: {  	s3 =	sand.u32 $0x4000, s31;
	s1 =	sadd.s32 s1, s30  }
0xba: {  	s0 =	sor.u32 s3, s0;
	s1 =	sshll.u32 s1, $0x11  }
0xbb: {  	s0 =	sor.u32 s1, s0  }
0xbc: {  	s0 =	sadd.s32 $0x8F2B, s0  }
0xbd: {  	[sflag:s0] =	ssyncadd.remote.s32 $0x1  }
0xbe: {  	_ =	sfence.sel $0xFFFF  }
0xbf: {  	[dreg:$0x0] =	wrdreg $0xFFFFFFFF;
	(pc) =	sbr.abs _section_cstart, $3  }
0xc0: {  	[dreg:$0x1] =	wrdreg $0xFFFFFFFF  }
0xc1: {  	_ =	task.clear_ibuf [dreg:s6], $0x2FFFF;
	_ =	strace $0x9FFFFFFF  }
0xc2: {  	(tm) =	ssettm $0x7FFFFFFF  }
0xc3: {  	_ =	shalt  }
tec
execute0_lowered:
.L_overlay_start_1:
0x0: {  	(tag) =	ssettag $0x1  }
0x1: {  	s10 =	rddreg [dreg:$0x0]  }
0x2: {  	s2 =	rddreg [dreg:$0x1]  }
0x3: {  	s0 =	rddreg [dreg:$0x2]  }
0x4: {  	s3 =	simm.s32 $0x0;
	s1 =	stileid.u32;
	s8 =	srdreg.scid  }
0x5: {  	s17 =	simm.s32 $0x80;
	s18 =	simm.s32 $0x100;
	s19 =	simm.s32 $0x1  }
0x6: {  	s20 =	simm.s32 $0x0;
	[smem:$0x7FF] =	sst s3;
	s4 =	smul.u32 $0x2800, s1  }
0x7: {  	s5 =	sadd.s32 $0x41000, s10;
	s6 =	sadd.s32 $0x19E00, s10;
	s7 =	sadd.s32 $0x5E00, s10  }
0x8: {  	s15 =	sand.u32 $0x1, s8;
	s8 =	sadd.s32 $0xFE00, s10;
	s13 =	smul.u32 $0x50000, s1  }
0x9: {  	s9 =	sadd.s32 $0x90200, s10;
	s31 =	sshll.u32 s1, $0x6;
	_ =	strace $0x80000047  }
.Ltmp0:
0xa: {  	s12 =	ssub.s32 $0x2, s15;
	p0 =	sne.s32 s15, $0x0;
	(pc) =	sbr.rel .LBB2_1-.Ltmp0, $4  }
0xb: {  	s11 =	sadd.s32 s4, s10;
	s10 =	sadd.s32 $0xB8200, s10;
	s14 =	sshrl.u32 s12, $0x1  }
0xc: {  	s30 =	sshrl.u32 s13, $0x2;
	s13 =	smul.u32 $0x5000, s1;
	s14 =	ssub.s32 s12, s14  }
0xd: {  	s16 =	sadd.s32 s30, s2;
	s11 =	sadd.s32 $0x68200, s11;
	s12 =	sor.u32 $0x1C02, s31  }
0xe: {  	s14 =	smax.u32 s14, $0x1;
	s15 =	sshrl.u32 s16, $0x3;
	s16 =	simm.s32 $0x2  }
.LBB2_7:
0xf: {  	s21 =	sshrl.u32 s22, $0x3  }
0x10: {  	[sflag:s16] =	ssyncadd.s32 $0xFFFFC000;
	s22 =	sadd.s32 s7, s21  }
0x11: {  	[tilespmem:s3], [sflag:$0x2] =	stream.linear.gather [hbm4b:s22+s3], $0x80, $0x38;
	[tilespmem:$0x18100] =	vst v63  }
0x12: {  	_ =	swait.ge [sflag:s16], $0x80  }
0x13: {  	[sflag:s16] =	ssyncset.done $0x0  }
0x14: {  	s21 =	sadd.s32 s8, s21;
	[sflag:s16] =	ssyncadd.s32 $0xFFFFFF80  }
0x15: {  	[tilespmem:s17], [sflag:$0x2] =	stream.linear.gather [hbm4b:s21+s3], $0x80, $0x38;
	[tilespmem:$0x18100] =	vst v63  }
0x16: {  	_ =	swait.ge [sflag:s16], $0x80  }
0x17: {  	[sflag:s16] =	ssyncset.done $0x0  }
0x18: {  	[sflag:s16] =	ssyncadd.s32 $0xFFFFFF80  }
0x19: {  	[tilespmem:s18], [sflag:$0x1] =	stream.indirect.gather [hbm4b:s6+s17], $0x80, s3, s17, $0xb8;
	[tilespmem:$0x18100] =	vst v63  }
0x1a: {  	_ =	swait.ge [sflag:s19], $0x4000  }
0x1b: {  	[sflag:s19] =	ssyncset.done $0x0  }
0x1c: {  	[sflag:s19] =	ssyncadd.s32 $0xFFFFC000  }
0x1d: {  	[spmem:s2] =	stream.indirect.scatter.add.f32 [tilespmem:s18], [sflag:$0x2], $0x80, s17, s17, $0xb8;
	[tilespmem:$0x18100] =	vst v63  }
0x1e: {  	_ =	swait.ge [sflag:s16], $0x4000  }
0x1f: {  	[sflag:s16] =	ssyncset.done $0x0  }
0x20: {  	s21 =	smov.u32 s10;
	[sflag:s16] =	ssyncadd.s32 $0xFFFFC000  }
.LBB2_8:
0x21: {  	s20 =	sadd.s32 $0x1, s20  }
0x22: {  	p1 =	sne.s32 s20, s14  }
.Ltmp1:
0x23: {  	s21 =	sadd.s32 s21, s4;
	[bflag:$0x0] =	sbarrier.arrive $0xFFFF;
	(pc) =	sbr.rel @!p1 .LBB2_9-.Ltmp1, $4  }
0x24: {  	[hbm:s21], [sflag:s12] =	dma.local [spmem:s15], $0x2800  }
0x25: {  	_ =	swait.ge [sflag:s16], $0x2800  }
0x26: {  	[sflag:s16] =	ssyncset.done $0x0  }
0x27: {  	[sflag:s16] =	ssyncadd.s32 $0xFFFFD800  }
.LBB2_1:
0x28: {  	[spmem:s15], [sflag:s12] =	dma.local [hbm:s11], $0x2800  }
.Ltmp2:
0x29: {  	s21 =	sand.u32 $0x7C00, s3;
	_ =	swait.ge [sflag:s16], $0x2800;
	(pc) =	sbr.rel @p0 .LBB2_5-.Ltmp2, $4  }
0x2a: {  	s22 =	sand.u32 $0x380, s3;
	s21 =	sadd.s32 s13, s21;
	[sflag:s16] =	ssyncset.done $0x0  }
0x2b: {  	s21 =	sor.u32 s22, s21;
	[sflag:s16] =	ssyncadd.s32 $0xFFFFD800  }
0x2c: {  	s21 =	sshrl.u32 s21, $0x3;
	[bflag:$0x0] =	sbarrier.arrive $0xFFFF  }
0x2d: {  	s22 =	sadd.s32 s7, s21  }
0x2e: {  	[tilespmem:s3], [sflag:$0x2] =	stream.linear.gather [hbm4b:s22+s3], $0x80, $0x38;
	[tilespmem:$0x18100] =	vst v63  }
0x2f: {  	_ =	swait.ge [sflag:s16], $0x80  }
0x30: {  	[sflag:s16] =	ssyncset.done $0x0  }
0x31: {  	s21 =	sadd.s32 s8, s21;
	[sflag:s16] =	ssyncadd.s32 $0xFFFFFF80  }
0x32: {  	[tilespmem:s17], [sflag:$0x2] =	stream.linear.gather [hbm4b:s21+s3], $0x80, $0x38;
	[tilespmem:$0x18100] =	vst v63  }
0x33: {  	_ =	swait.ge [sflag:s16], $0x80  }
0x34: {  	[sflag:s16] =	ssyncset.done $0x0  }
0x35: {  	[sflag:s16] =	ssyncadd.s32 $0xFFFFFF80  }
0x36: {  	[tilespmem:s18], [sflag:$0x1] =	stream.indirect.gather [hbm4b:s5+s17], $0x80, s3, s17, $0xb8;
	[tilespmem:$0x18100] =	vst v63  }
0x37: {  	_ =	swait.ge [sflag:s19], $0x4000  }
0x38: {  	s30 =	simm.s32 $0x80;
	[sflag:s19] =	ssyncset.done $0x0  }
0x39: {  	s31 =	sand.u32 $0x7C00, s30;
	[sflag:s19] =	ssyncadd.s32 $0xFFFFC000  }
0x3a: {  	[spmem:s2] =	stream.indirect.scatter.add.f32 [tilespmem:s18], [sflag:$0x2], $0x80, s17, s17, $0xb8;
	[tilespmem:$0x18100] =	vst v63  }
0x3b: {  	s23 =	sand.u32 $0x380, s30;
	s22 =	sadd.s32 s13, s31;
	_ =	swait.ge [sflag:s16], $0x4000  }
0x3c: {  	s22 =	sor.u32 s23, s22;
	s21 =	simm.s32 $0x100;
	[sflag:s16] =	ssyncset.done $0x0  }
.LBB2_3:
0x3d: {  	s22 =	sshrl.u32 s22, $0x3  }
0x3e: {  	[sflag:s16] =	ssyncadd.s32 $0xFFFFC000;
	s23 =	smov.u32 s21;
	s24 =	sadd.s32 $0x80, s21  }
0x3f: {  	p1 =	seq.s32 s21, $0x4E80;
	s21 =	sadd.s32 s7, s22  }
0x40: {  	[tilespmem:s3], [sflag:$0x2] =	stream.linear.gather [hbm4b:s21+s3], $0x80, $0x38;
	[tilespmem:$0x18100] =	vst v63  }
0x41: {  	_ =	swait.ge [sflag:s16], $0x80  }
0x42: {  	[sflag:s16] =	ssyncset.done $0x0  }
0x43: {  	s21 =	sadd.s32 s8, s22;
	[sflag:s16] =	ssyncadd.s32 $0xFFFFFF80  }
0x44: {  	[tilespmem:s17], [sflag:$0x2] =	stream.linear.gather [hbm4b:s21+s3], $0x80, $0x38;
	[tilespmem:$0x18100] =	vst v63  }
0x45: {  	_ =	swait.ge [sflag:s16], $0x80  }
0x46: {  	[sflag:s16] =	ssyncset.done $0x0  }
0x47: {  	[sflag:s16] =	ssyncadd.s32 $0xFFFFFF80  }
0x48: {  	[tilespmem:s18], [sflag:$0x1] =	stream.indirect.gather [hbm4b:s5+s17], $0x80, s3, s17, $0xb8;
	[tilespmem:$0x18100] =	vst v63  }
0x49: {  	_ =	swait.ge [sflag:s19], $0x4000  }
.Ltmp3:
0x4a: {  	[sflag:s19] =	ssyncset.done $0x0;
	(pc) =	sbr.rel @!p1 .LBB2_3-.Ltmp3, $4  }
0x4b: {  	s21 =	sand.u32 $0x7C00, s23;
	[sflag:s19] =	ssyncadd.s32 $0xFFFFC000  }
0x4c: {  	[spmem:s2] =	stream.indirect.scatter.add.f32 [tilespmem:s18], [sflag:$0x2], $0x80, s17, s17, $0xb8;
	[tilespmem:$0x18100] =	vst v63  }
0x4d: {  	s22 =	sand.u32 $0x380, s23;
	s21 =	sadd.s32 s13, s21;
	_ =	swait.ge [sflag:s16], $0x4000  }
0x4e: {  	s22 =	sor.u32 s22, s21;
	s21 =	smov.u32 s24;
	[sflag:s16] =	ssyncset.done $0x0  }
0x4f: {  	s21 =	sshrl.u32 s22, $0x3  }
0x50: {  	[sflag:s16] =	ssyncadd.s32 $0xFFFFC000;
	s22 =	sadd.s32 s7, s21  }
0x51: {  	[tilespmem:s3], [sflag:$0x2] =	stream.linear.gather [hbm4b:s22+s3], $0x80, $0x38;
	[tilespmem:$0x18100] =	vst v63  }
0x52: {  	_ =	swait.ge [sflag:s16], $0x80  }
0x53: {  	[sflag:s16] =	ssyncset.done $0x0  }
0x54: {  	s21 =	sadd.s32 s8, s21;
	[sflag:s16] =	ssyncadd.s32 $0xFFFFFF80  }
0x55: {  	[tilespmem:s17], [sflag:$0x2] =	stream.linear.gather [hbm4b:s21+s3], $0x80, $0x38;
	[tilespmem:$0x18100] =	vst v63  }
0x56: {  	_ =	swait.ge [sflag:s16], $0x80  }
0x57: {  	[sflag:s16] =	ssyncset.done $0x0  }
0x58: {  	[sflag:s16] =	ssyncadd.s32 $0xFFFFFF80  }
0x59: {  	[tilespmem:s18], [sflag:$0x1] =	stream.indirect.gather [hbm4b:s5+s17], $0x80, s3, s17, $0xb8;
	[tilespmem:$0x18100] =	vst v63  }
0x5a: {  	_ =	swait.ge [sflag:s19], $0x4000  }
0x5b: {  	[sflag:s19] =	ssyncset.done $0x0  }
.Ltmp4:
0x5c: {  	[sflag:s19] =	ssyncadd.s32 $0xFFFFC000;
	(pc) =	sbr.rel .LBB2_8-.Ltmp4, $4  }
0x5d: {  	[spmem:s2] =	stream.indirect.scatter.add.f32 [tilespmem:s18], [sflag:$0x2], $0x80, s17, s17, $0xb8;
	[tilespmem:$0x18100] =	vst v63  }
0x5e: {  	_ =	swait.ge [sflag:s16], $0x4000  }
0x5f: {  	[sflag:s16] =	ssyncset.done $0x0  }
0x60: {  	s21 =	smov.u32 s9;
	[sflag:s16] =	ssyncadd.s32 $0xFFFFC000  }
.LBB2_5:
0x61: {  	[tilespmem:s3], [sflag:$0x2] =	stream.linear.gather [hbm4b:s22+s3], $0x80, $0x38;
	[tilespmem:$0x18100] =	vst v63  }
0x62: {  	_ =	swait.ge [sflag:s16], $0x80  }
0x63: {  	[sflag:s16] =	ssyncset.done $0x0  }
0x64: {  	s21 =	sadd.s32 s8, s21;
	[sflag:s16] =	ssyncadd.s32 $0xFFFFFF80  }
0x65: {  	[tilespmem:s17], [sflag:$0x2] =	stream.linear.gather [hbm4b:s21+s3], $0x80, $0x38;
	[tilespmem:$0x18100] =	vst v63  }
0x66: {  	_ =	swait.ge [sflag:s16], $0x80  }
0x67: {  	[sflag:s16] =	ssyncset.done $0x0  }
0x68: {  	[sflag:s16] =	ssyncadd.s32 $0xFFFFFF80  }
0x69: {  	[tilespmem:s18], [sflag:$0x1] =	stream.indirect.gather [hbm4b:s6+s17], $0x80, s3, s17, $0xb8;
	[tilespmem:$0x18100] =	vst v63  }
0x6a: {  	_ =	swait.ge [sflag:s19], $0x4000  }
0x6b: {  	s30 =	simm.s32 $0x80;
	[sflag:s19] =	ssyncset.done $0x0  }
0x6c: {  	s31 =	sand.u32 $0x7C00, s30;
	[sflag:s19] =	ssyncadd.s32 $0xFFFFC000  }
0x6d: {  	[spmem:s2] =	stream.indirect.scatter.add.f32 [tilespmem:s18], [sflag:$0x2], $0x80, s17, s17, $0xb8;
	[tilespmem:$0x18100] =	vst v63  }
0x6e: {  	s23 =	sand.u32 $0x380, s30;
	s22 =	sadd.s32 s13, s31;
	_ =	swait.ge [sflag:s16], $0x4000  }
0x6f: {  	s22 =	sor.u32 s23, s22;
	s21 =	simm.s32 $0x100;
	[sflag:s16] =	ssyncset.done $0x0  }
.LBB2_6:
0x70: {  	s22 =	sshrl.u32 s22, $0x3  }
0x71: {  	[sflag:s16] =	ssyncadd.s32 $0xFFFFC000;
	s23 =	smov.u32 s21;
	s24 =	sadd.s32 $0x80, s21  }
0x72: {  	p1 =	sne.s32 s21, $0x4E80;
	s21 =	sadd.s32 s7, s22  }
0x73: {  	[tilespmem:s3], [sflag:$0x2] =	stream.linear.gather [hbm4b:s21+s3], $0x80, $0x38;
	[tilespmem:$0x18100] =	vst v63  }
0x74: {  	_ =	swait.ge [sflag:s16], $0x80  }
0x75: {  	[sflag:s16] =	ssyncset.done $0x0  }
0x76: {  	s21 =	sadd.s32 s8, s22;
	[sflag:s16] =	ssyncadd.s32 $0xFFFFFF80  }
0x77: {  	[tilespmem:s17], [sflag:$0x2] =	stream.linear.gather [hbm4b:s21+s3], $0x80, $0x38;
	[tilespmem:$0x18100] =	vst v63  }
0x78: {  	_ =	swait.ge [sflag:s16], $0x80  }
0x79: {  	[sflag:s16] =	ssyncset.done $0x0  }
0x7a: {  	[sflag:s16] =	ssyncadd.s32 $0xFFFFFF80  }
0x7b: {  	[tilespmem:s18], [sflag:$0x1] =	stream.indirect.gather [hbm4b:s6+s17], $0x80, s3, s17, $0xb8;
	[tilespmem:$0x18100] =	vst v63  }
0x7c: {  	_ =	swait.ge [sflag:s19], $0x4000  }
.Ltmp5:
0x7d: {  	[sflag:s19] =	ssyncset.done $0x0;
	(pc) =	sbr.rel @p1 .LBB2_6-.Ltmp5, $4  }
0x7e: {  	s21 =	sand.u32 $0x7C00, s23;
	[sflag:s19] =	ssyncadd.s32 $0xFFFFC000  }
0x7f: {  	[spmem:s2] =	stream.indirect.scatter.add.f32 [tilespmem:s18], [sflag:$0x2], $0x80, s17, s17, $0xb8;
	[tilespmem:$0x18100] =	vst v63  }
0x80: {  	s22 =	sand.u32 $0x380, s23;
	s21 =	sadd.s32 s13, s21;
	_ =	swait.ge [sflag:s16], $0x4000  }
0x81: {  	s22 =	sor.u32 s22, s21;
	s21 =	smov.u32 s24;
	[sflag:s16] =	ssyncset.done $0x0  }
.Ltmp6:
0x82: {  	_ = 	snop;
	(pc) =	sbr.rel .LBB2_7-.Ltmp6, $1  }
0x83: {  	_ =	sdelay $0x3  }
.LBB2_9:
0x84: {  	_ =	sfence.sel $0x180000  }
0x85: {  	[bflag:$0x0] =	sbarrier.arrive $0xFFFF  }
0x86: {  	p0 =	sne.s32 s1, $0x0;
	_ =	strace $0x90000047  }
0x87: {  	s0 =	sadd.s32 @!p0 $0x100000, s0;
	[bflag:$0x2] =	sbarrier.arrive $0xFFFF  }
0x88: {  	[sflag:s0] =	ssyncadd.tile.s32 @!p0 $0x1;
	_ =	shalt  }
.Lfunc_end2:
_tile_overlayer_lowered:
.L_overlay_start_2:
0x89: {  	(tag) =	ssettag $0x2  }
0x8a: {  	s0 =	rddreg [dreg:$0x0];
	s2 =	stileid.u32  }
0x8b: {  	s1 =	rddreg [dreg:$0x1];
	p0 =	sne.s32 s2, $0x0  }
0x8c: {  	s3 =	rddreg [dreg:$0x2];
	[bflag:$0x3] =	sbarrier.arrive $0xFFFF;
	s2 =	simm.s32 @!p0 $0x1C02  }
0x8d: {  	[timem:s3], [sflag:s2] =	dma.local @!p0 [hbm:s0], s1  }
0x8e: {  	s0 =	simm.s32 @!p0 $0x2  }
0x8f: {  	_ =	swait.ge @!p0 [sflag:s0], s1  }
0x90: {  	s1 =	ssub.s32 @!p0 $0x0, s1;
	[sflag:s0] =	ssyncset.done @!p0 $0x0  }
0x91: {  	[sflag:s0] =	ssyncadd.s32 @!p0 s1  }
0x92: {  	[bflag:$0x3] =	sbarrier.arrive $0xFFFF  }
0x93: {  	_ =	shalt  }

// kernel: kernel.16.cloned.1.call-start
scs
__scs_entry_jumppad:
0x0: {  	(pc) =	sbr.rel $0x88, $3  }
0x1: {  	(tag) =	ssettag $0x0;
	lr =	simm.s32 $0x1  }
0x2: {  	[smem:$0x3F96] =	sst lr;
	_ =	strace $0xD0000000  }
0x3: {  	_ = 	snop  }
0x4: {  	_ = 	snop  }
0x5: {  	_ = 	snop  }
0x6: {  	_ = 	snop  }
0x7: {  	_ = 	snop  }
__scs_overlays_trampoline_lowered:
0x8: {  	[smem:$0x3FA5] =	sst s0  }
0x9: {  	[smem:$0x3FA6] =	sst s1  }
0xa: {  	[smem:$0x3FA7] =	sst s2  }
0xb: {  	[smem:$0x3FA8] =	sst s3  }
0xc: {  	[smem:$0x3FA9] =	sst s4  }
0xd: {  	[smem:$0x3FAA] =	sst s5  }
0xe: {  	[smem:$0x3FAB] =	sst s6  }
0xf: {  	[smem:$0x3FAC] =	sst s7  }
0x10: {  	[smem:$0x3FAD] =	sst s8  }
0x11: {  	[smem:$0x3FAE] =	sst s9;
	s0 =	simm.s32 @!p0 $0x0  }
0x12: {  	s1 =	sld [smem:$0x3F94];
	s0 =	simm.s32 @p0 $0x1  }
0x13: {  	[smem:$0x3FAF] =	sst s0;
	s0 =	simm.s32 @!p1 $0x0  }
0x14: {  	s2 =	sld [smem:$0x3F93];
	s0 =	simm.s32 @p1 $0x1  }
0x15: {  	[smem:$0x3FB0] =	sst s0;
	s0 =	simm.s32 @!p2 $0x0  }
0x16: {  	s3 =	sld [smem:$0x3FDB];
	s0 =	simm.s32 @p2 $0x1  }
0x17: {  	s4 =	simm.s32 $0x1BF5;
	[smem:$0x3FB2] =	sst s0  }
0x18: {  	s0 =	sld [smem:$0x3F95];
	_ =	swait.ge [sflag:s4], $0x0  }
0x19: {  	s7 =	sld [smem:$0x3F96]  }
0x1a: {  	s8 =	sadd.s32 $0xFFFFE003, lr  }
0x1b: {  	s9 =	sadd.s32 $0xFFFFFEF7, lr;
	s5 =	simm.s32 $0xFFFFFFFF;
	p2 =	slt.u32 s8, $0xFFFFF086  }
0x1c: {  	p1 =	slt.u32 s9, $0xF7A;
	s5 =	simm.s32 @!p2 $0x0  }
0x1d: {  	s5 =	simm.s32 @p1 $0x1;
	p0 =	seq.s32 s7, s2  }
0x1e: {  	s7 =	smul.u32 @!p0 $0xF7A, s2;
	p2 =	seq.s32 @!p0 s5, $0x0  }
0x1f: {  	s9 =	smul.u32 $0xF7A, s1;
	s8 =	simm.s32 @!p0 $0x1BF5;
	p2 =	por !p2, p0  }
0x20: {  	[sflag:s8] =	ssyncset.s32 @!p0 $0xFFFFF086;
	s6 =	sadd.s32 @!p0 s3, s7;
	s7 =	simm.s32 @!p0 $0x108  }
0x21: {  	s3 =	sadd.s32 s3, s9;
	s6 =	sadd.s32 @!p0 $0x88, s6;
	s7 =	simm.s32 @p2 $0x1082  }
0x22: {  	[simem:s7], [sflag:s8] =	dma.local @!p0 [hbm:s6], $0xF7A  }
0x23: {  	s9 =	sor.u32 $0xD0000000, s2;
	s6 =	simm.s32 $0x108;
	_ =	swait.ge @!p0 [sflag:s8], $0x0  }
0x24: {  	s3 =	sadd.s32 $0x88, s3;
	s6 =	simm.s32 @!p1 $0x1082;
	[sflag:s4] =	ssyncset.s32 $0xFFFFF086  }
0x25: {  	[simem:s6], [sflag:s4] =	dma.local [hbm:s3], $0xF7A  }
0x26: {  	[smem:$0x3F96] =	sst s1;
	(tag) =	ssettag s2;
	_ =	strace s9  }
0x27: {  	s1 =	sld [smem:$0x3FA6]  }
0x28: {  	s2 =	sld [smem:$0x3FA7]  }
0x29: {  	s4 =	sld [smem:$0x3FA9]  }
0x2a: {  	p0 =	seq.s32 s5, $0x0;
	s5 =	sld [smem:$0x3FAA]  }
0x2b: {  	s6 =	sld [smem:$0x3FAB]  }
0x2c: {  	s7 =	sld [smem:$0x3FAC]  }
0x2d: {  	s3 =	simm.s32 $0x108;
	s8 =	sld [smem:$0x3FAD]  }
0x2e: {  	s3 =	simm.s32 @!p0 $0x1082;
	s9 =	sld [smem:$0x3FAE]  }
0x2f: {  	lr =	sadd.s32 s0, s3;
	s0 =	sld [smem:$0x3FA5]  }
0x30: {  	s3 =	sld [smem:$0x3FA8]  }
0x31: {  	[smem:$0x3FB1] =	sst s10  }
0x32: {  	s10 =	sld [smem:$0x3FAF];
	_ =	sdelay $0x3  }
0x33: {  	p0 =	seq.s32 s10, $0x1;
	s10 =	sld [smem:$0x3FB1];
	_ =	sdelay $0x3  }
0x34: {  	[smem:$0x3FB1] =	sst s10  }
0x35: {  	s10 =	sld [smem:$0x3FB0];
	_ =	sdelay $0x3  }
0x36: {  	p1 =	seq.s32 s10, $0x1;
	s10 =	sld [smem:$0x3FB1];
	_ =	sdelay $0x3  }
0x37: {  	[smem:$0x3FB1] =	sst s10  }
0x38: {  	s10 =	sld [smem:$0x3FB2]  }
0x39: {  	_ = 	snop;
	(pc) =	sbr.ind lr, $3  }
0x3a: {  	_ = 	snop  }
0x3b: {  	_ = 	snop  }
0x3c: {  	p2 =	seq.s32 s10, $0x1;
	s10 =	sld [smem:$0x3FB1]  }
0x3d: {  	_ =	shalt  }
0x3e: {  	_ =	shalt  }
0x3f: {  	_ =	shalt  }
0x40: {  	_ =	shalt  }
0x41: {  	_ =	shalt  }
0x42: {  	_ =	shalt  }
0x43: {  	_ =	shalt  }
0x44: {  	_ =	shalt  }
0x45: {  	_ =	shalt  }
0x46: {  	_ =	shalt  }
0x47: {  	_ =	shalt  }
0x48: {  	_ =	shalt  }
0x49: {  	_ =	shalt  }
0x4a: {  	_ =	shalt  }
0x4b: {  	_ =	shalt  }
0x4c: {  	_ =	shalt  }
0x4d: {  	_ =	shalt  }
0x4e: {  	_ =	shalt  }
0x4f: {  	_ =	shalt  }
0x50: {  	_ =	shalt  }
0x51: {  	_ =	shalt  }
0x52: {  	_ =	shalt  }
0x53: {  	_ =	shalt  }
0x54: {  	_ =	shalt  }
0x55: {  	_ =	shalt  }
0x56: {  	_ =	shalt  }
0x57: {  	_ =	shalt  }
0x58: {  	_ =	shalt  }
0x59: {  	_ =	shalt  }
0x5a: {  	_ =	shalt  }
0x5b: {  	_ =	shalt  }
0x5c: {  	_ =	shalt  }
0x5d: {  	_ =	shalt  }
0x5e: {  	_ =	shalt  }
0x5f: {  	_ =	shalt  }
0x60: {  	_ =	shalt  }
0x61: {  	_ =	shalt  }
0x62: {  	_ =	shalt  }
0x63: {  	_ =	shalt  }
0x64: {  	_ =	shalt  }
0x65: {  	_ =	shalt  }
0x66: {  	_ =	shalt  }
0x67: {  	_ =	shalt  }
0x68: {  	_ =	shalt  }
0x69: {  	_ =	shalt  }
0x6a: {  	_ =	shalt  }
0x6b: {  	_ =	shalt  }
0x6c: {  	_ =	shalt  }
0x6d: {  	_ =	shalt  }
0x6e: {  	_ =	shalt  }
0x6f: {  	_ =	shalt  }
0x70: {  	_ =	shalt  }
0x71: {  	_ =	shalt  }
0x72: {  	_ =	shalt  }
0x73: {  	_ =	shalt  }
0x74: {  	_ =	shalt  }
0x75: {  	_ =	shalt  }
0x76: {  	_ =	shalt  }
0x77: {  	_ =	shalt  }
0x78: {  	_ =	shalt  }
0x79: {  	_ =	shalt  }
0x7a: {  	_ =	shalt  }
0x7b: {  	_ =	shalt  }
0x7c: {  	_ =	shalt  }
0x7d: {  	_ =	shalt  }
0x7e: {  	_ =	shalt  }
0x7f: {  	_ =	shalt  }
0x80: {  	_ =	shalt  }
0x81: {  	_ =	shalt  }
0x82: {  	_ =	shalt  }
0x83: {  	_ =	shalt  }
0x84: {  	_ =	shalt  }
0x85: {  	_ =	shalt  }
0x86: {  	_ =	shalt  }
0x87: {  	_ =	shalt  }
.Lfunc_end0:
.L_simem_size_0:
called_computation.1_lowered:
.L_overlay_start_0:
0x88: {  	s2 =	sld [smem:$0x3FD9]  }
0x89: {  	s3 =	sld [smem:$0x3FFE];
	_ =	sdelay $0x1  }
0x8a: {  	s1 =	srdreg.scid  }
0x8b: {  	s0 =	sand.u32 $0x1, s1  }
0x8c: {  	s16 =	sshll.u32 s0, $0xA;
	s2 =	sadd.s32 s3, s2  }
0x8d: {  	s2 =	sadd.s32 s2, s16  }
0x8e: {  	[smem:$0x3FBD] =	sst s2  }
0x8f: {  	_ = 	snop  }
0x90: {  	(tm) =	ssettm $0x1  }
0x91: {  	s17 =	sld [smem:$0x3FFB];
	_ =	sdelay $0x3  }
0x92: {  	_ =	strace s17  }
0x93: {  	s2 =	sld [smem:$0x3FFC];
	_ =	sdelay $0x3  }
0x94: {  	_ =	strace s2  }
0x95: {  	s2 =	sld [smem:$0x3FFD];
	_ =	sdelay $0x3  }
0x96: {  	_ =	strace s2  }
0x97: {  	_ =	strace $0x8FFFFFFF  }
0x98: {  	s18 =	sld [smem:$0x3FDB];
	_ =	sdelay $0x1  }
0x99: {  	s19 =	simm.s32 $_scs_section_size  }
0x9a: {  	s4 =	simm.s32 $_size__tile_overlayer_lowered;
	s5 =	simm.s32 $_tile_overlayer_lowered  }
0x9b: {  	s22 =	simm.s32 $0x1BFF;
	s21 =	sshll.u32 s5, $0x1;
	s2 =	sadd.s32 s19, s18  }
0x9c: {  	s6 =	simm.s32 $0x0;
	s20 =	sshll.u32 s4, $0x1;
	s4 =	sadd.s32 s21, s2  }
0x9d: {  	[timem:s6], [sflag:s22] =	dma.local [hbm:s4], s20  }
0x9e: {  	_ =	swait.ge [sflag:s22], s20  }
0x9f: {  	s3 =	ssub.s32 $0x0, s20;
	[sflag:s22] =	ssyncset.done $0x0  }
0xa0: {  	[sflag:s22] =	ssyncadd.s32 s3;
	_ =	sdelay $0x1  }
0xa1: {  	s23 =	simm.s32 $0x1B8B  }
0xa2: {  	_ =	swait.ge [sflag:s23], $0x1  }
0xa3: {  	[sflag:s23] =	ssyncset.done $0x0  }
0xa4: {  	s25 =	simm.s32 $0x1B8E;
	s24 =	sld [smem:$0x3FFE];
	[sflag:s23] =	ssyncadd.s32 $0xFFFFFFFF  }
0xa5: {  	s26 =	simm.s32 $execute0_lowered;
	[smem:$0x3FD2] =	sst s25  }
0xa6: {  	s4 =	sshll.u32 s26, $0x1;
	_ =	strace $0x80000049;
	[dreg:$0x1] =	wrdreg $0xFFFFFFFF  }
0xa7: {  	s28 =	simm.s32 $_size_execute0_lowered;
	s2 =	sadd.s32 s2, s4;
	[dreg:$0x0] =	wrdreg $0x0  }
0xa8: {  	s4 =	sshll.u32 s28, $0x1;
	[dreg:$0x2] =	wrdreg s2  }
0xa9: {  	[dreg:$0x3] =	wrdreg s4  }
0xaa: {  	[dreg:$0x4] =	wrdreg $0xC0  }
0xab: {  	_ =	task [dreg:s6], $0x5FFFF  }
0xac: {  	[dreg:$0x1] =	wrdreg $0xFFFFFFFF  }
0xad: {  	[dreg:$0x0] =	wrdreg $0x60  }
0xae: {  	[dreg:$0x2] =	wrdreg s24  }
0xaf: {  	[dreg:$0x3] =	wrdreg $0x41000  }
0xb0: {  	[dreg:$0x4] =	wrdreg $0x9  }
0xb1: {  	_ =	task.clear_ibuf [dreg:s6], $0x5FFFF;
	_ =	strace $0x90000049  }
0xb2: {  	s29 =	simm.s32 $0x9;
	_ =	strace $0x8000004B  }
0xb3: {  	_ =	swait.ge [sflag:s29], $0x1  }
0xb4: {  	[sflag:s29] =	ssyncadd.s32 $0xFFFFFFFF  }
0xb5: {  	_ =	strace $0x9000004B  }
0xb6: {  	_ =	sfence  }
0xb7: {  	s30 =	sld [smem:$0x0];
	_ =	sdelay $0x2  }
0xb8: {  	s31 =	sshll.u32 s1, $0xD;
	s1 =	sshrl.u32 s1, $0x2  }
0xb9: {  	s3 =	sand.u32 $0x4000, s31;
	s1 =	sadd.s32 s1, s30  }
0xba: {  	s0 =	sor.u32 s3, s0;
	s1 =	sshll.u32 s1, $0x11  }
0xbb: {  	s0 =	sor.u32 s1, s0  }
0xbc: {  	s0 =	sadd.s32 $0x8F2B, s0  }
0xbd: {  	[sflag:s0] =	ssyncadd.remote.s32 $0x1  }
0xbe: {  	_ =	sfence.sel $0xFFFF  }
0xbf: {  	[dreg:$0x0] =	wrdreg $0xFFFFFFFF;
	(pc) =	sbr.abs _section_cstart, $3  }
0xc0: {  	[dreg:$0x1] =	wrdreg $0xFFFFFFFF  }
0xc1: {  	_ =	task.clear_ibuf [dreg:s6], $0x2FFFF;
	_ =	strace $0x9FFFFFFF  }
0xc2: {  	(tm) =	ssettm $0x7FFFFFFF  }
0xc3: {  	_ =	shalt  }
tec
execute0_lowered:
.L_overlay_start_1:
0x0: {  	(tag) =	ssettag $0x1  }
0x1: {  	s10 =	rddreg [dreg:$0x0]  }
0x2: {  	s2 =	rddreg [dreg:$0x1]  }
0x3: {  	s0 =	rddreg [dreg:$0x2]  }
0x4: {  	s3 =	simm.s32 $0x0;
	s1 =	stileid.u32;
	s8 =	srdreg.scid  }
0x5: {  	s17 =	simm.s32 $0x80;
	s18 =	simm.s32 $0x100;
	s19 =	simm.s32 $0x1  }
0x6: {  	s20 =	simm.s32 $0x0;
	[smem:$0x7FF] =	sst s3;
	s4 =	smul.u32 $0x2800, s1  }
0x7: {  	s5 =	sadd.s32 $0x19E00, s10;
	s6 =	sadd.s32 $0x41000, s10;
	s7 =	sadd.s32 $0x5E00, s10  }
0x8: {  	s15 =	sand.u32 $0x1, s8;
	s8 =	sadd.s32 $0xFE00, s10;
	s13 =	smul.u32 $0x50000, s1  }
0x9: {  	s9 =	sadd.s32 $0x90200, s10;
	s31 =	sshll.u32 s1, $0x6;
	_ =	strace $0x8000004A  }
.Ltmp0:
0xa: {  	s12 =	ssub.s32 $0x2, s15;
	p0 =	sne.s32 s15, $0x0;
	(pc) =	sbr.rel .LBB2_1-.Ltmp0, $4  }
0xb: {  	s11 =	sadd.s32 s4, s10;
	s10 =	sadd.s32 $0xB8200, s10;
	s14 =	sshrl.u32 s12, $0x1  }
0xc: {  	s30 =	sshrl.u32 s13, $0x2;
	s13 =	smul.u32 $0x5000, s1;
	s14 =	ssub.s32 s12, s14  }
0xd: {  	s16 =	sadd.s32 s30, s2;
	s11 =	sadd.s32 $0x68200, s11;
	s12 =	sor.u32 $0x1C02, s31  }
0xe: {  	s14 =	smax.u32 s14, $0x1;
	s15 =	sshrl.u32 s16, $0x3;
	s16 =	simm.s32 $0x2  }
.LBB2_7:
0xf: {  	s21 =	sshrl.u32 s22, $0x3  }
0x10: {  	[sflag:s16] =	ssyncadd.s32 $0xFFFFC000;
	s22 =	sadd.s32 s7, s21  }
0x11: {  	[tilespmem:s3], [sflag:$0x2] =	stream.linear.gather [hbm4b:s22+s3], $0x80, $0x38;
	[tilespmem:$0x18100] =	vst v63  }
0x12: {  	_ =	swait.ge [sflag:s16], $0x80  }
0x13: {  	[sflag:s16] =	ssyncset.done $0x0  }
0x14: {  	s21 =	sadd.s32 s8, s21;
	[sflag:s16] =	ssyncadd.s32 $0xFFFFFF80  }
0x15: {  	[tilespmem:s17], [sflag:$0x2] =	stream.linear.gather [hbm4b:s21+s3], $0x80, $0x38;
	[tilespmem:$0x18100] =	vst v63  }
0x16: {  	_ =	swait.ge [sflag:s16], $0x80  }
0x17: {  	[sflag:s16] =	ssyncset.done $0x0  }
0x18: {  	[sflag:s16] =	ssyncadd.s32 $0xFFFFFF80  }
0x19: {  	[tilespmem:s18], [sflag:$0x1] =	stream.indirect.gather [hbm4b:s6+s17], $0x80, s3, s17, $0xb8;
	[tilespmem:$0x18100] =	vst v63  }
0x1a: {  	_ =	swait.ge [sflag:s19], $0x4000  }
0x1b: {  	[sflag:s19] =	ssyncset.done $0x0  }
0x1c: {  	[sflag:s19] =	ssyncadd.s32 $0xFFFFC000  }
0x1d: {  	[spmem:s2] =	stream.indirect.scatter.add.f32 [tilespmem:s18], [sflag:$0x2], $0x80, s17, s17, $0xb8;
	[tilespmem:$0x18100] =	vst v63  }
0x1e: {  	_ =	swait.ge [sflag:s16], $0x4000  }
0x1f: {  	[sflag:s16] =	ssyncset.done $0x0  }
0x20: {  	s21 =	smov.u32 s10;
	[sflag:s16] =	ssyncadd.s32 $0xFFFFC000  }
.LBB2_8:
0x21: {  	s20 =	sadd.s32 $0x1, s20  }
0x22: {  	p1 =	sne.s32 s20, s14  }
.Ltmp1:
0x23: {  	s21 =	sadd.s32 s21, s4;
	[bflag:$0x0] =	sbarrier.arrive $0xFFFF;
	(pc) =	sbr.rel @!p1 .LBB2_9-.Ltmp1, $4  }
0x24: {  	[hbm:s21], [sflag:s12] =	dma.local [spmem:s15], $0x2800  }
0x25: {  	_ =	swait.ge [sflag:s16], $0x2800  }
0x26: {  	[sflag:s16] =	ssyncset.done $0x0  }
0x27: {  	[sflag:s16] =	ssyncadd.s32 $0xFFFFD800  }
.LBB2_1:
0x28: {  	[spmem:s15], [sflag:s12] =	dma.local [hbm:s11], $0x2800  }
.Ltmp2:
0x29: {  	s21 =	sand.u32 $0x7C00, s3;
	_ =	swait.ge [sflag:s16], $0x2800;
	(pc) =	sbr.rel @p0 .LBB2_5-.Ltmp2, $4  }
0x2a: {  	s22 =	sand.u32 $0x380, s3;
	s21 =	sadd.s32 s13, s21;
	[sflag:s16] =	ssyncset.done $0x0  }
0x2b: {  	s21 =	sor.u32 s22, s21;
	[sflag:s16] =	ssyncadd.s32 $0xFFFFD800  }
0x2c: {  	s21 =	sshrl.u32 s21, $0x3;
	[bflag:$0x0] =	sbarrier.arrive $0xFFFF  }
0x2d: {  	s22 =	sadd.s32 s7, s21  }
0x2e: {  	[tilespmem:s3], [sflag:$0x2] =	stream.linear.gather [hbm4b:s22+s3], $0x80, $0x38;
	[tilespmem:$0x18100] =	vst v63  }
0x2f: {  	_ =	swait.ge [sflag:s16], $0x80  }
0x30: {  	[sflag:s16] =	ssyncset.done $0x0  }
0x31: {  	s21 =	sadd.s32 s8, s21;
	[sflag:s16] =	ssyncadd.s32 $0xFFFFFF80  }
0x32: {  	[tilespmem:s17], [sflag:$0x2] =	stream.linear.gather [hbm4b:s21+s3], $0x80, $0x38;
	[tilespmem:$0x18100] =	vst v63  }
0x33: {  	_ =	swait.ge [sflag:s16], $0x80  }
0x34: {  	[sflag:s16] =	ssyncset.done $0x0  }
0x35: {  	[sflag:s16] =	ssyncadd.s32 $0xFFFFFF80  }
0x36: {  	[tilespmem:s18], [sflag:$0x1] =	stream.indirect.gather [hbm4b:s5+s17], $0x80, s3, s17, $0xb8;
	[tilespmem:$0x18100] =	vst v63  }
0x37: {  	_ =	swait.ge [sflag:s19], $0x4000  }
0x38: {  	s30 =	simm.s32 $0x80;
	[sflag:s19] =	ssyncset.done $0x0  }
0x39: {  	s31 =	sand.u32 $0x7C00, s30;
	[sflag:s19] =	ssyncadd.s32 $0xFFFFC000  }
0x3a: {  	[spmem:s2] =	stream.indirect.scatter.add.f32 [tilespmem:s18], [sflag:$0x2], $0x80, s17, s17, $0xb8;
	[tilespmem:$0x18100] =	vst v63  }
0x3b: {  	s23 =	sand.u32 $0x380, s30;
	s22 =	sadd.s32 s13, s31;
	_ =	swait.ge [sflag:s16], $0x4000  }
0x3c: {  	s22 =	sor.u32 s23, s22;
	s21 =	simm.s32 $0x100;
	[sflag:s16] =	ssyncset.done $0x0  }
.LBB2_3:
0x3d: {  	s22 =	sshrl.u32 s22, $0x3  }
0x3e: {  	[sflag:s16] =	ssyncadd.s32 $0xFFFFC000;
	s23 =	smov.u32 s21;
	s24 =	sadd.s32 $0x80, s21  }
0x3f: {  	p1 =	seq.s32 s21, $0x4E80;
	s21 =	sadd.s32 s7, s22  }
0x40: {  	[tilespmem:s3], [sflag:$0x2] =	stream.linear.gather [hbm4b:s21+s3], $0x80, $0x38;
	[tilespmem:$0x18100] =	vst v63  }
0x41: {  	_ =	swait.ge [sflag:s16], $0x80  }
0x42: {  	[sflag:s16] =	ssyncset.done $0x0  }
0x43: {  	s21 =	sadd.s32 s8, s22;
	[sflag:s16] =	ssyncadd.s32 $0xFFFFFF80  }
0x44: {  	[tilespmem:s17], [sflag:$0x2] =	stream.linear.gather [hbm4b:s21+s3], $0x80, $0x38;
	[tilespmem:$0x18100] =	vst v63  }
0x45: {  	_ =	swait.ge [sflag:s16], $0x80  }
0x46: {  	[sflag:s16] =	ssyncset.done $0x0  }
0x47: {  	[sflag:s16] =	ssyncadd.s32 $0xFFFFFF80  }
0x48: {  	[tilespmem:s18], [sflag:$0x1] =	stream.indirect.gather [hbm4b:s5+s17], $0x80, s3, s17, $0xb8;
	[tilespmem:$0x18100] =	vst v63  }
0x49: {  	_ =	swait.ge [sflag:s19], $0x4000  }
.Ltmp3:
0x4a: {  	[sflag:s19] =	ssyncset.done $0x0;
	(pc) =	sbr.rel @!p1 .LBB2_3-.Ltmp3, $4  }
0x4b: {  	s21 =	sand.u32 $0x7C00, s23;
	[sflag:s19] =	ssyncadd.s32 $0xFFFFC000  }
0x4c: {  	[spmem:s2] =	stream.indirect.scatter.add.f32 [tilespmem:s18], [sflag:$0x2], $0x80, s17, s17, $0xb8;
	[tilespmem:$0x18100] =	vst v63  }
0x4d: {  	s22 =	sand.u32 $0x380, s23;
	s21 =	sadd.s32 s13, s21;
	_ =	swait.ge [sflag:s16], $0x4000  }
0x4e: {  	s22 =	sor.u32 s22, s21;
	s21 =	smov.u32 s24;
	[sflag:s16] =	ssyncset.done $0x0  }
0x4f: {  	s21 =	sshrl.u32 s22, $0x3  }
0x50: {  	[sflag:s16] =	ssyncadd.s32 $0xFFFFC000;
	s22 =	sadd.s32 s7, s21  }
0x51: {  	[tilespmem:s3], [sflag:$0x2] =	stream.linear.gather [hbm4b:s22+s3], $0x80, $0x38;
	[tilespmem:$0x18100] =	vst v63  }
0x52: {  	_ =	swait.ge [sflag:s16], $0x80  }
0x53: {  	[sflag:s16] =	ssyncset.done $0x0  }
0x54: {  	s21 =	sadd.s32 s8, s21;
	[sflag:s16] =	ssyncadd.s32 $0xFFFFFF80  }
0x55: {  	[tilespmem:s17], [sflag:$0x2] =	stream.linear.gather [hbm4b:s21+s3], $0x80, $0x38;
	[tilespmem:$0x18100] =	vst v63  }
0x56: {  	_ =	swait.ge [sflag:s16], $0x80  }
0x57: {  	[sflag:s16] =	ssyncset.done $0x0  }
0x58: {  	[sflag:s16] =	ssyncadd.s32 $0xFFFFFF80  }
0x59: {  	[tilespmem:s18], [sflag:$0x1] =	stream.indirect.gather [hbm4b:s5+s17], $0x80, s3, s17, $0xb8;
	[tilespmem:$0x18100] =	vst v63  }
0x5a: {  	_ =	swait.ge [sflag:s19], $0x4000  }
0x5b: {  	[sflag:s19] =	ssyncset.done $0x0  }
.Ltmp4:
0x5c: {  	[sflag:s19] =	ssyncadd.s32 $0xFFFFC000;
	(pc) =	sbr.rel .LBB2_8-.Ltmp4, $4  }
0x5d: {  	[spmem:s2] =	stream.indirect.scatter.add.f32 [tilespmem:s18], [sflag:$0x2], $0x80, s17, s17, $0xb8;
	[tilespmem:$0x18100] =	vst v63  }
0x5e: {  	_ =	swait.ge [sflag:s16], $0x4000  }
0x5f: {  	[sflag:s16] =	ssyncset.done $0x0  }
0x60: {  	s21 =	smov.u32 s9;
	[sflag:s16] =	ssyncadd.s32 $0xFFFFC000  }
.LBB2_5:
0x61: {  	[tilespmem:s3], [sflag:$0x2] =	stream.linear.gather [hbm4b:s22+s3], $0x80, $0x38;
	[tilespmem:$0x18100] =	vst v63  }
0x62: {  	_ =	swait.ge [sflag:s16], $0x80  }
0x63: {  	[sflag:s16] =	ssyncset.done $0x0  }
0x64: {  	s21 =	sadd.s32 s8, s21;
	[sflag:s16] =	ssyncadd.s32 $0xFFFFFF80  }
0x65: {  	[tilespmem:s17], [sflag:$0x2] =	stream.linear.gather [hbm4b:s21+s3], $0x80, $0x38;
	[tilespmem:$0x18100] =	vst v63  }
0x66: {  	_ =	swait.ge [sflag:s16], $0x80  }
0x67: {  	[sflag:s16] =	ssyncset.done $0x0  }
0x68: {  	[sflag:s16] =	ssyncadd.s32 $0xFFFFFF80  }
0x69: {  	[tilespmem:s18], [sflag:$0x1] =	stream.indirect.gather [hbm4b:s6+s17], $0x80, s3, s17, $0xb8;
	[tilespmem:$0x18100] =	vst v63  }
0x6a: {  	_ =	swait.ge [sflag:s19], $0x4000  }
0x6b: {  	s30 =	simm.s32 $0x80;
	[sflag:s19] =	ssyncset.done $0x0  }
0x6c: {  	s31 =	sand.u32 $0x7C00, s30;
	[sflag:s19] =	ssyncadd.s32 $0xFFFFC000  }
0x6d: {  	[spmem:s2] =	stream.indirect.scatter.add.f32 [tilespmem:s18], [sflag:$0x2], $0x80, s17, s17, $0xb8;
	[tilespmem:$0x18100] =	vst v63  }
0x6e: {  	s23 =	sand.u32 $0x380, s30;
	s22 =	sadd.s32 s13, s31;
	_ =	swait.ge [sflag:s16], $0x4000  }
0x6f: {  	s22 =	sor.u32 s23, s22;
	s21 =	simm.s32 $0x100;
	[sflag:s16] =	ssyncset.done $0x0  }
.LBB2_6:
0x70: {  	s22 =	sshrl.u32 s22, $0x3  }
0x71: {  	[sflag:s16] =	ssyncadd.s32 $0xFFFFC000;
	s23 =	smov.u32 s21;
	s24 =	sadd.s32 $0x80, s21  }
0x72: {  	p1 =	sne.s32 s21, $0x4E80;
	s21 =	sadd.s32 s7, s22  }
0x73: {  	[tilespmem:s3], [sflag:$0x2] =	stream.linear.gather [hbm4b:s21+s3], $0x80, $0x38;
	[tilespmem:$0x18100] =	vst v63  }
0x74: {  	_ =	swait.ge [sflag:s16], $0x80  }
0x75: {  	[sflag:s16] =	ssyncset.done $0x0  }
0x76: {  	s21 =	sadd.s32 s8, s22;
	[sflag:s16] =	ssyncadd.s32 $0xFFFFFF80  }
0x77: {  	[tilespmem:s17], [sflag:$0x2] =	stream.linear.gather [hbm4b:s21+s3], $0x80, $0x38;
	[tilespmem:$0x18100] =	vst v63  }
0x78: {  	_ =	swait.ge [sflag:s16], $0x80  }
0x79: {  	[sflag:s16] =	ssyncset.done $0x0  }
0x7a: {  	[sflag:s16] =	ssyncadd.s32 $0xFFFFFF80  }
0x7b: {  	[tilespmem:s18], [sflag:$0x1] =	stream.indirect.gather [hbm4b:s6+s17], $0x80, s3, s17, $0xb8;
	[tilespmem:$0x18100] =	vst v63  }
0x7c: {  	_ =	swait.ge [sflag:s19], $0x4000  }
.Ltmp5:
0x7d: {  	[sflag:s19] =	ssyncset.done $0x0;
	(pc) =	sbr.rel @p1 .LBB2_6-.Ltmp5, $4  }
0x7e: {  	s21 =	sand.u32 $0x7C00, s23;
	[sflag:s19] =	ssyncadd.s32 $0xFFFFC000  }
0x7f: {  	[spmem:s2] =	stream.indirect.scatter.add.f32 [tilespmem:s18], [sflag:$0x2], $0x80, s17, s17, $0xb8;
	[tilespmem:$0x18100] =	vst v63  }
0x80: {  	s22 =	sand.u32 $0x380, s23;
	s21 =	sadd.s32 s13, s21;
	_ =	swait.ge [sflag:s16], $0x4000  }
0x81: {  	s22 =	sor.u32 s22, s21;
	s21 =	smov.u32 s24;
	[sflag:s16] =	ssyncset.done $0x0  }
.Ltmp6:
0x82: {  	_ = 	snop;
	(pc) =	sbr.rel .LBB2_7-.Ltmp6, $1  }
0x83: {  	_ =	sdelay $0x3  }
.LBB2_9:
0x84: {  	_ =	sfence.sel $0x180000  }
0x85: {  	[bflag:$0x0] =	sbarrier.arrive $0xFFFF  }
0x86: {  	p0 =	sne.s32 s1, $0x0;
	_ =	strace $0x9000004A  }
0x87: {  	s0 =	sadd.s32 @!p0 $0x100000, s0;
	[bflag:$0x2] =	sbarrier.arrive $0xFFFF  }
0x88: {  	[sflag:s0] =	ssyncadd.tile.s32 @!p0 $0x1;
	_ =	shalt  }
.Lfunc_end2:
_tile_overlayer_lowered:
.L_overlay_start_2:
0x89: {  	(tag) =	ssettag $0x2  }
0x8a: {  	s0 =	rddreg [dreg:$0x0];
	s2 =	stileid.u32  }
0x8b: {  	s1 =	rddreg [dreg:$0x1];
	p0 =	sne.s32 s2, $0x0  }
0x8c: {  	s3 =	rddreg [dreg:$0x2];
	[bflag:$0x3] =	sbarrier.arrive $0xFFFF;
	s2 =	simm.s32 @!p0 $0x1C02  }
0x8d: {  	[timem:s3], [sflag:s2] =	dma.local @!p0 [hbm:s0], s1  }
0x8e: {  	s0 =	simm.s32 @!p0 $0x2  }
0x8f: {  	_ =	swait.ge @!p0 [sflag:s0], s1  }
0x90: {  	s1 =	ssub.s32 @!p0 $0x0, s1;
	[sflag:s0] =	ssyncset.done @!p0 $0x0  }
0x91: {  	[sflag:s0] =	ssyncadd.s32 @!p0 s1  }
0x92: {  	[bflag:$0x3] =	sbarrier.arrive $0xFFFF  }
0x93: {  	_ =	shalt  }

// kernel: kernel.19.cloned.1.call-start
scs
__scs_entry_jumppad:
0x0: {  	(pc) =	sbr.rel $0x88, $3  }
0x1: {  	(tag) =	ssettag $0x0;
	lr =	simm.s32 $0x1  }
0x2: {  	[smem:$0x3F96] =	sst lr;
	_ =	strace $0xD0000000  }
0x3: {  	_ = 	snop  }
0x4: {  	_ = 	snop  }
0x5: {  	_ = 	snop  }
0x6: {  	_ = 	snop  }
0x7: {  	_ = 	snop  }
__scs_overlays_trampoline_lowered:
0x8: {  	[smem:$0x3FA5] =	sst s0  }
0x9: {  	[smem:$0x3FA6] =	sst s1  }
0xa: {  	[smem:$0x3FA7] =	sst s2  }
0xb: {  	[smem:$0x3FA8] =	sst s3  }
0xc: {  	[smem:$0x3FA9] =	sst s4  }
0xd: {  	[smem:$0x3FAA] =	sst s5  }
0xe: {  	[smem:$0x3FAB] =	sst s6  }
0xf: {  	[smem:$0x3FAC] =	sst s7  }
0x10: {  	[smem:$0x3FAD] =	sst s8  }
0x11: {  	[smem:$0x3FAE] =	sst s9;
	s0 =	simm.s32 @!p0 $0x0  }
0x12: {  	s1 =	sld [smem:$0x3F94];
	s0 =	simm.s32 @p0 $0x1  }
0x13: {  	[smem:$0x3FAF] =	sst s0;
	s0 =	simm.s32 @!p1 $0x0  }
0x14: {  	s2 =	sld [smem:$0x3F93];
	s0 =	simm.s32 @p1 $0x1  }
0x15: {  	[smem:$0x3FB0] =	sst s0;
	s0 =	simm.s32 @!p2 $0x0  }
0x16: {  	s3 =	sld [smem:$0x3FDB];
	s0 =	simm.s32 @p2 $0x1  }
0x17: {  	s4 =	simm.s32 $0x1BF5;
	[smem:$0x3FB2] =	sst s0  }
0x18: {  	s0 =	sld [smem:$0x3F95];
	_ =	swait.ge [sflag:s4], $0x0  }
0x19: {  	s7 =	sld [smem:$0x3F96]  }
0x1a: {  	s8 =	sadd.s32 $0xFFFFE003, lr  }
0x1b: {  	s9 =	sadd.s32 $0xFFFFFEF7, lr;
	s5 =	simm.s32 $0xFFFFFFFF;
	p2 =	slt.u32 s8, $0xFFFFF086  }
0x1c: {  	p1 =	slt.u32 s9, $0xF7A;
	s5 =	simm.s32 @!p2 $0x0  }
0x1d: {  	s5 =	simm.s32 @p1 $0x1;
	p0 =	seq.s32 s7, s2  }
0x1e: {  	s7 =	smul.u32 @!p0 $0xF7A, s2;
	p2 =	seq.s32 @!p0 s5, $0x0  }
0x1f: {  	s9 =	smul.u32 $0xF7A, s1;
	s8 =	simm.s32 @!p0 $0x1BF5;
	p2 =	por !p2, p0  }
0x20: {  	[sflag:s8] =	ssyncset.s32 @!p0 $0xFFFFF086;
	s6 =	sadd.s32 @!p0 s3, s7;
	s7 =	simm.s32 @!p0 $0x108  }
0x21: {  	s3 =	sadd.s32 s3, s9;
	s6 =	sadd.s32 @!p0 $0x88, s6;
	s7 =	simm.s32 @p2 $0x1082  }
0x22: {  	[simem:s7], [sflag:s8] =	dma.local @!p0 [hbm:s6], $0xF7A  }
0x23: {  	s9 =	sor.u32 $0xD0000000, s2;
	s6 =	simm.s32 $0x108;
	_ =	swait.ge @!p0 [sflag:s8], $0x0  }
0x24: {  	s3 =	sadd.s32 $0x88, s3;
	s6 =	simm.s32 @!p1 $0x1082;
	[sflag:s4] =	ssyncset.s32 $0xFFFFF086  }
0x25: {  	[simem:s6], [sflag:s4] =	dma.local [hbm:s3], $0xF7A  }
0x26: {  	[smem:$0x3F96] =	sst s1;
	(tag) =	ssettag s2;
	_ =	strace s9  }
0x27: {  	s1 =	sld [smem:$0x3FA6]  }
0x28: {  	s2 =	sld [smem:$0x3FA7]  }
0x29: {  	s4 =	sld [smem:$0x3FA9]  }
0x2a: {  	p0 =	seq.s32 s5, $0x0;
	s5 =	sld [smem:$0x3FAA]  }
0x2b: {  	s6 =	sld [smem:$0x3FAB]  }
0x2c: {  	s7 =	sld [smem:$0x3FAC]  }
0x2d: {  	s3 =	simm.s32 $0x108;
	s8 =	sld [smem:$0x3FAD]  }
0x2e: {  	s3 =	simm.s32 @!p0 $0x1082;
	s9 =	sld [smem:$0x3FAE]  }
0x2f: {  	lr =	sadd.s32 s0, s3;
	s0 =	sld [smem:$0x3FA5]  }
0x30: {  	s3 =	sld [smem:$0x3FA8]  }
0x31: {  	[smem:$0x3FB1] =	sst s10  }
0x32: {  	s10 =	sld [smem:$0x3FAF];
	_ =	sdelay $0x3  }
0x33: {  	p0 =	seq.s32 s10, $0x1;
	s10 =	sld [smem:$0x3FB1];
	_ =	sdelay $0x3  }
0x34: {  	[smem:$0x3FB1] =	sst s10  }
0x35: {  	s10 =	sld [smem:$0x3FB0];
	_ =	sdelay $0x3  }
0x36: {  	p1 =	seq.s32 s10, $0x1;
	s10 =	sld [smem:$0x3FB1];
	_ =	sdelay $0x3  }
0x37: {  	[smem:$0x3FB1] =	sst s10  }
0x38: {  	s10 =	sld [smem:$0x3FB2]  }
0x39: {  	_ = 	snop;
	(pc) =	sbr.ind lr, $3  }
0x3a: {  	_ = 	snop  }
0x3b: {  	_ = 	snop  }
0x3c: {  	p2 =	seq.s32 s10, $0x1;
	s10 =	sld [smem:$0x3FB1]  }
0x3d: {  	_ =	shalt  }
0x3e: {  	_ =	shalt  }
0x3f: {  	_ =	shalt  }
0x40: {  	_ =	shalt  }
0x41: {  	_ =	shalt  }
0x42: {  	_ =	shalt  }
0x43: {  	_ =	shalt  }
0x44: {  	_ =	shalt  }
0x45: {  	_ =	shalt  }
0x46: {  	_ =	shalt  }
0x47: {  	_ =	shalt  }
0x48: {  	_ =	shalt  }
0x49: {  	_ =	shalt  }
0x4a: {  	_ =	shalt  }
0x4b: {  	_ =	shalt  }
0x4c: {  	_ =	shalt  }
0x4d: {  	_ =	shalt  }
0x4e: {  	_ =	shalt  }
0x4f: {  	_ =	shalt  }
0x50: {  	_ =	shalt  }
0x51: {  	_ =	shalt  }
0x52: {  	_ =	shalt  }
0x53: {  	_ =	shalt  }
0x54: {  	_ =	shalt  }
0x55: {  	_ =	shalt  }
0x56: {  	_ =	shalt  }
0x57: {  	_ =	shalt  }
0x58: {  	_ =	shalt  }
0x59: {  	_ =	shalt  }
0x5a: {  	_ =	shalt  }
0x5b: {  	_ =	shalt  }
0x5c: {  	_ =	shalt  }
0x5d: {  	_ =	shalt  }
0x5e: {  	_ =	shalt  }
0x5f: {  	_ =	shalt  }
0x60: {  	_ =	shalt  }
0x61: {  	_ =	shalt  }
0x62: {  	_ =	shalt  }
0x63: {  	_ =	shalt  }
0x64: {  	_ =	shalt  }
0x65: {  	_ =	shalt  }
0x66: {  	_ =	shalt  }
0x67: {  	_ =	shalt  }
0x68: {  	_ =	shalt  }
0x69: {  	_ =	shalt  }
0x6a: {  	_ =	shalt  }
0x6b: {  	_ =	shalt  }
0x6c: {  	_ =	shalt  }
0x6d: {  	_ =	shalt  }
0x6e: {  	_ =	shalt  }
0x6f: {  	_ =	shalt  }
0x70: {  	_ =	shalt  }
0x71: {  	_ =	shalt  }
0x72: {  	_ =	shalt  }
0x73: {  	_ =	shalt  }
0x74: {  	_ =	shalt  }
0x75: {  	_ =	shalt  }
0x76: {  	_ =	shalt  }
0x77: {  	_ =	shalt  }
0x78: {  	_ =	shalt  }
0x79: {  	_ =	shalt  }
0x7a: {  	_ =	shalt  }
0x7b: {  	_ =	shalt  }
0x7c: {  	_ =	shalt  }
0x7d: {  	_ =	shalt  }
0x7e: {  	_ =	shalt  }
0x7f: {  	_ =	shalt  }
0x80: {  	_ =	shalt  }
0x81: {  	_ =	shalt  }
0x82: {  	_ =	shalt  }
0x83: {  	_ =	shalt  }
0x84: {  	_ =	shalt  }
0x85: {  	_ =	shalt  }
0x86: {  	_ =	shalt  }
0x87: {  	_ =	shalt  }
.Lfunc_end0:
.L_simem_size_0:
called_computation.2_lowered:
.L_overlay_start_0:
0x88: {  	s2 =	sld [smem:$0x3FD9]  }
0x89: {  	s3 =	sld [smem:$0x3FFE];
	_ =	sdelay $0x1  }
0x8a: {  	s1 =	srdreg.scid  }
0x8b: {  	s0 =	sand.u32 $0x1, s1  }
0x8c: {  	s16 =	sshll.u32 s0, $0xA;
	s2 =	sadd.s32 s3, s2  }
0x8d: {  	s2 =	sadd.s32 s2, s16  }
0x8e: {  	[smem:$0x3FBD] =	sst s2  }
0x8f: {  	_ = 	snop  }
0x90: {  	(tm) =	ssettm $0x1  }
0x91: {  	s17 =	sld [smem:$0x3FFB];
	_ =	sdelay $0x3  }
0x92: {  	_ =	strace s17  }
0x93: {  	s2 =	sld [smem:$0x3FFC];
	_ =	sdelay $0x3  }
0x94: {  	_ =	strace s2  }
0x95: {  	s2 =	sld [smem:$0x3FFD];
	_ =	sdelay $0x3  }
0x96: {  	_ =	strace s2  }
0x97: {  	_ =	strace $0x8FFFFFFF  }
0x98: {  	s18 =	sld [smem:$0x3FDB];
	_ =	sdelay $0x1  }
0x99: {  	s19 =	simm.s32 $_scs_section_size  }
0x9a: {  	s4 =	simm.s32 $_size__tile_overlayer_lowered;
	s5 =	simm.s32 $_tile_overlayer_lowered  }
0x9b: {  	s22 =	simm.s32 $0x1BFF;
	s21 =	sshll.u32 s5, $0x1;
	s2 =	sadd.s32 s19, s18  }
0x9c: {  	s6 =	simm.s32 $0x0;
	s20 =	sshll.u32 s4, $0x1;
	s4 =	sadd.s32 s21, s2  }
0x9d: {  	[timem:s6], [sflag:s22] =	dma.local [hbm:s4], s20  }
0x9e: {  	_ =	swait.ge [sflag:s22], s20  }
0x9f: {  	s3 =	ssub.s32 $0x0, s20;
	[sflag:s22] =	ssyncset.done $0x0  }
0xa0: {  	[sflag:s22] =	ssyncadd.s32 s3;
	_ =	sdelay $0x1  }
0xa1: {  	s23 =	simm.s32 $0x1B8B  }
0xa2: {  	_ =	swait.ge [sflag:s23], $0x1  }
0xa3: {  	[sflag:s23] =	ssyncset.done $0x0  }
0xa4: {  	s25 =	simm.s32 $0x1B8E;
	s24 =	sld [smem:$0x3FFE];
	[sflag:s23] =	ssyncadd.s32 $0xFFFFFFFF  }
0xa5: {  	s26 =	simm.s32 $execute0_lowered;
	[smem:$0x3FD2] =	sst s25  }
0xa6: {  	s4 =	sshll.u32 s26, $0x1;
	_ =	strace $0x8000004C;
	[dreg:$0x1] =	wrdreg $0xFFFFFFFF  }
0xa7: {  	s28 =	simm.s32 $_size_execute0_lowered;
	s2 =	sadd.s32 s2, s4;
	[dreg:$0x0] =	wrdreg $0x0  }
0xa8: {  	s4 =	sshll.u32 s28, $0x1;
	[dreg:$0x2] =	wrdreg s2  }
0xa9: {  	[dreg:$0x3] =	wrdreg s4  }
0xaa: {  	[dreg:$0x4] =	wrdreg $0xC0  }
0xab: {  	_ =	task [dreg:s6], $0x5FFFF  }
0xac: {  	[dreg:$0x1] =	wrdreg $0xFFFFFFFF  }
0xad: {  	[dreg:$0x0] =	wrdreg $0x60  }
0xae: {  	[dreg:$0x2] =	wrdreg s24  }
0xaf: {  	[dreg:$0x3] =	wrdreg $0x41000  }
0xb0: {  	[dreg:$0x4] =	wrdreg $0x9  }
0xb1: {  	_ =	task.clear_ibuf [dreg:s6], $0x5FFFF;
	_ =	strace $0x9000004C  }
0xb2: {  	s29 =	simm.s32 $0x9;
	_ =	strace $0x8000004E  }
0xb3: {  	_ =	swait.ge [sflag:s29], $0x1  }
0xb4: {  	[sflag:s29] =	ssyncadd.s32 $0xFFFFFFFF  }
0xb5: {  	_ =	strace $0x9000004E  }
0xb6: {  	_ =	sfence  }
0xb7: {  	s30 =	sld [smem:$0x0];
	_ =	sdelay $0x2  }
0xb8: {  	s31 =	sshll.u32 s1, $0xD;
	s1 =	sshrl.u32 s1, $0x2  }
0xb9: {  	s3 =	sand.u32 $0x4000, s31;
	s1 =	sadd.s32 s1, s30  }
0xba: {  	s0 =	sor.u32 s3, s0;
	s1 =	sshll.u32 s1, $0x11  }
0xbb: {  	s0 =	sor.u32 s1, s0  }
0xbc: {  	s0 =	sadd.s32 $0x8F2B, s0  }
0xbd: {  	[sflag:s0] =	ssyncadd.remote.s32 $0x1  }
0xbe: {  	_ =	sfence.sel $0xFFFF  }
0xbf: {  	[dreg:$0x0] =	wrdreg $0xFFFFFFFF;
	(pc) =	sbr.abs _section_cstart, $3  }
0xc0: {  	[dreg:$0x1] =	wrdreg $0xFFFFFFFF  }
0xc1: {  	_ =	task.clear_ibuf [dreg:s6], $0x2FFFF;
	_ =	strace $0x9FFFFFFF  }
0xc2: {  	(tm) =	ssettm $0x7FFFFFFF  }
0xc3: {  	_ =	shalt  }
tec
execute0_lowered:
.L_overlay_start_1:
0x0: {  	(tag) =	ssettag $0x1  }
0x1: {  	s10 =	rddreg [dreg:$0x0]  }
0x2: {  	s2 =	rddreg [dreg:$0x1]  }
0x3: {  	s0 =	rddreg [dreg:$0x2]  }
0x4: {  	s3 =	simm.s32 $0x0;
	s1 =	stileid.u32;
	s8 =	srdreg.scid  }
0x5: {  	s17 =	simm.s32 $0x80;
	s18 =	simm.s32 $0x100;
	s19 =	simm.s32 $0x1  }
0x6: {  	s20 =	simm.s32 $0x0;
	[smem:$0x7FF] =	sst s3;
	s4 =	smul.u32 $0x2800, s1  }
0x7: {  	s5 =	sadd.s32 $0x19E00, s10;
	s6 =	sadd.s32 $0x41000, s10;
	s7 =	sadd.s32 $0x5E00, s10  }
0x8: {  	s15 =	sand.u32 $0x1, s8;
	s8 =	sadd.s32 $0xFE00, s10;
	s13 =	smul.u32 $0x50000, s1  }
0x9: {  	s9 =	sadd.s32 $0x90200, s10;
	s31 =	sshll.u32 s1, $0x6;
	_ =	strace $0x8000004D  }
.Ltmp0:
0xa: {  	s12 =	ssub.s32 $0x2, s15;
	p0 =	sne.s32 s15, $0x0;
	(pc) =	sbr.rel .LBB2_1-.Ltmp0, $4  }
0xb: {  	s11 =	sadd.s32 s4, s10;
	s10 =	sadd.s32 $0xB8200, s10;
	s14 =	sshrl.u32 s12, $0x1  }
0xc: {  	s30 =	sshrl.u32 s13, $0x2;
	s13 =	smul.u32 $0x5000, s1;
	s14 =	ssub.s32 s12, s14  }
0xd: {  	s16 =	sadd.s32 s30, s2;
	s11 =	sadd.s32 $0x68200, s11;
	s12 =	sor.u32 $0x1C02, s31  }
0xe: {  	s14 =	smax.u32 s14, $0x1;
	s15 =	sshrl.u32 s16, $0x3;
	s16 =	simm.s32 $0x2  }
.LBB2_7:
0xf: {  	s21 =	sshrl.u32 s22, $0x3  }
0x10: {  	[sflag:s16] =	ssyncadd.s32 $0xFFFFC000;
	s22 =	sadd.s32 s7, s21  }
0x11: {  	[tilespmem:s3], [sflag:$0x2] =	stream.linear.gather [hbm4b:s22+s3], $0x80, $0x38;
	[tilespmem:$0x18100] =	vst v63  }
0x12: {  	_ =	swait.ge [sflag:s16], $0x80  }
0x13: {  	[sflag:s16] =	ssyncset.done $0x0  }
0x14: {  	s21 =	sadd.s32 s8, s21;
	[sflag:s16] =	ssyncadd.s32 $0xFFFFFF80  }
0x15: {  	[tilespmem:s17], [sflag:$0x2] =	stream.linear.gather [hbm4b:s21+s3], $0x80, $0x38;
	[tilespmem:$0x18100] =	vst v63  }
0x16: {  	_ =	swait.ge [sflag:s16], $0x80  }
0x17: {  	[sflag:s16] =	ssyncset.done $0x0  }
0x18: {  	[sflag:s16] =	ssyncadd.s32 $0xFFFFFF80  }
0x19: {  	[tilespmem:s18], [sflag:$0x1] =	stream.indirect.gather [hbm4b:s6+s17], $0x80, s3, s17, $0xb8;
	[tilespmem:$0x18100] =	vst v63  }
0x1a: {  	_ =	swait.ge [sflag:s19], $0x4000  }
0x1b: {  	[sflag:s19] =	ssyncset.done $0x0  }
0x1c: {  	[sflag:s19] =	ssyncadd.s32 $0xFFFFC000  }
0x1d: {  	[spmem:s2] =	stream.indirect.scatter.add.f32 [tilespmem:s18], [sflag:$0x2], $0x80, s17, s17, $0xb8;
	[tilespmem:$0x18100] =	vst v63  }
0x1e: {  	_ =	swait.ge [sflag:s16], $0x4000  }
0x1f: {  	[sflag:s16] =	ssyncset.done $0x0  }
0x20: {  	s21 =	smov.u32 s10;
	[sflag:s16] =	ssyncadd.s32 $0xFFFFC000  }
.LBB2_8:
0x21: {  	s20 =	sadd.s32 $0x1, s20  }
0x22: {  	p1 =	sne.s32 s20, s14  }
.Ltmp1:
0x23: {  	s21 =	sadd.s32 s21, s4;
	[bflag:$0x0] =	sbarrier.arrive $0xFFFF;
	(pc) =	sbr.rel @!p1 .LBB2_9-.Ltmp1, $4  }
0x24: {  	[hbm:s21], [sflag:s12] =	dma.local [spmem:s15], $0x2800  }
0x25: {  	_ =	swait.ge [sflag:s16], $0x2800  }
0x26: {  	[sflag:s16] =	ssyncset.done $0x0  }
0x27: {  	[sflag:s16] =	ssyncadd.s32 $0xFFFFD800  }
.LBB2_1:
0x28: {  	[spmem:s15], [sflag:s12] =	dma.local [hbm:s11], $0x2800  }
.Ltmp2:
0x29: {  	s21 =	sand.u32 $0x7C00, s3;
	_ =	swait.ge [sflag:s16], $0x2800;
	(pc) =	sbr.rel @p0 .LBB2_5-.Ltmp2, $4  }
0x2a: {  	s22 =	sand.u32 $0x380, s3;
	s21 =	sadd.s32 s13, s21;
	[sflag:s16] =	ssyncset.done $0x0  }
0x2b: {  	s21 =	sor.u32 s22, s21;
	[sflag:s16] =	ssyncadd.s32 $0xFFFFD800  }
0x2c: {  	s21 =	sshrl.u32 s21, $0x3;
	[bflag:$0x0] =	sbarrier.arrive $0xFFFF  }
0x2d: {  	s22 =	sadd.s32 s7, s21  }
0x2e: {  	[tilespmem:s3], [sflag:$0x2] =	stream.linear.gather [hbm4b:s22+s3], $0x80, $0x38;
	[tilespmem:$0x18100] =	vst v63  }
0x2f: {  	_ =	swait.ge [sflag:s16], $0x80  }
0x30: {  	[sflag:s16] =	ssyncset.done $0x0  }
0x31: {  	s21 =	sadd.s32 s8, s21;
	[sflag:s16] =	ssyncadd.s32 $0xFFFFFF80  }
0x32: {  	[tilespmem:s17], [sflag:$0x2] =	stream.linear.gather [hbm4b:s21+s3], $0x80, $0x38;
	[tilespmem:$0x18100] =	vst v63  }
0x33: {  	_ =	swait.ge [sflag:s16], $0x80  }
0x34: {  	[sflag:s16] =	ssyncset.done $0x0  }
0x35: {  	[sflag:s16] =	ssyncadd.s32 $0xFFFFFF80  }
0x36: {  	[tilespmem:s18], [sflag:$0x1] =	stream.indirect.gather [hbm4b:s5+s17], $0x80, s3, s17, $0xb8;
	[tilespmem:$0x18100] =	vst v63  }
0x37: {  	_ =	swait.ge [sflag:s19], $0x4000  }
0x38: {  	s30 =	simm.s32 $0x80;
	[sflag:s19] =	ssyncset.done $0x0  }
0x39: {  	s31 =	sand.u32 $0x7C00, s30;
	[sflag:s19] =	ssyncadd.s32 $0xFFFFC000  }
0x3a: {  	[spmem:s2] =	stream.indirect.scatter.add.f32 [tilespmem:s18], [sflag:$0x2], $0x80, s17, s17, $0xb8;
	[tilespmem:$0x18100] =	vst v63  }
0x3b: {  	s23 =	sand.u32 $0x380, s30;
	s22 =	sadd.s32 s13, s31;
	_ =	swait.ge [sflag:s16], $0x4000  }
0x3c: {  	s22 =	sor.u32 s23, s22;
	s21 =	simm.s32 $0x100;
	[sflag:s16] =	ssyncset.done $0x0  }
.LBB2_3:
0x3d: {  	s22 =	sshrl.u32 s22, $0x3  }
0x3e: {  	[sflag:s16] =	ssyncadd.s32 $0xFFFFC000;
	s23 =	smov.u32 s21;
	s24 =	sadd.s32 $0x80, s21  }
0x3f: {  	p1 =	seq.s32 s21, $0x4E80;
	s21 =	sadd.s32 s7, s22  }
0x40: {  	[tilespmem:s3], [sflag:$0x2] =	stream.linear.gather [hbm4b:s21+s3], $0x80, $0x38;
	[tilespmem:$0x18100] =	vst v63  }
0x41: {  	_ =	swait.ge [sflag:s16], $0x80  }
0x42: {  	[sflag:s16] =	ssyncset.done $0x0  }
0x43: {  	s21 =	sadd.s32 s8, s22;
	[sflag:s16] =	ssyncadd.s32 $0xFFFFFF80  }
0x44: {  	[tilespmem:s17], [sflag:$0x2] =	stream.linear.gather [hbm4b:s21+s3], $0x80, $0x38;
	[tilespmem:$0x18100] =	vst v63  }
0x45: {  	_ =	swait.ge [sflag:s16], $0x80  }
0x46: {  	[sflag:s16] =	ssyncset.done $0x0  }
0x47: {  	[sflag:s16] =	ssyncadd.s32 $0xFFFFFF80  }
0x48: {  	[tilespmem:s18], [sflag:$0x1] =	stream.indirect.gather [hbm4b:s5+s17], $0x80, s3, s17, $0xb8;
	[tilespmem:$0x18100] =	vst v63  }
0x49: {  	_ =	swait.ge [sflag:s19], $0x4000  }
.Ltmp3:
0x4a: {  	[sflag:s19] =	ssyncset.done $0x0;
	(pc) =	sbr.rel @!p1 .LBB2_3-.Ltmp3, $4  }
0x4b: {  	s21 =	sand.u32 $0x7C00, s23;
	[sflag:s19] =	ssyncadd.s32 $0xFFFFC000  }
0x4c: {  	[spmem:s2] =	stream.indirect.scatter.add.f32 [tilespmem:s18], [sflag:$0x2], $0x80, s17, s17, $0xb8;
	[tilespmem:$0x18100] =	vst v63  }
0x4d: {  	s22 =	sand.u32 $0x380, s23;
	s21 =	sadd.s32 s13, s21;
	_ =	swait.ge [sflag:s16], $0x4000  }
0x4e: {  	s22 =	sor.u32 s22, s21;
	s21 =	smov.u32 s24;
	[sflag:s16] =	ssyncset.done $0x0  }
0x4f: {  	s21 =	sshrl.u32 s22, $0x3  }
0x50: {  	[sflag:s16] =	ssyncadd.s32 $0xFFFFC000;
	s22 =	sadd.s32 s7, s21  }
0x51: {  	[tilespmem:s3], [sflag:$0x2] =	stream.linear.gather [hbm4b:s22+s3], $0x80, $0x38;
	[tilespmem:$0x18100] =	vst v63  }
0x52: {  	_ =	swait.ge [sflag:s16], $0x80  }
0x53: {  	[sflag:s16] =	ssyncset.done $0x0  }
0x54: {  	s21 =	sadd.s32 s8, s21;
	[sflag:s16] =	ssyncadd.s32 $0xFFFFFF80  }
0x55: {  	[tilespmem:s17], [sflag:$0x2] =	stream.linear.gather [hbm4b:s21+s3], $0x80, $0x38;
	[tilespmem:$0x18100] =	vst v63  }
0x56: {  	_ =	swait.ge [sflag:s16], $0x80  }
0x57: {  	[sflag:s16] =	ssyncset.done $0x0  }
0x58: {  	[sflag:s16] =	ssyncadd.s32 $0xFFFFFF80  }
0x59: {  	[tilespmem:s18], [sflag:$0x1] =	stream.indirect.gather [hbm4b:s5+s17], $0x80, s3, s17, $0xb8;
	[tilespmem:$0x18100] =	vst v63  }
0x5a: {  	_ =	swait.ge [sflag:s19], $0x4000  }
0x5b: {  	[sflag:s19] =	ssyncset.done $0x0  }
.Ltmp4:
0x5c: {  	[sflag:s19] =	ssyncadd.s32 $0xFFFFC000;
	(pc) =	sbr.rel .LBB2_8-.Ltmp4, $4  }
0x5d: {  	[spmem:s2] =	stream.indirect.scatter.add.f32 [tilespmem:s18], [sflag:$0x2], $0x80, s17, s17, $0xb8;
	[tilespmem:$0x18100] =	vst v63  }
0x5e: {  	_ =	swait.ge [sflag:s16], $0x4000  }
0x5f: {  	[sflag:s16] =	ssyncset.done $0x0  }
0x60: {  	s21 =	smov.u32 s9;
	[sflag:s16] =	ssyncadd.s32 $0xFFFFC000  }
.LBB2_5:
0x61: {  	[tilespmem:s3], [sflag:$0x2] =	stream.linear.gather [hbm4b:s22+s3], $0x80, $0x38;
	[tilespmem:$0x18100] =	vst v63  }
0x62: {  	_ =	swait.ge [sflag:s16], $0x80  }
0x63: {  	[sflag:s16] =	ssyncset.done $0x0  }
0x64: {  	s21 =	sadd.s32 s8, s21;
	[sflag:s16] =	ssyncadd.s32 $0xFFFFFF80  }
0x65: {  	[tilespmem:s17], [sflag:$0x2] =	stream.linear.gather [hbm4b:s21+s3], $0x80, $0x38;
	[tilespmem:$0x18100] =	vst v63  }
0x66: {  	_ =	swait.ge [sflag:s16], $0x80  }
0x67: {  	[sflag:s16] =	ssyncset.done $0x0  }
0x68: {  	[sflag:s16] =	ssyncadd.s32 $0xFFFFFF80  }
0x69: {  	[tilespmem:s18], [sflag:$0x1] =	stream.indirect.gather [hbm4b:s6+s17], $0x80, s3, s17, $0xb8;
	[tilespmem:$0x18100] =	vst v63  }
0x6a: {  	_ =	swait.ge [sflag:s19], $0x4000  }
0x6b: {  	s30 =	simm.s32 $0x80;
	[sflag:s19] =	ssyncset.done $0x0  }
0x6c: {  	s31 =	sand.u32 $0x7C00, s30;
	[sflag:s19] =	ssyncadd.s32 $0xFFFFC000  }
0x6d: {  	[spmem:s2] =	stream.indirect.scatter.add.f32 [tilespmem:s18], [sflag:$0x2], $0x80, s17, s17, $0xb8;
	[tilespmem:$0x18100] =	vst v63  }
0x6e: {  	s23 =	sand.u32 $0x380, s30;
	s22 =	sadd.s32 s13, s31;
	_ =	swait.ge [sflag:s16], $0x4000  }
0x6f: {  	s22 =	sor.u32 s23, s22;
	s21 =	simm.s32 $0x100;
	[sflag:s16] =	ssyncset.done $0x0  }
.LBB2_6:
0x70: {  	s22 =	sshrl.u32 s22, $0x3  }
0x71: {  	[sflag:s16] =	ssyncadd.s32 $0xFFFFC000;
	s23 =	smov.u32 s21;
	s24 =	sadd.s32 $0x80, s21  }
0x72: {  	p1 =	sne.s32 s21, $0x4E80;
	s21 =	sadd.s32 s7, s22  }
0x73: {  	[tilespmem:s3], [sflag:$0x2] =	stream.linear.gather [hbm4b:s21+s3], $0x80, $0x38;
	[tilespmem:$0x18100] =	vst v63  }
0x74: {  	_ =	swait.ge [sflag:s16], $0x80  }
0x75: {  	[sflag:s16] =	ssyncset.done $0x0  }
0x76: {  	s21 =	sadd.s32 s8, s22;
	[sflag:s16] =	ssyncadd.s32 $0xFFFFFF80  }
0x77: {  	[tilespmem:s17], [sflag:$0x2] =	stream.linear.gather [hbm4b:s21+s3], $0x80, $0x38;
	[tilespmem:$0x18100] =	vst v63  }
0x78: {  	_ =	swait.ge [sflag:s16], $0x80  }
0x79: {  	[sflag:s16] =	ssyncset.done $0x0  }
0x7a: {  	[sflag:s16] =	ssyncadd.s32 $0xFFFFFF80  }
0x7b: {  	[tilespmem:s18], [sflag:$0x1] =	stream.indirect.gather [hbm4b:s6+s17], $0x80, s3, s17, $0xb8;
	[tilespmem:$0x18100] =	vst v63  }
0x7c: {  	_ =	swait.ge [sflag:s19], $0x4000  }
.Ltmp5:
0x7d: {  	[sflag:s19] =	ssyncset.done $0x0;
	(pc) =	sbr.rel @p1 .LBB2_6-.Ltmp5, $4  }
0x7e: {  	s21 =	sand.u32 $0x7C00, s23;
	[sflag:s19] =	ssyncadd.s32 $0xFFFFC000  }
0x7f: {  	[spmem:s2] =	stream.indirect.scatter.add.f32 [tilespmem:s18], [sflag:$0x2], $0x80, s17, s17, $0xb8;
	[tilespmem:$0x18100] =	vst v63  }
0x80: {  	s22 =	sand.u32 $0x380, s23;
	s21 =	sadd.s32 s13, s21;
	_ =	swait.ge [sflag:s16], $0x4000  }
0x81: {  	s22 =	sor.u32 s22, s21;
	s21 =	smov.u32 s24;
	[sflag:s16] =	ssyncset.done $0x0  }
.Ltmp6:
0x82: {  	_ = 	snop;
	(pc) =	sbr.rel .LBB2_7-.Ltmp6, $1  }
0x83: {  	_ =	sdelay $0x3  }
.LBB2_9:
0x84: {  	_ =	sfence.sel $0x180000  }
0x85: {  	[bflag:$0x0] =	sbarrier.arrive $0xFFFF  }
0x86: {  	p0 =	sne.s32 s1, $0x0;
	_ =	strace $0x9000004D  }
0x87: {  	s0 =	sadd.s32 @!p0 $0x100000, s0;
	[bflag:$0x2] =	sbarrier.arrive $0xFFFF  }
0x88: {  	[sflag:s0] =	ssyncadd.tile.s32 @!p0 $0x1;
	_ =	shalt  }
.Lfunc_end2:
_tile_overlayer_lowered:
.L_overlay_start_2:
0x89: {  	(tag) =	ssettag $0x2  }
0x8a: {  	s0 =	rddreg [dreg:$0x0];
	s2 =	stileid.u32  }
0x8b: {  	s1 =	rddreg [dreg:$0x1];
	p0 =	sne.s32 s2, $0x0  }
0x8c: {  	s3 =	rddreg [dreg:$0x2];
	[bflag:$0x3] =	sbarrier.arrive $0xFFFF;
	s2 =	simm.s32 @!p0 $0x1C02  }
0x8d: {  	[timem:s3], [sflag:s2] =	dma.local @!p0 [hbm:s0], s1  }
0x8e: {  	s0 =	simm.s32 @!p0 $0x2  }
0x8f: {  	_ =	swait.ge @!p0 [sflag:s0], s1  }
0x90: {  	s1 =	ssub.s32 @!p0 $0x0, s1;
	[sflag:s0] =	ssyncset.done @!p0 $0x0  }
0x91: {  	[sflag:s0] =	ssyncadd.s32 @!p0 s1  }
0x92: {  	[bflag:$0x3] =	sbarrier.arrive $0xFFFF  }
0x93: {  	_ =	shalt  }

// kernel: kernel.22.cloned.1.call-start
scs
__scs_entry_jumppad:
0x0: {  	(pc) =	sbr.rel $0x88, $3  }
0x1: {  	(tag) =	ssettag $0x0;
	lr =	simm.s32 $0x1  }
0x2: {  	[smem:$0x3F96] =	sst lr;
	_ =	strace $0xD0000000  }
0x3: {  	_ = 	snop  }
0x4: {  	_ = 	snop  }
0x5: {  	_ = 	snop  }
0x6: {  	_ = 	snop  }
0x7: {  	_ = 	snop  }
__scs_overlays_trampoline_lowered:
0x8: {  	[smem:$0x3FA5] =	sst s0  }
0x9: {  	[smem:$0x3FA6] =	sst s1  }
0xa: {  	[smem:$0x3FA7] =	sst s2  }
0xb: {  	[smem:$0x3FA8] =	sst s3  }
0xc: {  	[smem:$0x3FA9] =	sst s4  }
0xd: {  	[smem:$0x3FAA] =	sst s5  }
0xe: {  	[smem:$0x3FAB] =	sst s6  }
0xf: {  	[smem:$0x3FAC] =	sst s7  }
0x10: {  	[smem:$0x3FAD] =	sst s8  }
0x11: {  	[smem:$0x3FAE] =	sst s9;
	s0 =	simm.s32 @!p0 $0x0  }
0x12: {  	s1 =	sld [smem:$0x3F94];
	s0 =	simm.s32 @p0 $0x1  }
0x13: {  	[smem:$0x3FAF] =	sst s0;
	s0 =	simm.s32 @!p1 $0x0  }
0x14: {  	s2 =	sld [smem:$0x3F93];
	s0 =	simm.s32 @p1 $0x1  }
0x15: {  	[smem:$0x3FB0] =	sst s0;
	s0 =	simm.s32 @!p2 $0x0  }
0x16: {  	s3 =	sld [smem:$0x3FDB];
	s0 =	simm.s32 @p2 $0x1  }
0x17: {  	s4 =	simm.s32 $0x1BF5;
	[smem:$0x3FB2] =	sst s0  }
0x18: {  	s0 =	sld [smem:$0x3F95];
	_ =	swait.ge [sflag:s4], $0x0  }
0x19: {  	s7 =	sld [smem:$0x3F96]  }
0x1a: {  	s8 =	sadd.s32 $0xFFFFE003, lr  }
0x1b: {  	s9 =	sadd.s32 $0xFFFFFEF7, lr;
	s5 =	simm.s32 $0xFFFFFFFF;
	p2 =	slt.u32 s8, $0xFFFFF086  }
0x1c: {  	p1 =	slt.u32 s9, $0xF7A;
	s5 =	simm.s32 @!p2 $0x0  }
0x1d: {  	s5 =	simm.s32 @p1 $0x1;
	p0 =	seq.s32 s7, s2  }
0x1e: {  	s7 =	smul.u32 @!p0 $0xF7A, s2;
	p2 =	seq.s32 @!p0 s5, $0x0  }
0x1f: {  	s9 =	smul.u32 $0xF7A, s1;
	s8 =	simm.s32 @!p0 $0x1BF5;
	p2 =	por !p2, p0  }
0x20: {  	[sflag:s8] =	ssyncset.s32 @!p0 $0xFFFFF086;
	s6 =	sadd.s32 @!p0 s3, s7;
	s7 =	simm.s32 @!p0 $0x108  }
0x21: {  	s3 =	sadd.s32 s3, s9;
	s6 =	sadd.s32 @!p0 $0x88, s6;
	s7 =	simm.s32 @p2 $0x1082  }
0x22: {  	[simem:s7], [sflag:s8] =	dma.local @!p0 [hbm:s6], $0xF7A  }
0x23: {  	s9 =	sor.u32 $0xD0000000, s2;
	s6 =	simm.s32 $0x108;
	_ =	swait.ge @!p0 [sflag:s8], $0x0  }
0x24: {  	s3 =	sadd.s32 $0x88, s3;
	s6 =	simm.s32 @!p1 $0x1082;
	[sflag:s4] =	ssyncset.s32 $0xFFFFF086  }
0x25: {  	[simem:s6], [sflag:s4] =	dma.local [hbm:s3], $0xF7A  }
0x26: {  	[smem:$0x3F96] =	sst s1;
	(tag) =	ssettag s2;
	_ =	strace s9  }
0x27: {  	s1 =	sld [smem:$0x3FA6]  }
0x28: {  	s2 =	sld [smem:$0x3FA7]  }
0x29: {  	s4 =	sld [smem:$0x3FA9]  }
0x2a: {  	p0 =	seq.s32 s5, $0x0;
	s5 =	sld [smem:$0x3FAA]  }
0x2b: {  	s6 =	sld [smem:$0x3FAB]  }
0x2c: {  	s7 =	sld [smem:$0x3FAC]  }
0x2d: {  	s3 =	simm.s32 $0x108;
	s8 =	sld [smem:$0x3FAD]  }
0x2e: {  	s3 =	simm.s32 @!p0 $0x1082;
	s9 =	sld [smem:$0x3FAE]  }
0x2f: {  	lr =	sadd.s32 s0, s3;
	s0 =	sld [smem:$0x3FA5]  }
0x30: {  	s3 =	sld [smem:$0x3FA8]  }
0x31: {  	[smem:$0x3FB1] =	sst s10  }
0x32: {  	s10 =	sld [smem:$0x3FAF];
	_ =	sdelay $0x3  }
0x33: {  	p0 =	seq.s32 s10, $0x1;
	s10 =	sld [smem:$0x3FB1];
	_ =	sdelay $0x3  }
0x34: {  	[smem:$0x3FB1] =	sst s10  }
0x35: {  	s10 =	sld [smem:$0x3FB0];
	_ =	sdelay $0x3  }
0x36: {  	p1 =	seq.s32 s10, $0x1;
	s10 =	sld [smem:$0x3FB1];
	_ =	sdelay $0x3  }
0x37: {  	[smem:$0x3FB1] =	sst s10  }
0x38: {  	s10 =	sld [smem:$0x3FB2]  }
0x39: {  	_ = 	snop;
	(pc) =	sbr.ind lr, $3  }
0x3a: {  	_ = 	snop  }
0x3b: {  	_ = 	snop  }
0x3c: {  	p2 =	seq.s32 s10, $0x1;
	s10 =	sld [smem:$0x3FB1]  }
0x3d: {  	_ =	shalt  }
0x3e: {  	_ =	shalt  }
0x3f: {  	_ =	shalt  }
0x40: {  	_ =	shalt  }
0x41: {  	_ =	shalt  }
0x42: {  	_ =	shalt  }
0x43: {  	_ =	shalt  }
0x44: {  	_ =	shalt  }
0x45: {  	_ =	shalt  }
0x46: {  	_ =	shalt  }
0x47: {  	_ =	shalt  }
0x48: {  	_ =	shalt  }
0x49: {  	_ =	shalt  }
0x4a: {  	_ =	shalt  }
0x4b: {  	_ =	shalt  }
0x4c: {  	_ =	shalt  }
0x4d: {  	_ =	shalt  }
0x4e: {  	_ =	shalt  }
0x4f: {  	_ =	shalt  }
0x50: {  	_ =	shalt  }
0x51: {  	_ =	shalt  }
0x52: {  	_ =	shalt  }
0x53: {  	_ =	shalt  }
0x54: {  	_ =	shalt  }
0x55: {  	_ =	shalt  }
0x56: {  	_ =	shalt  }
0x57: {  	_ =	shalt  }
0x58: {  	_ =	shalt  }
0x59: {  	_ =	shalt  }
0x5a: {  	_ =	shalt  }
0x5b: {  	_ =	shalt  }
0x5c: {  	_ =	shalt  }
0x5d: {  	_ =	shalt  }
0x5e: {  	_ =	shalt  }
0x5f: {  	_ =	shalt  }
0x60: {  	_ =	shalt  }
0x61: {  	_ =	shalt  }
0x62: {  	_ =	shalt  }
0x63: {  	_ =	shalt  }
0x64: {  	_ =	shalt  }
0x65: {  	_ =	shalt  }
0x66: {  	_ =	shalt  }
0x67: {  	_ =	shalt  }
0x68: {  	_ =	shalt  }
0x69: {  	_ =	shalt  }
0x6a: {  	_ =	shalt  }
0x6b: {  	_ =	shalt  }
0x6c: {  	_ =	shalt  }
0x6d: {  	_ =	shalt  }
0x6e: {  	_ =	shalt  }
0x6f: {  	_ =	shalt  }
0x70: {  	_ =	shalt  }
0x71: {  	_ =	shalt  }
0x72: {  	_ =	shalt  }
0x73: {  	_ =	shalt  }
0x74: {  	_ =	shalt  }
0x75: {  	_ =	shalt  }
0x76: {  	_ =	shalt  }
0x77: {  	_ =	shalt  }
0x78: {  	_ =	shalt  }
0x79: {  	_ =	shalt  }
0x7a: {  	_ =	shalt  }
0x7b: {  	_ =	shalt  }
0x7c: {  	_ =	shalt  }
0x7d: {  	_ =	shalt  }
0x7e: {  	_ =	shalt  }
0x7f: {  	_ =	shalt  }
0x80: {  	_ =	shalt  }
0x81: {  	_ =	shalt  }
0x82: {  	_ =	shalt  }
0x83: {  	_ =	shalt  }
0x84: {  	_ =	shalt  }
0x85: {  	_ =	shalt  }
0x86: {  	_ =	shalt  }
0x87: {  	_ =	shalt  }
.Lfunc_end0:
.L_simem_size_0:
called_computation.3_lowered:
.L_overlay_start_0:
0x88: {  	s2 =	sld [smem:$0x3FD9]  }
0x89: {  	s3 =	sld [smem:$0x3FFE];
	_ =	sdelay $0x1  }
0x8a: {  	s1 =	srdreg.scid  }
0x8b: {  	s0 =	sand.u32 $0x1, s1  }
0x8c: {  	s16 =	sshll.u32 s0, $0xA;
	s2 =	sadd.s32 s3, s2  }
0x8d: {  	s2 =	sadd.s32 s2, s16  }
0x8e: {  	[smem:$0x3FBD] =	sst s2  }
0x8f: {  	_ = 	snop  }
0x90: {  	(tm) =	ssettm $0x1  }
0x91: {  	s17 =	sld [smem:$0x3FFB];
	_ =	sdelay $0x3  }
0x92: {  	_ =	strace s17  }
0x93: {  	s2 =	sld [smem:$0x3FFC];
	_ =	sdelay $0x3  }
0x94: {  	_ =	strace s2  }
0x95: {  	s2 =	sld [smem:$0x3FFD];
	_ =	sdelay $0x3  }
0x96: {  	_ =	strace s2  }
0x97: {  	_ =	strace $0x8FFFFFFF  }
0x98: {  	s18 =	sld [smem:$0x3FDB];
	_ =	sdelay $0x1  }
0x99: {  	s19 =	simm.s32 $_scs_section_size  }
0x9a: {  	s4 =	simm.s32 $_size__tile_overlayer_lowered;
	s5 =	simm.s32 $_tile_overlayer_lowered  }
0x9b: {  	s22 =	simm.s32 $0x1BFF;
	s21 =	sshll.u32 s5, $0x1;
	s2 =	sadd.s32 s19, s18  }
0x9c: {  	s6 =	simm.s32 $0x0;
	s20 =	sshll.u32 s4, $0x1;
	s4 =	sadd.s32 s21, s2  }
0x9d: {  	[timem:s6], [sflag:s22] =	dma.local [hbm:s4], s20  }
0x9e: {  	_ =	swait.ge [sflag:s22], s20  }
0x9f: {  	s3 =	ssub.s32 $0x0, s20;
	[sflag:s22] =	ssyncset.done $0x0  }
0xa0: {  	[sflag:s22] =	ssyncadd.s32 s3;
	_ =	sdelay $0x1  }
0xa1: {  	s23 =	simm.s32 $0x1B8B  }
0xa2: {  	_ =	swait.ge [sflag:s23], $0x1  }
0xa3: {  	[sflag:s23] =	ssyncset.done $0x0  }
0xa4: {  	s25 =	simm.s32 $0x1B8E;
	s24 =	sld [smem:$0x3FFE];
	[sflag:s23] =	ssyncadd.s32 $0xFFFFFFFF  }
0xa5: {  	s26 =	simm.s32 $execute0_lowered;
	[smem:$0x3FD2] =	sst s25  }
0xa6: {  	s4 =	sshll.u32 s26, $0x1;
	_ =	strace $0x8000004F;
	[dreg:$0x1] =	wrdreg $0xFFFFFFFF  }
0xa7: {  	s28 =	simm.s32 $_size_execute0_lowered;
	s2 =	sadd.s32 s2, s4;
	[dreg:$0x0] =	wrdreg $0x0  }
0xa8: {  	s4 =	sshll.u32 s28, $0x1;
	[dreg:$0x2] =	wrdreg s2  }
0xa9: {  	[dreg:$0x3] =	wrdreg s4  }
0xaa: {  	[dreg:$0x4] =	wrdreg $0xC0  }
0xab: {  	_ =	task [dreg:s6], $0x5FFFF  }
0xac: {  	[dreg:$0x1] =	wrdreg $0xFFFFFFFF  }
0xad: {  	[dreg:$0x0] =	wrdreg $0x60  }
0xae: {  	[dreg:$0x2] =	wrdreg s24  }
0xaf: {  	[dreg:$0x3] =	wrdreg $0x41000  }
0xb0: {  	[dreg:$0x4] =	wrdreg $0x9  }
0xb1: {  	_ =	task.clear_ibuf [dreg:s6], $0x5FFFF;
	_ =	strace $0x9000004F  }
0xb2: {  	s29 =	simm.s32 $0x9;
	_ =	strace $0x80000051  }
0xb3: {  	_ =	swait.ge [sflag:s29], $0x1  }
0xb4: {  	[sflag:s29] =	ssyncadd.s32 $0xFFFFFFFF  }
0xb5: {  	_ =	strace $0x90000051  }
0xb6: {  	_ =	sfence  }
0xb7: {  	s30 =	sld [smem:$0x0];
	_ =	sdelay $0x2  }
0xb8: {  	s31 =	sshll.u32 s1, $0xD;
	s1 =	sshrl.u32 s1, $0x2  }
0xb9: {  	s3 =	sand.u32 $0x4000, s31;
	s1 =	sadd.s32 s1, s30  }
0xba: {  	s0 =	sor.u32 s3, s0;
	s1 =	sshll.u32 s1, $0x11  }
0xbb: {  	s0 =	sor.u32 s1, s0  }
0xbc: {  	s0 =	sadd.s32 $0x8F2B, s0  }
0xbd: {  	[sflag:s0] =	ssyncadd.remote.s32 $0x1  }
0xbe: {  	_ =	sfence.sel $0xFFFF  }
0xbf: {  	[dreg:$0x0] =	wrdreg $0xFFFFFFFF;
	(pc) =	sbr.abs _section_cstart, $3  }
0xc0: {  	[dreg:$0x1] =	wrdreg $0xFFFFFFFF  }
0xc1: {  	_ =	task.clear_ibuf [dreg:s6], $0x2FFFF;
	_ =	strace $0x9FFFFFFF  }
0xc2: {  	(tm) =	ssettm $0x7FFFFFFF  }
0xc3: {  	_ =	shalt  }
tec
execute0_lowered:
.L_overlay_start_1:
0x0: {  	(tag) =	ssettag $0x1  }
0x1: {  	s10 =	rddreg [dreg:$0x0]  }
0x2: {  	s2 =	rddreg [dreg:$0x1]  }
0x3: {  	s0 =	rddreg [dreg:$0x2]  }
0x4: {  	s3 =	simm.s32 $0x0;
	s1 =	stileid.u32;
	s8 =	srdreg.scid  }
0x5: {  	s17 =	simm.s32 $0x80;
	s18 =	simm.s32 $0x100;
	s19 =	simm.s32 $0x1  }
0x6: {  	s20 =	simm.s32 $0x0;
	[smem:$0x7FF] =	sst s3;
	s4 =	smul.u32 $0x2800, s1  }
0x7: {  	s5 =	sadd.s32 $0x19E00, s10;
	s6 =	sadd.s32 $0x41000, s10;
	s7 =	sadd.s32 $0x5E00, s10  }
0x8: {  	s15 =	sand.u32 $0x1, s8;
	s8 =	sadd.s32 $0xFE00, s10;
	s13 =	smul.u32 $0x50000, s1  }
0x9: {  	s9 =	sadd.s32 $0x90200, s10;
	s31 =	sshll.u32 s1, $0x6;
	_ =	strace $0x80000050  }
.Ltmp0:
0xa: {  	s12 =	ssub.s32 $0x2, s15;
	p0 =	sne.s32 s15, $0x0;
	(pc) =	sbr.rel .LBB2_1-.Ltmp0, $4  }
0xb: {  	s11 =	sadd.s32 s4, s10;
	s10 =	sadd.s32 $0xB8200, s10;
	s14 =	sshrl.u32 s12, $0x1  }
0xc: {  	s30 =	sshrl.u32 s13, $0x2;
	s13 =	smul.u32 $0x5000, s1;
	s14 =	ssub.s32 s12, s14  }
0xd: {  	s16 =	sadd.s32 s30, s2;
	s11 =	sadd.s32 $0x68200, s11;
	s12 =	sor.u32 $0x1C02, s31  }
0xe: {  	s14 =	smax.u32 s14, $0x1;
	s15 =	sshrl.u32 s16, $0x3;
	s16 =	simm.s32 $0x2  }
.LBB2_7:
0xf: {  	s21 =	sshrl.u32 s22, $0x3  }
0x10: {  	[sflag:s16] =	ssyncadd.s32 $0xFFFFC000;
	s22 =	sadd.s32 s7, s21  }
0x11: {  	[tilespmem:s3], [sflag:$0x2] =	stream.linear.gather [hbm4b:s22+s3], $0x80, $0x38;
	[tilespmem:$0x18100] =	vst v63  }
0x12: {  	_ =	swait.ge [sflag:s16], $0x80  }
0x13: {  	[sflag:s16] =	ssyncset.done $0x0  }
0x14: {  	s21 =	sadd.s32 s8, s21;
	[sflag:s16] =	ssyncadd.s32 $0xFFFFFF80  }
0x15: {  	[tilespmem:s17], [sflag:$0x2] =	stream.linear.gather [hbm4b:s21+s3], $0x80, $0x38;
	[tilespmem:$0x18100] =	vst v63  }
0x16: {  	_ =	swait.ge [sflag:s16], $0x80  }
0x17: {  	[sflag:s16] =	ssyncset.done $0x0  }
0x18: {  	[sflag:s16] =	ssyncadd.s32 $0xFFFFFF80  }
0x19: {  	[tilespmem:s18], [sflag:$0x1] =	stream.indirect.gather [hbm4b:s6+s17], $0x80, s3, s17, $0xb8;
	[tilespmem:$0x18100] =	vst v63  }
0x1a: {  	_ =	swait.ge [sflag:s19], $0x4000  }
0x1b: {  	[sflag:s19] =	ssyncset.done $0x0  }
0x1c: {  	[sflag:s19] =	ssyncadd.s32 $0xFFFFC000  }
0x1d: {  	[spmem:s2] =	stream.indirect.scatter.add.f32 [tilespmem:s18], [sflag:$0x2], $0x80, s17, s17, $0xb8;
	[tilespmem:$0x18100] =	vst v63  }
0x1e: {  	_ =	swait.ge [sflag:s16], $0x4000  }
0x1f: {  	[sflag:s16] =	ssyncset.done $0x0  }
0x20: {  	s21 =	smov.u32 s10;
	[sflag:s16] =	ssyncadd.s32 $0xFFFFC000  }
.LBB2_8:
0x21: {  	s20 =	sadd.s32 $0x1, s20  }
0x22: {  	p1 =	sne.s32 s20, s14  }
.Ltmp1:
0x23: {  	s21 =	sadd.s32 s21, s4;
	[bflag:$0x0] =	sbarrier.arrive $0xFFFF;
	(pc) =	sbr.rel @!p1 .LBB2_9-.Ltmp1, $4  }
0x24: {  	[hbm:s21], [sflag:s12] =	dma.local [spmem:s15], $0x2800  }
0x25: {  	_ =	swait.ge [sflag:s16], $0x2800  }
0x26: {  	[sflag:s16] =	ssyncset.done $0x0  }
0x27: {  	[sflag:s16] =	ssyncadd.s32 $0xFFFFD800  }
.LBB2_1:
0x28: {  	[spmem:s15], [sflag:s12] =	dma.local [hbm:s11], $0x2800  }
.Ltmp2:
0x29: {  	s21 =	sand.u32 $0x7C00, s3;
	_ =	swait.ge [sflag:s16], $0x2800;
	(pc) =	sbr.rel @p0 .LBB2_5-.Ltmp2, $4  }
0x2a: {  	s22 =	sand.u32 $0x380, s3;
	s21 =	sadd.s32 s13, s21;
	[sflag:s16] =	ssyncset.done $0x0  }
0x2b: {  	s21 =	sor.u32 s22, s21;
	[sflag:s16] =	ssyncadd.s32 $0xFFFFD800  }
0x2c: {  	s21 =	sshrl.u32 s21, $0x3;
	[bflag:$0x0] =	sbarrier.arrive $0xFFFF  }
0x2d: {  	s22 =	sadd.s32 s7, s21  }
0x2e: {  	[tilespmem:s3], [sflag:$0x2] =	stream.linear.gather [hbm4b:s22+s3], $0x80, $0x38;
	[tilespmem:$0x18100] =	vst v63  }
0x2f: {  	_ =	swait.ge [sflag:s16], $0x80  }
0x30: {  	[sflag:s16] =	ssyncset.done $0x0  }
0x31: {  	s21 =	sadd.s32 s8, s21;
	[sflag:s16] =	ssyncadd.s32 $0xFFFFFF80  }
0x32: {  	[tilespmem:s17], [sflag:$0x2] =	stream.linear.gather [hbm4b:s21+s3], $0x80, $0x38;
	[tilespmem:$0x18100] =	vst v63  }
0x33: {  	_ =	swait.ge [sflag:s16], $0x80  }
0x34: {  	[sflag:s16] =	ssyncset.done $0x0  }
0x35: {  	[sflag:s16] =	ssyncadd.s32 $0xFFFFFF80  }
0x36: {  	[tilespmem:s18], [sflag:$0x1] =	stream.indirect.gather [hbm4b:s5+s17], $0x80, s3, s17, $0xb8;
	[tilespmem:$0x18100] =	vst v63  }
0x37: {  	_ =	swait.ge [sflag:s19], $0x4000  }
0x38: {  	s30 =	simm.s32 $0x80;
	[sflag:s19] =	ssyncset.done $0x0  }
0x39: {  	s31 =	sand.u32 $0x7C00, s30;
	[sflag:s19] =	ssyncadd.s32 $0xFFFFC000  }
0x3a: {  	[spmem:s2] =	stream.indirect.scatter.add.f32 [tilespmem:s18], [sflag:$0x2], $0x80, s17, s17, $0xb8;
	[tilespmem:$0x18100] =	vst v63  }
0x3b: {  	s23 =	sand.u32 $0x380, s30;
	s22 =	sadd.s32 s13, s31;
	_ =	swait.ge [sflag:s16], $0x4000  }
0x3c: {  	s22 =	sor.u32 s23, s22;
	s21 =	simm.s32 $0x100;
	[sflag:s16] =	ssyncset.done $0x0  }
.LBB2_3:
0x3d: {  	s22 =	sshrl.u32 s22, $0x3  }
0x3e: {  	[sflag:s16] =	ssyncadd.s32 $0xFFFFC000;
	s23 =	smov.u32 s21;
	s24 =	sadd.s32 $0x80, s21  }
0x3f: {  	p1 =	seq.s32 s21, $0x4E80;
	s21 =	sadd.s32 s7, s22  }
0x40: {  	[tilespmem:s3], [sflag:$0x2] =	stream.linear.gather [hbm4b:s21+s3], $0x80, $0x38;
	[tilespmem:$0x18100] =	vst v63  }
0x41: {  	_ =	swait.ge [sflag:s16], $0x80  }
0x42: {  	[sflag:s16] =	ssyncset.done $0x0  }
0x43: {  	s21 =	sadd.s32 s8, s22;
	[sflag:s16] =	ssyncadd.s32 $0xFFFFFF80  }
0x44: {  	[tilespmem:s17], [sflag:$0x2] =	stream.linear.gather [hbm4b:s21+s3], $0x80, $0x38;
	[tilespmem:$0x18100] =	vst v63  }
0x45: {  	_ =	swait.ge [sflag:s16], $0x80  }
0x46: {  	[sflag:s16] =	ssyncset.done $0x0  }
0x47: {  	[sflag:s16] =	ssyncadd.s32 $0xFFFFFF80  }
0x48: {  	[tilespmem:s18], [sflag:$0x1] =	stream.indirect.gather [hbm4b:s5+s17], $0x80, s3, s17, $0xb8;
	[tilespmem:$0x18100] =	vst v63  }
0x49: {  	_ =	swait.ge [sflag:s19], $0x4000  }
.Ltmp3:
0x4a: {  	[sflag:s19] =	ssyncset.done $0x0;
	(pc) =	sbr.rel @!p1 .LBB2_3-.Ltmp3, $4  }
0x4b: {  	s21 =	sand.u32 $0x7C00, s23;
	[sflag:s19] =	ssyncadd.s32 $0xFFFFC000  }
0x4c: {  	[spmem:s2] =	stream.indirect.scatter.add.f32 [tilespmem:s18], [sflag:$0x2], $0x80, s17, s17, $0xb8;
	[tilespmem:$0x18100] =	vst v63  }
0x4d: {  	s22 =	sand.u32 $0x380, s23;
	s21 =	sadd.s32 s13, s21;
	_ =	swait.ge [sflag:s16], $0x4000  }
0x4e: {  	s22 =	sor.u32 s22, s21;
	s21 =	smov.u32 s24;
	[sflag:s16] =	ssyncset.done $0x0  }
0x4f: {  	s21 =	sshrl.u32 s22, $0x3  }
0x50: {  	[sflag:s16] =	ssyncadd.s32 $0xFFFFC000;
	s22 =	sadd.s32 s7, s21  }
0x51: {  	[tilespmem:s3], [sflag:$0x2] =	stream.linear.gather [hbm4b:s22+s3], $0x80, $0x38;
	[tilespmem:$0x18100] =	vst v63  }
0x52: {  	_ =	swait.ge [sflag:s16], $0x80  }
0x53: {  	[sflag:s16] =	ssyncset.done $0x0  }
0x54: {  	s21 =	sadd.s32 s8, s21;
	[sflag:s16] =	ssyncadd.s32 $0xFFFFFF80  }
0x55: {  	[tilespmem:s17], [sflag:$0x2] =	stream.linear.gather [hbm4b:s21+s3], $0x80, $0x38;
	[tilespmem:$0x18100] =	vst v63  }
0x56: {  	_ =	swait.ge [sflag:s16], $0x80  }
0x57: {  	[sflag:s16] =	ssyncset.done $0x0  }
0x58: {  	[sflag:s16] =	ssyncadd.s32 $0xFFFFFF80  }
0x59: {  	[tilespmem:s18], [sflag:$0x1] =	stream.indirect.gather [hbm4b:s5+s17], $0x80, s3, s17, $0xb8;
	[tilespmem:$0x18100] =	vst v63  }
0x5a: {  	_ =	swait.ge [sflag:s19], $0x4000  }
0x5b: {  	[sflag:s19] =	ssyncset.done $0x0  }
.Ltmp4:
0x5c: {  	[sflag:s19] =	ssyncadd.s32 $0xFFFFC000;
	(pc) =	sbr.rel .LBB2_8-.Ltmp4, $4  }
0x5d: {  	[spmem:s2] =	stream.indirect.scatter.add.f32 [tilespmem:s18], [sflag:$0x2], $0x80, s17, s17, $0xb8;
	[tilespmem:$0x18100] =	vst v63  }
0x5e: {  	_ =	swait.ge [sflag:s16], $0x4000  }
0x5f: {  	[sflag:s16] =	ssyncset.done $0x0  }
0x60: {  	s21 =	smov.u32 s9;
	[sflag:s16] =	ssyncadd.s32 $0xFFFFC000  }
.LBB2_5:
0x61: {  	[tilespmem:s3], [sflag:$0x2] =	stream.linear.gather [hbm4b:s22+s3], $0x80, $0x38;
	[tilespmem:$0x18100] =	vst v63  }
0x62: {  	_ =	swait.ge [sflag:s16], $0x80  }
0x63: {  	[sflag:s16] =	ssyncset.done $0x0  }
0x64: {  	s21 =	sadd.s32 s8, s21;
	[sflag:s16] =	ssyncadd.s32 $0xFFFFFF80  }
0x65: {  	[tilespmem:s17], [sflag:$0x2] =	stream.linear.gather [hbm4b:s21+s3], $0x80, $0x38;
	[tilespmem:$0x18100] =	vst v63  }
0x66: {  	_ =	swait.ge [sflag:s16], $0x80  }
0x67: {  	[sflag:s16] =	ssyncset.done $0x0  }
0x68: {  	[sflag:s16] =	ssyncadd.s32 $0xFFFFFF80  }
0x69: {  	[tilespmem:s18], [sflag:$0x1] =	stream.indirect.gather [hbm4b:s6+s17], $0x80, s3, s17, $0xb8;
	[tilespmem:$0x18100] =	vst v63  }
0x6a: {  	_ =	swait.ge [sflag:s19], $0x4000  }
0x6b: {  	s30 =	simm.s32 $0x80;
	[sflag:s19] =	ssyncset.done $0x0  }
0x6c: {  	s31 =	sand.u32 $0x7C00, s30;
	[sflag:s19] =	ssyncadd.s32 $0xFFFFC000  }
0x6d: {  	[spmem:s2] =	stream.indirect.scatter.add.f32 [tilespmem:s18], [sflag:$0x2], $0x80, s17, s17, $0xb8;
	[tilespmem:$0x18100] =	vst v63  }
0x6e: {  	s23 =	sand.u32 $0x380, s30;
	s22 =	sadd.s32 s13, s31;
	_ =	swait.ge [sflag:s16], $0x4000  }
0x6f: {  	s22 =	sor.u32 s23, s22;
	s21 =	simm.s32 $0x100;
	[sflag:s16] =	ssyncset.done $0x0  }
.LBB2_6:
0x70: {  	s22 =	sshrl.u32 s22, $0x3  }
0x71: {  	[sflag:s16] =	ssyncadd.s32 $0xFFFFC000;
	s23 =	smov.u32 s21;
	s24 =	sadd.s32 $0x80, s21  }
0x72: {  	p1 =	sne.s32 s21, $0x4E80;
	s21 =	sadd.s32 s7, s22  }
0x73: {  	[tilespmem:s3], [sflag:$0x2] =	stream.linear.gather [hbm4b:s21+s3], $0x80, $0x38;
	[tilespmem:$0x18100] =	vst v63  }
0x74: {  	_ =	swait.ge [sflag:s16], $0x80  }
0x75: {  	[sflag:s16] =	ssyncset.done $0x0  }
0x76: {  	s21 =	sadd.s32 s8, s22;
	[sflag:s16] =	ssyncadd.s32 $0xFFFFFF80  }
0x77: {  	[tilespmem:s17], [sflag:$0x2] =	stream.linear.gather [hbm4b:s21+s3], $0x80, $0x38;
	[tilespmem:$0x18100] =	vst v63  }
0x78: {  	_ =	swait.ge [sflag:s16], $0x80  }
0x79: {  	[sflag:s16] =	ssyncset.done $0x0  }
0x7a: {  	[sflag:s16] =	ssyncadd.s32 $0xFFFFFF80  }
0x7b: {  	[tilespmem:s18], [sflag:$0x1] =	stream.indirect.gather [hbm4b:s6+s17], $0x80, s3, s17, $0xb8;
	[tilespmem:$0x18100] =	vst v63  }
0x7c: {  	_ =	swait.ge [sflag:s19], $0x4000  }
.Ltmp5:
0x7d: {  	[sflag:s19] =	ssyncset.done $0x0;
	(pc) =	sbr.rel @p1 .LBB2_6-.Ltmp5, $4  }
0x7e: {  	s21 =	sand.u32 $0x7C00, s23;
	[sflag:s19] =	ssyncadd.s32 $0xFFFFC000  }
0x7f: {  	[spmem:s2] =	stream.indirect.scatter.add.f32 [tilespmem:s18], [sflag:$0x2], $0x80, s17, s17, $0xb8;
	[tilespmem:$0x18100] =	vst v63  }
0x80: {  	s22 =	sand.u32 $0x380, s23;
	s21 =	sadd.s32 s13, s21;
	_ =	swait.ge [sflag:s16], $0x4000  }
0x81: {  	s22 =	sor.u32 s22, s21;
	s21 =	smov.u32 s24;
	[sflag:s16] =	ssyncset.done $0x0  }
.Ltmp6:
0x82: {  	_ = 	snop;
	(pc) =	sbr.rel .LBB2_7-.Ltmp6, $1  }
0x83: {  	_ =	sdelay $0x3  }
.LBB2_9:
0x84: {  	_ =	sfence.sel $0x180000  }
0x85: {  	[bflag:$0x0] =	sbarrier.arrive $0xFFFF  }
0x86: {  	p0 =	sne.s32 s1, $0x0;
	_ =	strace $0x90000050  }
0x87: {  	s0 =	sadd.s32 @!p0 $0x100000, s0;
	[bflag:$0x2] =	sbarrier.arrive $0xFFFF  }
0x88: {  	[sflag:s0] =	ssyncadd.tile.s32 @!p0 $0x1;
	_ =	shalt  }
.Lfunc_end2:
_tile_overlayer_lowered:
.L_overlay_start_2:
0x89: {  	(tag) =	ssettag $0x2  }
0x8a: {  	s0 =	rddreg [dreg:$0x0];
	s2 =	stileid.u32  }
0x8b: {  	s1 =	rddreg [dreg:$0x1];
	p0 =	sne.s32 s2, $0x0  }
0x8c: {  	s3 =	rddreg [dreg:$0x2];
	[bflag:$0x3] =	sbarrier.arrive $0xFFFF;
	s2 =	simm.s32 @!p0 $0x1C02  }
0x8d: {  	[timem:s3], [sflag:s2] =	dma.local @!p0 [hbm:s0], s1  }
0x8e: {  	s0 =	simm.s32 @!p0 $0x2  }
0x8f: {  	_ =	swait.ge @!p0 [sflag:s0], s1  }
0x90: {  	s1 =	ssub.s32 @!p0 $0x0, s1;
	[sflag:s0] =	ssyncset.done @!p0 $0x0  }
0x91: {  	[sflag:s0] =	ssyncadd.s32 @!p0 s1  }
0x92: {  	[bflag:$0x3] =	sbarrier.arrive $0xFFFF  }
0x93: {  	_ =	shalt  }

// kernel: kernel.25.cloned.1.call-start
scs
__scs_entry_jumppad:
0x0: {  	(pc) =	sbr.rel $0x88, $3  }
0x1: {  	(tag) =	ssettag $0x0;
	lr =	simm.s32 $0x1  }
0x2: {  	[smem:$0x3F96] =	sst lr;
	_ =	strace $0xD0000000  }
0x3: {  	_ = 	snop  }
0x4: {  	_ = 	snop  }
0x5: {  	_ = 	snop  }
0x6: {  	_ = 	snop  }
0x7: {  	_ = 	snop  }
__scs_overlays_trampoline_lowered:
0x8: {  	[smem:$0x3FA5] =	sst s0  }
0x9: {  	[smem:$0x3FA6] =	sst s1  }
0xa: {  	[smem:$0x3FA7] =	sst s2  }
0xb: {  	[smem:$0x3FA8] =	sst s3  }
0xc: {  	[smem:$0x3FA9] =	sst s4  }
0xd: {  	[smem:$0x3FAA] =	sst s5  }
0xe: {  	[smem:$0x3FAB] =	sst s6  }
0xf: {  	[smem:$0x3FAC] =	sst s7  }
0x10: {  	[smem:$0x3FAD] =	sst s8  }
0x11: {  	[smem:$0x3FAE] =	sst s9;
	s0 =	simm.s32 @!p0 $0x0  }
0x12: {  	s1 =	sld [smem:$0x3F94];
	s0 =	simm.s32 @p0 $0x1  }
0x13: {  	[smem:$0x3FAF] =	sst s0;
	s0 =	simm.s32 @!p1 $0x0  }
0x14: {  	s2 =	sld [smem:$0x3F93];
	s0 =	simm.s32 @p1 $0x1  }
0x15: {  	[smem:$0x3FB0] =	sst s0;
	s0 =	simm.s32 @!p2 $0x0  }
0x16: {  	s3 =	sld [smem:$0x3FDB];
	s0 =	simm.s32 @p2 $0x1  }
0x17: {  	s4 =	simm.s32 $0x1BF5;
	[smem:$0x3FB2] =	sst s0  }
0x18: {  	s0 =	sld [smem:$0x3F95];
	_ =	swait.ge [sflag:s4], $0x0  }
0x19: {  	s7 =	sld [smem:$0x3F96]  }
0x1a: {  	s8 =	sadd.s32 $0xFFFFE003, lr  }
0x1b: {  	s9 =	sadd.s32 $0xFFFFFEF7, lr;
	s5 =	simm.s32 $0xFFFFFFFF;
	p2 =	slt.u32 s8, $0xFFFFF086  }
0x1c: {  	p1 =	slt.u32 s9, $0xF7A;
	s5 =	simm.s32 @!p2 $0x0  }
0x1d: {  	s5 =	simm.s32 @p1 $0x1;
	p0 =	seq.s32 s7, s2  }
0x1e: {  	s7 =	smul.u32 @!p0 $0xF7A, s2;
	p2 =	seq.s32 @!p0 s5, $0x0  }
0x1f: {  	s9 =	smul.u32 $0xF7A, s1;
	s8 =	simm.s32 @!p0 $0x1BF5;
	p2 =	por !p2, p0  }
0x20: {  	[sflag:s8] =	ssyncset.s32 @!p0 $0xFFFFF086;
	s6 =	sadd.s32 @!p0 s3, s7;
	s7 =	simm.s32 @!p0 $0x108  }
0x21: {  	s3 =	sadd.s32 s3, s9;
	s6 =	sadd.s32 @!p0 $0x88, s6;
	s7 =	simm.s32 @p2 $0x1082  }
0x22: {  	[simem:s7], [sflag:s8] =	dma.local @!p0 [hbm:s6], $0xF7A  }
0x23: {  	s9 =	sor.u32 $0xD0000000, s2;
	s6 =	simm.s32 $0x108;
	_ =	swait.ge @!p0 [sflag:s8], $0x0  }
0x24: {  	s3 =	sadd.s32 $0x88, s3;
	s6 =	simm.s32 @!p1 $0x1082;
	[sflag:s4] =	ssyncset.s32 $0xFFFFF086  }
0x25: {  	[simem:s6], [sflag:s4] =	dma.local [hbm:s3], $0xF7A  }
0x26: {  	[smem:$0x3F96] =	sst s1;
	(tag) =	ssettag s2;
	_ =	strace s9  }
0x27: {  	s1 =	sld [smem:$0x3FA6]  }
0x28: {  	s2 =	sld [smem:$0x3FA7]  }
0x29: {  	s4 =	sld [smem:$0x3FA9]  }
0x2a: {  	p0 =	seq.s32 s5, $0x0;
	s5 =	sld [smem:$0x3FAA]  }
0x2b: {  	s6 =	sld [smem:$0x3FAB]  }
0x2c: {  	s7 =	sld [smem:$0x3FAC]  }
0x2d: {  	s3 =	simm.s32 $0x108;
	s8 =	sld [smem:$0x3FAD]  }
0x2e: {  	s3 =	simm.s32 @!p0 $0x1082;
	s9 =	sld [smem:$0x3FAE]  }
0x2f: {  	lr =	sadd.s32 s0, s3;
	s0 =	sld [smem:$0x3FA5]  }
0x30: {  	s3 =	sld [smem:$0x3FA8]  }
0x31: {  	[smem:$0x3FB1] =	sst s10  }
0x32: {  	s10 =	sld [smem:$0x3FAF];
	_ =	sdelay $0x3  }
0x33: {  	p0 =	seq.s32 s10, $0x1;
	s10 =	sld [smem:$0x3FB1];
	_ =	sdelay $0x3  }
0x34: {  	[smem:$0x3FB1] =	sst s10  }
0x35: {  	s10 =	sld [smem:$0x3FB0];
	_ =	sdelay $0x3  }
0x36: {  	p1 =	seq.s32 s10, $0x1;
	s10 =	sld [smem:$0x3FB1];
	_ =	sdelay $0x3  }
0x37: {  	[smem:$0x3FB1] =	sst s10  }
0x38: {  	s10 =	sld [smem:$0x3FB2]  }
0x39: {  	_ = 	snop;
	(pc) =	sbr.ind lr, $3  }
0x3a: {  	_ = 	snop  }
0x3b: {  	_ = 	snop  }
0x3c: {  	p2 =	seq.s32 s10, $0x1;
	s10 =	sld [smem:$0x3FB1]  }
0x3d: {  	_ =	shalt  }
0x3e: {  	_ =	shalt  }
0x3f: {  	_ =	shalt  }
0x40: {  	_ =	shalt  }
0x41: {  	_ =	shalt  }
0x42: {  	_ =	shalt  }
0x43: {  	_ =	shalt  }
0x44: {  	_ =	shalt  }
0x45: {  	_ =	shalt  }
0x46: {  	_ =	shalt  }
0x47: {  	_ =	shalt  }
0x48: {  	_ =	shalt  }
0x49: {  	_ =	shalt  }
0x4a: {  	_ =	shalt  }
0x4b: {  	_ =	shalt  }
0x4c: {  	_ =	shalt  }
0x4d: {  	_ =	shalt  }
0x4e: {  	_ =	shalt  }
0x4f: {  	_ =	shalt  }
0x50: {  	_ =	shalt  }
0x51: {  	_ =	shalt  }
0x52: {  	_ =	shalt  }
0x53: {  	_ =	shalt  }
0x54: {  	_ =	shalt  }
0x55: {  	_ =	shalt  }
0x56: {  	_ =	shalt  }
0x57: {  	_ =	shalt  }
0x58: {  	_ =	shalt  }
0x59: {  	_ =	shalt  }
0x5a: {  	_ =	shalt  }
0x5b: {  	_ =	shalt  }
0x5c: {  	_ =	shalt  }
0x5d: {  	_ =	shalt  }
0x5e: {  	_ =	shalt  }
0x5f: {  	_ =	shalt  }
0x60: {  	_ =	shalt  }
0x61: {  	_ =	shalt  }
0x62: {  	_ =	shalt  }
0x63: {  	_ =	shalt  }
0x64: {  	_ =	shalt  }
0x65: {  	_ =	shalt  }
0x66: {  	_ =	shalt  }
0x67: {  	_ =	shalt  }
0x68: {  	_ =	shalt  }
0x69: {  	_ =	shalt  }
0x6a: {  	_ =	shalt  }
0x6b: {  	_ =	shalt  }
0x6c: {  	_ =	shalt  }
0x6d: {  	_ =	shalt  }
0x6e: {  	_ =	shalt  }
0x6f: {  	_ =	shalt  }
0x70: {  	_ =	shalt  }
0x71: {  	_ =	shalt  }
0x72: {  	_ =	shalt  }
0x73: {  	_ =	shalt  }
0x74: {  	_ =	shalt  }
0x75: {  	_ =	shalt  }
0x76: {  	_ =	shalt  }
0x77: {  	_ =	shalt  }
0x78: {  	_ =	shalt  }
0x79: {  	_ =	shalt  }
0x7a: {  	_ =	shalt  }
0x7b: {  	_ =	shalt  }
0x7c: {  	_ =	shalt  }
0x7d: {  	_ =	shalt  }
0x7e: {  	_ =	shalt  }
0x7f: {  	_ =	shalt  }
0x80: {  	_ =	shalt  }
0x81: {  	_ =	shalt  }
0x82: {  	_ =	shalt  }
0x83: {  	_ =	shalt  }
0x84: {  	_ =	shalt  }
0x85: {  	_ =	shalt  }
0x86: {  	_ =	shalt  }
0x87: {  	_ =	shalt  }
.Lfunc_end0:
.L_simem_size_0:
called_computation.4_lowered:
.L_overlay_start_0:
0x88: {  	s2 =	sld [smem:$0x3FD9]  }
0x89: {  	s3 =	sld [smem:$0x3FFE];
	_ =	sdelay $0x1  }
0x8a: {  	s1 =	srdreg.scid  }
0x8b: {  	s0 =	sand.u32 $0x1, s1  }
0x8c: {  	s16 =	sshll.u32 s0, $0xA;
	s2 =	sadd.s32 s3, s2  }
0x8d: {  	s2 =	sadd.s32 s2, s16  }
0x8e: {  	[smem:$0x3FBD] =	sst s2  }
0x8f: {  	_ = 	snop  }
0x90: {  	(tm) =	ssettm $0x1  }
0x91: {  	s17 =	sld [smem:$0x3FFB];
	_ =	sdelay $0x3  }
0x92: {  	_ =	strace s17  }
0x93: {  	s2 =	sld [smem:$0x3FFC];
	_ =	sdelay $0x3  }
0x94: {  	_ =	strace s2  }
0x95: {  	s2 =	sld [smem:$0x3FFD];
	_ =	sdelay $0x3  }
0x96: {  	_ =	strace s2  }
0x97: {  	_ =	strace $0x8FFFFFFF  }
0x98: {  	s18 =	sld [smem:$0x3FDB];
	_ =	sdelay $0x1  }
0x99: {  	s19 =	simm.s32 $_scs_section_size  }
0x9a: {  	s4 =	simm.s32 $_size__tile_overlayer_lowered;
	s5 =	simm.s32 $_tile_overlayer_lowered  }
0x9b: {  	s22 =	simm.s32 $0x1BFF;
	s21 =	sshll.u32 s5, $0x1;
	s2 =	sadd.s32 s19, s18  }
0x9c: {  	s6 =	simm.s32 $0x0;
	s20 =	sshll.u32 s4, $0x1;
	s4 =	sadd.s32 s21, s2  }
0x9d: {  	[timem:s6], [sflag:s22] =	dma.local [hbm:s4], s20  }
0x9e: {  	_ =	swait.ge [sflag:s22], s20  }
0x9f: {  	s3 =	ssub.s32 $0x0, s20;
	[sflag:s22] =	ssyncset.done $0x0  }
0xa0: {  	[sflag:s22] =	ssyncadd.s32 s3;
	_ =	sdelay $0x1  }
0xa1: {  	s23 =	simm.s32 $0x1B8B  }
0xa2: {  	_ =	swait.ge [sflag:s23], $0x1  }
0xa3: {  	[sflag:s23] =	ssyncset.done $0x0  }
0xa4: {  	s25 =	simm.s32 $0x1B8E;
	s24 =	sld [smem:$0x3FFE];
	[sflag:s23] =	ssyncadd.s32 $0xFFFFFFFF  }
0xa5: {  	s26 =	simm.s32 $execute0_lowered;
	[smem:$0x3FD2] =	sst s25  }
0xa6: {  	s4 =	sshll.u32 s26, $0x1;
	_ =	strace $0x80000052;
	[dreg:$0x1] =	wrdreg $0xFFFFFFFF  }
0xa7: {  	s28 =	simm.s32 $_size_execute0_lowered;
	s2 =	sadd.s32 s2, s4;
	[dreg:$0x0] =	wrdreg $0x0  }
0xa8: {  	s4 =	sshll.u32 s28, $0x1;
	[dreg:$0x2] =	wrdreg s2  }
0xa9: {  	[dreg:$0x3] =	wrdreg s4  }
0xaa: {  	[dreg:$0x4] =	wrdreg $0xC0  }
0xab: {  	_ =	task [dreg:s6], $0x5FFFF  }
0xac: {  	[dreg:$0x1] =	wrdreg $0xFFFFFFFF  }
0xad: {  	[dreg:$0x0] =	wrdreg $0x60  }
0xae: {  	[dreg:$0x2] =	wrdreg s24  }
0xaf: {  	[dreg:$0x3] =	wrdreg $0x9  }
0xb0: {  	_ =	task.clear_ibuf [dreg:s6], $0x4FFFF;
	_ =	strace $0x90000052  }
0xb1: {  	s29 =	simm.s32 $0x9;
	_ =	strace $0x80000054  }
0xb2: {  	_ =	swait.ge [sflag:s29], $0x1  }
0xb3: {  	[sflag:s29] =	ssyncadd.s32 $0xFFFFFFFF  }
0xb4: {  	_ =	strace $0x90000054  }
0xb5: {  	_ =	sfence  }
0xb6: {  	s30 =	sld [smem:$0x0];
	_ =	sdelay $0x2  }
0xb7: {  	s31 =	sshll.u32 s1, $0xD;
	s1 =	sshrl.u32 s1, $0x2  }
0xb8: {  	s3 =	sand.u32 $0x4000, s31;
	s1 =	sadd.s32 s1, s30  }
0xb9: {  	s0 =	sor.u32 s3, s0;
	s1 =	sshll.u32 s1, $0x11  }
0xba: {  	s0 =	sor.u32 s1, s0  }
0xbb: {  	s0 =	sadd.s32 $0x8F2B, s0  }
0xbc: {  	[sflag:s0] =	ssyncadd.remote.s32 $0x1  }
0xbd: {  	_ =	sfence.sel $0xFFFF  }
0xbe: {  	[dreg:$0x0] =	wrdreg $0xFFFFFFFF;
	(pc) =	sbr.abs _section_cstart, $3  }
0xbf: {  	[dreg:$0x1] =	wrdreg $0xFFFFFFFF  }
0xc0: {  	_ =	task.clear_ibuf [dreg:s6], $0x2FFFF;
	_ =	strace $0x9FFFFFFF  }
0xc1: {  	(tm) =	ssettm $0x7FFFFFFF  }
tec
execute0_lowered:
.L_overlay_start_1:
0x0: {  	(tag) =	ssettag $0x1  }
0x1: {  	s1 =	srdreg.scid  }
0x2: {  	s0 =	stileid.u32;
	s11 =	sand.u32 $0x1, s1  }
0x3: {  	s30 =	sshll.u32 s0, $0x7;
	s2 =	sshll.u32 s11, $0x6  }
0x4: {  	s10 =	rddreg [dreg:$0x0];
	s9 =	sor.u32 s2, s30  }
0x5: {  	s1 =	rddreg [dreg:$0x1];
	s2 =	simm.s32 $0x0;
	s3 =	sshrl.u32 s9, $0x3  }
0x6: {  	[smem:$0x7FF] =	sst s2;
	s3 =	sadd.s32 s3, s10  }
0x7: {  	_ =	strace $0x80000053;
	s4 =	sadd.s32 $0xE0200, s3;
	s3 =	simm.s32 $0x2  }
0x8: {  	[tilespmem:s2], [sflag:$0x2] =	stream.linear.gather [hbm4b:s4+s2], $0x40, $0x38;
	[tilespmem:$0x2080] =	vst v63  }
0x9: {  	_ =	swait.ge [sflag:s3], $0x40  }
0xa: {  	s6 =	simm.s32 $0x40;
	s7 =	simm.s32 $0x80;
	[sflag:s3] =	ssyncset.done $0x0  }
0xb: {  	s8 =	simm.s32 $0x1;
	s5 =	sadd.s32 $0x5E00, s10;
	[sflag:s3] =	ssyncadd.s32 $0xFFFFFFC0  }
0xc: {  	[tilespmem:s7], [sflag:$0x1] =	stream.indirect.gather [hbm4b:s5+s6], $0x80, s2, s6, $0xb8;
	[tilespmem:$0x2080] =	vst v63  }
0xd: {  	s9 =	sshll.u32 s9, $0x4;
	_ =	swait.ge [sflag:s8], $0x2000  }
0xe: {  	s12 =	sadd.s32 s9, s10;
	[sflag:s8] =	ssyncset.done $0x0  }
0xf: {  	s11 =	ssub.s32 $0x2, s11;
	s9 =	sadd.s32 $0x54200, s12;
	[sflag:s8] =	ssyncadd.s32 $0xFFFFE000  }
0x10: {  	[hbm4b:s9+s2] =	stream.linear.scatter [tilespmem:s7], [sflag:$0x2], $0x2000, $0x38;
	[tilespmem:$0x2080] =	vst v63  }
0x11: {  	s13 =	sshrl.u32 s11, $0x1;
	_ =	swait.ge [sflag:s3], $0x2000  }
0x12: {  	s13 =	ssub.s32 s11, s13;
	[sflag:s3] =	ssyncset.done $0x0  }
0x13: {  	s10 =	sadd.s32 $0x2D000, s10;
	s31 =	smax.u32 s13, $0x1;
	[sflag:s3] =	ssyncadd.s32 $0xFFFFE000  }
0x14: {  	[tilespmem:s7], [sflag:$0x1] =	stream.indirect.gather [hbm4b:s10+s6], $0x80, s2, s6, $0xb8;
	[tilespmem:$0x2080] =	vst v63  }
0x15: {  	p0 =	sne.s32 s31, $0x1;
	_ =	swait.ge [sflag:s8], $0x2000  }
.Ltmp0:
0x16: {  	[sflag:s8] =	ssyncset.done $0x0;
	(pc) =	sbr.rel @!p0 .LBB2_2-.Ltmp0, $4  }
0x17: {  	s11 =	sadd.s32 $0x5C200, s12;
	[sflag:s8] =	ssyncadd.s32 $0xFFFFE000  }
0x18: {  	[hbm4b:s11+s2] =	stream.linear.scatter [tilespmem:s7], [sflag:$0x2], $0x2000, $0x38;
	[tilespmem:$0x2080] =	vst v63  }
0x19: {  	_ =	swait.ge [sflag:s3], $0x2000  }
0x1a: {  	s12 =	sadd.s32 $0xFFFFFFFF, s31;
	[sflag:s3] =	ssyncset.done $0x0  }
.LBB2_1:
0x1b: {  	p0 =	sne.s32 s12, $0x1;
	s12 =	sadd.s32 $0xFFFFFFFF, s12;
	[sflag:s3] =	ssyncadd.s32 $0xFFFFE000  }
0x1c: {  	[tilespmem:s2], [sflag:$0x2] =	stream.linear.gather [hbm4b:s4+s2], $0x40, $0x38;
	[tilespmem:$0x2080] =	vst v63  }
0x1d: {  	_ =	swait.ge [sflag:s3], $0x40  }
0x1e: {  	[sflag:s3] =	ssyncset.done $0x0  }
0x1f: {  	[sflag:s3] =	ssyncadd.s32 $0xFFFFFFC0  }
0x20: {  	[tilespmem:s7], [sflag:$0x1] =	stream.indirect.gather [hbm4b:s5+s6], $0x80, s2, s6, $0xb8;
	[tilespmem:$0x2080] =	vst v63  }
0x21: {  	_ =	swait.ge [sflag:s8], $0x2000  }
0x22: {  	[sflag:s8] =	ssyncset.done $0x0  }
0x23: {  	[sflag:s8] =	ssyncadd.s32 $0xFFFFE000  }
0x24: {  	[hbm4b:s9+s2] =	stream.linear.scatter [tilespmem:s7], [sflag:$0x2], $0x2000, $0x38;
	[tilespmem:$0x2080] =	vst v63  }
0x25: {  	_ =	swait.ge [sflag:s3], $0x2000  }
0x26: {  	[sflag:s3] =	ssyncset.done $0x0  }
0x27: {  	[sflag:s3] =	ssyncadd.s32 $0xFFFFE000  }
0x28: {  	[tilespmem:s7], [sflag:$0x1] =	stream.indirect.gather [hbm4b:s10+s6], $0x80, s2, s6, $0xb8;
	[tilespmem:$0x2080] =	vst v63  }
0x29: {  	_ =	swait.ge [sflag:s8], $0x2000  }
.Ltmp1:
0x2a: {  	[sflag:s8] =	ssyncset.done $0x0;
	(pc) =	sbr.rel @p0 .LBB2_1-.Ltmp1, $4  }
0x2b: {  	[sflag:s8] =	ssyncadd.s32 $0xFFFFE000  }
0x2c: {  	[hbm4b:s11+s2] =	stream.linear.scatter [tilespmem:s7], [sflag:$0x2], $0x2000, $0x38;
	[tilespmem:$0x2080] =	vst v63  }
0x2d: {  	_ =	swait.ge [sflag:s3], $0x2000  }
0x2e: {  	[sflag:s3] =	ssyncset.done $0x0  }
.LBB2_2:
0x2f: {  	[sflag:s3] =	ssyncadd.s32 $0xFFFFE000  }
0x30: {  	_ =	sfence.sel $0x180000  }
0x31: {  	[bflag:$0x0] =	sbarrier.arrive $0xFFFF  }
0x32: {  	p0 =	sne.s32 s0, $0x0;
	_ =	strace $0x90000053  }
0x33: {  	s0 =	sadd.s32 @!p0 $0x100000, s1;
	[bflag:$0x2] =	sbarrier.arrive $0xFFFF  }
0x34: {  	[sflag:s0] =	ssyncadd.tile.s32 @!p0 $0x1;
	_ =	shalt  }
.Lfunc_end2:
_tile_overlayer_lowered:
.L_overlay_start_2:
0x35: {  	(tag) =	ssettag $0x2  }
0x36: {  	s0 =	rddreg [dreg:$0x0];
	s2 =	stileid.u32  }
0x37: {  	s1 =	rddreg [dreg:$0x1];
	p0 =	sne.s32 s2, $0x0  }
0x38: {  	s3 =	rddreg [dreg:$0x2];
	[bflag:$0x3] =	sbarrier.arrive $0xFFFF;
	s2 =	simm.s32 @!p0 $0x1C02  }
0x39: {  	[timem:s3], [sflag:s2] =	dma.local @!p0 [hbm:s0], s1  }
0x3a: {  	s0 =	simm.s32 @!p0 $0x2  }
0x3b: {  	_ =	swait.ge @!p0 [sflag:s0], s1  }
0x3c: {  	s1 =	ssub.s32 @!p0 $0x0, s1;
	[sflag:s0] =	ssyncset.done @!p0 $0x0  }
0x3d: {  	[sflag:s0] =	ssyncadd.s32 @!p0 s1  }
0x3e: {  	[bflag:$0x3] =	sbarrier.arrive $0xFFFF  }
0x3f: {  	_ =	shalt  }

</sc_bundles>
